<compile_context>
chip_gen: v7x
topology: tpu7x:2x2x1
jax: 0.10.2.dev20260603
libtpu: 0.0.44.dev20260713+nightly
codegen_flags: <defaults>
</compile_context>

<pallas_src>
import functools

import jax
import jax.numpy as jnp
from jax import lax
from jax.experimental import pallas as pl
from jax.experimental.pallas import tpu as pltpu
from jax.experimental.pallas import tpu_sc as plsc

EMB = 32
NB = 16
PAD = 17


def _embed_t(x_ids, table):
    batch, seq = x_ids.shape
    info = plsc.get_sparse_core_info()
    ncores, nsub = info.num_cores, info.num_subcores
    nw = ncores * nsub
    rpw = batch // nw
    nblk = rpw // NB
    se = seq * EMB

    mesh = plsc.VectorSubcoreMesh(core_axis_name="c", subcore_axis_name="s")

    @functools.partial(
        pl.kernel,
        out_type=jax.ShapeDtypeStruct((se, batch), jnp.float32),
        mesh=mesh,
        scratch_types=[
            pltpu.VMEM((rpw, seq), jnp.int32),
            pltpu.VMEM((NB * seq, EMB), jnp.float32),
            pltpu.VMEM((NB * seq, EMB), jnp.float32),
            pltpu.VMEM((se, PAD), jnp.float32),
            pltpu.SemaphoreType.DMA,
            pltpu.SemaphoreType.DMA,
        ],
        compiler_params=pltpu.CompilerParams(
            use_tc_tiling_on_sc=False, needs_layout_passes=False
        ),
    )
    def body(idx_hbm, table_hbm, out_hbm, idx_v, rows_a, rows_b, plane,
             sem_a, sem_b):
        wid = lax.axis_index("s") * ncores + lax.axis_index("c")
        r0 = wid * rpw
        pltpu.sync_copy(idx_hbm.at[pl.ds(r0, rpw), :], idx_v)

        def fire(k, rows, sem):
            for b in range(NB):
                pltpu.async_copy(
                    table_hbm.at[idx_v.at[k * NB + b]],
                    rows.at[pl.ds(b * seq, seq), :],
                    sem,
                )

        def drain(k, rows, sem):
            for b in range(NB):
                pltpu.make_async_copy(
                    table_hbm.at[idx_v.at[k * NB + b]],
                    rows.at[pl.ds(b * seq, seq), :],
                    sem,
                ).wait()

        lane = lax.iota(jnp.int32, 16)
        bsplat = [jnp.full((16,), b, jnp.int32) for b in range(NB)]

        def consume(k, rows, sem):
            drain(k, rows, sem)

            @plsc.parallel_loop(0, seq, unroll=2)
            def _(s):
                ids_lo = lane + s * EMB
                ids_hi = ids_lo + 16
                for b in range(NB):
                    j = b * seq + s
                    v0 = rows[j, pl.ds(0, 16)]
                    v1 = rows[j, pl.ds(16, 16)]
                    plsc.store_scatter(plane, [ids_lo, bsplat[b]], v0)
                    plsc.store_scatter(plane, [ids_hi, bsplat[b]], v1)

            pltpu.sync_copy(
                plane.at[:, pl.ds(0, NB)],
                out_hbm.at[:, pl.ds(r0 + k * NB, NB)],
            )

        fire(0, rows_a, sem_a)

        @pl.loop(0, nblk)
        def _(k):
            h = lax.rem(k, 2)

            @pl.when(h == 0)
            def _():
                @pl.when(k + 1 < nblk)
                def _():
                    fire(k + 1, rows_b, sem_b)

                consume(k, rows_a, sem_a)

            @pl.when(h == 1)
            def _():
                @pl.when(k + 1 < nblk)
                def _():
                    fire(k + 1, rows_a, sem_a)

                consume(k, rows_b, sem_b)

    return body(x_ids, table)


def kernel(x_ids, table):
    batch, seq = x_ids.shape
    out = _embed_t(x_ids.astype(jnp.int32), table)
    return jnp.transpose(out.reshape(seq, EMB, batch), (2, 0, 1))

# --- scband reference (transcript-rebuilt; emitter-appended) ---
"""Pipeline reference for scband-one-hot-embedder-59777354826240 (READ-ONLY COPY).

The authoritative reference and input builder live on the scoring server;
editing this copy changes nothing except your own understanding.
"""

import jax, jax.numpy as jnp
import numpy as np

VOC_DIM = 1000000
EMB_DIM = 32
PAD_IDX = 1

def setup_inputs(seed: int = 0) -> dict:
    key = jax.random.key(seed)
    k_idx, k_emb = jax.random.split(key)
    x_ids = jax.random.randint(k_idx, (16384, 50), 0, VOC_DIM, dtype=jnp.int64)
    # Embedding table; padding row zeroed (as torch.nn.Embedding with padding_idx)
    table = jax.random.normal(k_emb, (VOC_DIM, EMB_DIM), dtype=jnp.float32) * 0.1
    table = table.at[PAD_IDX].set(0.0)
    return {"x_ids": x_ids, "table": table}

def reference(x_ids, table):
    # OneHotEmbedder.forward: embedding lookup (gather)
    return jnp.take(table, x_ids, axis=0)

if __name__ == "__main__":
    import jax
    _d = setup_inputs()
    print(jax.jit(kernel)(*tuple(_d.values())))

</pallas_src>

<mosaic_0001>
#map = affine_map<(d0, d1) -> (0, 0)>
module attributes {stable_mosaic.version = 14 : i64} {
  func.func @body(%arg0: i32, %arg1: i32, %arg2: memref<16384x50xi32, #tpu.memory_space<hbm>>, %arg3: memref<1000000x32xf32, #tpu.memory_space<hbm>>, %arg4: memref<1600x16384xf32, #tpu.memory_space<hbm>>, %arg5: memref<512x50xi32, #tpu.memory_space<vmem>>, %arg6: memref<800x32xf32, #tpu.memory_space<vmem>>, %arg7: memref<800x32xf32, #tpu.memory_space<vmem>>, %arg8: memref<1600x17xf32, #tpu.memory_space<vmem>>, %arg9: memref<!tpu.dma_semaphore, #tpu.memory_space<semaphore_mem>>, %arg10: memref<!tpu.dma_semaphore, #tpu.memory_space<semaphore_mem>>) attributes {dimension_semantics = [#tpu.dimension_semantics<core_parallel>, #tpu.dimension_semantics<subcore_parallel>], iteration_bounds = array<i64: 2, 16>, scalar_prefetch = 0 : i64, scratch_operands = 6 : i64, tpu.core_type = #tpu.core_type<sc_vector_subcore>, window_params = [{transform_indices = #map}, {transform_indices = #map}, {transform_indices = #map}]} {
    %mul3A = arith.constant 2 : i32
    %mul3A_0 = arith.muli %arg1, %mul3A : i32
    %add3A = arith.addi %mul3A_0, %arg0 : i32
    %mul3A_1 = arith.constant 512 : i32
    %mul3A_2 = arith.muli %add3A, %mul3A_1 : i32
    "tpu.region"() ({
      %run_scoped3A = tpu.sem_alloc : memref<!tpu.dma_semaphore, #tpu.memory_space<semaphore_mem>>
      %dma_start3A_197 = arith.constant 0 : i32
      %dma_start3A_198 = tpu.memref_slice %arg2[%mul3A_2, %dma_start3A_197] : memref<16384x50xi32, #tpu.memory_space<hbm>> -> memref<512x50xi32, #tpu.memory_space<hbm>>
      %dma_start3A_199 = arith.constant 0 : i32
      %dma_start3A_200 = tpu.memref_slice %arg2[%mul3A_2, %dma_start3A_199] : memref<16384x50xi32, #tpu.memory_space<hbm>> -> memref<512x50xi32, #tpu.memory_space<hbm>>
      tpu.enqueue_dma source(%dma_start3A_200 : memref<512x50xi32, #tpu.memory_space<hbm>>) target(%arg5 : memref<512x50xi32, #tpu.memory_space<vmem>>) target_semaphore(%run_scoped3A : memref<!tpu.dma_semaphore, #tpu.memory_space<semaphore_mem>>)
      %dma_wait3A = arith.constant 0 : i32
      %dma_wait3A_201 = tpu.memref_slice %arg2[%mul3A_2, %dma_wait3A] : memref<16384x50xi32, #tpu.memory_space<hbm>> -> memref<512x50xi32, #tpu.memory_space<hbm>>
      %dma_wait3A_202 = arith.constant 0 : i32
      %dma_wait3A_203 = tpu.memref_slice %arg2[%mul3A_2, %dma_wait3A_202] : memref<16384x50xi32, #tpu.memory_space<hbm>> -> memref<512x50xi32, #tpu.memory_space<hbm>>
      tpu.wait_dma2 semaphore(%run_scoped3A : memref<!tpu.dma_semaphore, #tpu.memory_space<semaphore_mem>>) src(%dma_wait3A_203 : memref<512x50xi32, #tpu.memory_space<hbm>>) dst(%arg5 : memref<512x50xi32, #tpu.memory_space<vmem>>)
      tpu.yield
    }) : () -> ()
    %iota3A = tpu.iota {dimensions = array<i32: 0>} : vector<16xi32>
    %broadcast_in_dim3A = arith.constant 0 : i32
    %broadcast_in_dim3A_3 = vector.broadcast %broadcast_in_dim3A : i32 to vector<16xi32>
    %broadcast_in_dim3A_4 = arith.constant 1 : i32
    %broadcast_in_dim3A_5 = vector.broadcast %broadcast_in_dim3A_4 : i32 to vector<16xi32>
    %broadcast_in_dim3A_6 = arith.constant 2 : i32
    %broadcast_in_dim3A_7 = vector.broadcast %broadcast_in_dim3A_6 : i32 to vector<16xi32>
    %broadcast_in_dim3A_8 = arith.constant 3 : i32
    %broadcast_in_dim3A_9 = vector.broadcast %broadcast_in_dim3A_8 : i32 to vector<16xi32>
    %broadcast_in_dim3A_10 = arith.constant 4 : i32
    %broadcast_in_dim3A_11 = vector.broadcast %broadcast_in_dim3A_10 : i32 to vector<16xi32>
    %broadcast_in_dim3A_12 = arith.constant 5 : i32
    %broadcast_in_dim3A_13 = vector.broadcast %broadcast_in_dim3A_12 : i32 to vector<16xi32>
    %broadcast_in_dim3A_14 = arith.constant 6 : i32
    %broadcast_in_dim3A_15 = vector.broadcast %broadcast_in_dim3A_14 : i32 to vector<16xi32>
    %broadcast_in_dim3A_16 = arith.constant 7 : i32
    %broadcast_in_dim3A_17 = vector.broadcast %broadcast_in_dim3A_16 : i32 to vector<16xi32>
    %broadcast_in_dim3A_18 = arith.constant 8 : i32
    %broadcast_in_dim3A_19 = vector.broadcast %broadcast_in_dim3A_18 : i32 to vector<16xi32>
    %broadcast_in_dim3A_20 = arith.constant 9 : i32
    %broadcast_in_dim3A_21 = vector.broadcast %broadcast_in_dim3A_20 : i32 to vector<16xi32>
    %broadcast_in_dim3A_22 = arith.constant 10 : i32
    %broadcast_in_dim3A_23 = vector.broadcast %broadcast_in_dim3A_22 : i32 to vector<16xi32>
    %broadcast_in_dim3A_24 = arith.constant 11 : i32
    %broadcast_in_dim3A_25 = vector.broadcast %broadcast_in_dim3A_24 : i32 to vector<16xi32>
    %broadcast_in_dim3A_26 = arith.constant 12 : i32
    %broadcast_in_dim3A_27 = vector.broadcast %broadcast_in_dim3A_26 : i32 to vector<16xi32>
    %broadcast_in_dim3A_28 = arith.constant 13 : i32
    %broadcast_in_dim3A_29 = vector.broadcast %broadcast_in_dim3A_28 : i32 to vector<16xi32>
    %broadcast_in_dim3A_30 = arith.constant 14 : i32
    %broadcast_in_dim3A_31 = vector.broadcast %broadcast_in_dim3A_30 : i32 to vector<16xi32>
    %broadcast_in_dim3A_32 = arith.constant 15 : i32
    %broadcast_in_dim3A_33 = vector.broadcast %broadcast_in_dim3A_32 : i32 to vector<16xi32>
    %dma_start3A = arith.constant 0 : i32
    %dma_start3A_34 = arith.constant 0 : i32
    %dma_start3A_35 = arith.constant 0 : i32
    %dma_start3A_36 = tpu.memref_slice %arg6[%dma_start3A_34, %dma_start3A_35] : memref<800x32xf32, #tpu.memory_space<vmem>> -> memref<50x32xf32, #tpu.memory_space<vmem>>
    %dma_start3A_37 = arith.constant 0 : i32
    %dma_start3A_38 = tpu.memref_slice %arg5[%dma_start3A, %dma_start3A_37] : memref<512x50xi32, #tpu.memory_space<vmem>> -> memref<1x50xi32, #tpu.memory_space<vmem>>
    %dma_start3A_39 = tpu.memref_squeeze %dma_start3A_38 : memref<1x50xi32, #tpu.memory_space<vmem>> -> memref<50xi32, #tpu.memory_space<vmem>>
    %dma_start3A_40 = arith.constant 0 : i32
    %dma_start3A_41 = arith.constant 0 : i32
    %dma_start3A_42 = tpu.memref_slice %arg3[%dma_start3A_40, %dma_start3A_41] : memref<1000000x32xf32, #tpu.memory_space<hbm>> -> memref<1000000x32xf32, #tpu.memory_space<hbm>>
    tpu.enqueue_indirect_dma source(%dma_start3A_42 : memref<1000000x32xf32, #tpu.memory_space<hbm>>) target(%dma_start3A_36 : memref<50x32xf32, #tpu.memory_space<vmem>>) offsets(%dma_start3A_39 : memref<50xi32, #tpu.memory_space<vmem>>) semaphore(%arg9 : memref<!tpu.dma_semaphore, #tpu.memory_space<semaphore_mem>>)
    %dma_start3A_43 = arith.constant 1 : i32
    %dma_start3A_44 = arith.constant 50 : i32
    %dma_start3A_45 = arith.constant 0 : i32
    %dma_start3A_46 = tpu.memref_slice %arg6[%dma_start3A_44, %dma_start3A_45] : memref<800x32xf32, #tpu.memory_space<vmem>> -> memref<50x32xf32, #tpu.memory_space<vmem>>
    %dma_start3A_47 = arith.constant 0 : i32
    %dma_start3A_48 = tpu.memref_slice %arg5[%dma_start3A_43, %dma_start3A_47] : memref<512x50xi32, #tpu.memory_space<vmem>> -> memref<1x50xi32, #tpu.memory_space<vmem>>
    %dma_start3A_49 = tpu.memref_squeeze %dma_start3A_48 : memref<1x50xi32, #tpu.memory_space<vmem>> -> memref<50xi32, #tpu.memory_space<vmem>>
    %dma_start3A_50 = arith.constant 0 : i32
    %dma_start3A_51 = arith.constant 0 : i32
    %dma_start3A_52 = tpu.memref_slice %arg3[%dma_start3A_50, %dma_start3A_51] : memref<1000000x32xf32, #tpu.memory_space<hbm>> -> memref<1000000x32xf32, #tpu.memory_space<hbm>>
    tpu.enqueue_indirect_dma source(%dma_start3A_52 : memref<1000000x32xf32, #tpu.memory_space<hbm>>) target(%dma_start3A_46 : memref<50x32xf32, #tpu.memory_space<vmem>>) offsets(%dma_start3A_49 : memref<50xi32, #tpu.memory_space<vmem>>) semaphore(%arg9 : memref<!tpu.dma_semaphore, #tpu.memory_space<semaphore_mem>>)
    %dma_start3A_53 = arith.constant 2 : i32
    %dma_start3A_54 = arith.constant 100 : i32
    %dma_start3A_55 = arith.constant 0 : i32
    %dma_start3A_56 = tpu.memref_slice %arg6[%dma_start3A_54, %dma_start3A_55] : memref<800x32xf32, #tpu.memory_space<vmem>> -> memref<50x32xf32, #tpu.memory_space<vmem>>
    %dma_start3A_57 = arith.constant 0 : i32
    %dma_start3A_58 = tpu.memref_slice %arg5[%dma_start3A_53, %dma_start3A_57] : memref<512x50xi32, #tpu.memory_space<vmem>> -> memref<1x50xi32, #tpu.memory_space<vmem>>
    %dma_start3A_59 = tpu.memref_squeeze %dma_start3A_58 : memref<1x50xi32, #tpu.memory_space<vmem>> -> memref<50xi32, #tpu.memory_space<vmem>>
    %dma_start3A_60 = arith.constant 0 : i32
    %dma_start3A_61 = arith.constant 0 : i32
    %dma_start3A_62 = tpu.memref_slice %arg3[%dma_start3A_60, %dma_start3A_61] : memref<1000000x32xf32, #tpu.memory_space<hbm>> -> memref<1000000x32xf32, #tpu.memory_space<hbm>>
    tpu.enqueue_indirect_dma source(%dma_start3A_62 : memref<1000000x32xf32, #tpu.memory_space<hbm>>) target(%dma_start3A_56 : memref<50x32xf32, #tpu.memory_space<vmem>>) offsets(%dma_start3A_59 : memref<50xi32, #tpu.memory_space<vmem>>) semaphore(%arg9 : memref<!tpu.dma_semaphore, #tpu.memory_space<semaphore_mem>>)
    %dma_start3A_63 = arith.constant 3 : i32
    %dma_start3A_64 = arith.constant 150 : i32
    %dma_start3A_65 = arith.constant 0 : i32
    %dma_start3A_66 = tpu.memref_slice %arg6[%dma_start3A_64, %dma_start3A_65] : memref<800x32xf32, #tpu.memory_space<vmem>> -> memref<50x32xf32, #tpu.memory_space<vmem>>
    %dma_start3A_67 = arith.constant 0 : i32
    %dma_start3A_68 = tpu.memref_slice %arg5[%dma_start3A_63, %dma_start3A_67] : memref<512x50xi32, #tpu.memory_space<vmem>> -> memref<1x50xi32, #tpu.memory_space<vmem>>
    %dma_start3A_69 = tpu.memref_squeeze %dma_start3A_68 : memref<1x50xi32, #tpu.memory_space<vmem>> -> memref<50xi32, #tpu.memory_space<vmem>>
    %dma_start3A_70 = arith.constant 0 : i32
    %dma_start3A_71 = arith.constant 0 : i32
    %dma_start3A_72 = tpu.memref_slice %arg3[%dma_start3A_70, %dma_start3A_71] : memref<1000000x32xf32, #tpu.memory_space<hbm>> -> memref<1000000x32xf32, #tpu.memory_space<hbm>>
    tpu.enqueue_indirect_dma source(%dma_start3A_72 : memref<1000000x32xf32, #tpu.memory_space<hbm>>) target(%dma_start3A_66 : memref<50x32xf32, #tpu.memory_space<vmem>>) offsets(%dma_start3A_69 : memref<50xi32, #tpu.memory_space<vmem>>) semaphore(%arg9 : memref<!tpu.dma_semaphore, #tpu.memory_space<semaphore_mem>>)
    %dma_start3A_73 = arith.constant 4 : i32
    %dma_start3A_74 = arith.constant 200 : i32
    %dma_start3A_75 = arith.constant 0 : i32
    %dma_start3A_76 = tpu.memref_slice %arg6[%dma_start3A_74, %dma_start3A_75] : memref<800x32xf32, #tpu.memory_space<vmem>> -> memref<50x32xf32, #tpu.memory_space<vmem>>
    %dma_start3A_77 = arith.constant 0 : i32
    %dma_start3A_78 = tpu.memref_slice %arg5[%dma_start3A_73, %dma_start3A_77] : memref<512x50xi32, #tpu.memory_space<vmem>> -> memref<1x50xi32, #tpu.memory_space<vmem>>
    %dma_start3A_79 = tpu.memref_squeeze %dma_start3A_78 : memref<1x50xi32, #tpu.memory_space<vmem>> -> memref<50xi32, #tpu.memory_space<vmem>>
    %dma_start3A_80 = arith.constant 0 : i32
    %dma_start3A_81 = arith.constant 0 : i32
    %dma_start3A_82 = tpu.memref_slice %arg3[%dma_start3A_80, %dma_start3A_81] : memref<1000000x32xf32, #tpu.memory_space<hbm>> -> memref<1000000x32xf32, #tpu.memory_space<hbm>>
    tpu.enqueue_indirect_dma source(%dma_start3A_82 : memref<1000000x32xf32, #tpu.memory_space<hbm>>) target(%dma_start3A_76 : memref<50x32xf32, #tpu.memory_space<vmem>>) offsets(%dma_start3A_79 : memref<50xi32, #tpu.memory_space<vmem>>) semaphore(%arg9 : memref<!tpu.dma_semaphore, #tpu.memory_space<semaphore_mem>>)
    %dma_start3A_83 = arith.constant 5 : i32
    %dma_start3A_84 = arith.constant 250 : i32
    %dma_start3A_85 = arith.constant 0 : i32
    %dma_start3A_86 = tpu.memref_slice %arg6[%dma_start3A_84, %dma_start3A_85] : memref<800x32xf32, #tpu.memory_space<vmem>> -> memref<50x32xf32, #tpu.memory_space<vmem>>
    %dma_start3A_87 = arith.constant 0 : i32
    %dma_start3A_88 = tpu.memref_slice %arg5[%dma_start3A_83, %dma_start3A_87] : memref<512x50xi32, #tpu.memory_space<vmem>> -> memref<1x50xi32, #tpu.memory_space<vmem>>
    %dma_start3A_89 = tpu.memref_squeeze %dma_start3A_88 : memref<1x50xi32, #tpu.memory_space<vmem>> -> memref<50xi32, #tpu.memory_space<vmem>>
    %dma_start3A_90 = arith.constant 0 : i32
    %dma_start3A_91 = arith.constant 0 : i32
    %dma_start3A_92 = tpu.memref_slice %arg3[%dma_start3A_90, %dma_start3A_91] : memref<1000000x32xf32, #tpu.memory_space<hbm>> -> memref<1000000x32xf32, #tpu.memory_space<hbm>>
    tpu.enqueue_indirect_dma source(%dma_start3A_92 : memref<1000000x32xf32, #tpu.memory_space<hbm>>) target(%dma_start3A_86 : memref<50x32xf32, #tpu.memory_space<vmem>>) offsets(%dma_start3A_89 : memref<50xi32, #tpu.memory_space<vmem>>) semaphore(%arg9 : memref<!tpu.dma_semaphore, #tpu.memory_space<semaphore_mem>>)
    %dma_start3A_93 = arith.constant 6 : i32
    %dma_start3A_94 = arith.constant 300 : i32
    %dma_start3A_95 = arith.constant 0 : i32
    %dma_start3A_96 = tpu.memref_slice %arg6[%dma_start3A_94, %dma_start3A_95] : memref<800x32xf32, #tpu.memory_space<vmem>> -> memref<50x32xf32, #tpu.memory_space<vmem>>
    %dma_start3A_97 = arith.constant 0 : i32
    %dma_start3A_98 = tpu.memref_slice %arg5[%dma_start3A_93, %dma_start3A_97] : memref<512x50xi32, #tpu.memory_space<vmem>> -> memref<1x50xi32, #tpu.memory_space<vmem>>
    %dma_start3A_99 = tpu.memref_squeeze %dma_start3A_98 : memref<1x50xi32, #tpu.memory_space<vmem>> -> memref<50xi32, #tpu.memory_space<vmem>>
    %dma_start3A_100 = arith.constant 0 : i32
    %dma_start3A_101 = arith.constant 0 : i32
    %dma_start3A_102 = tpu.memref_slice %arg3[%dma_start3A_100, %dma_start3A_101] : memref<1000000x32xf32, #tpu.memory_space<hbm>> -> memref<1000000x32xf32, #tpu.memory_space<hbm>>
    tpu.enqueue_indirect_dma source(%dma_start3A_102 : memref<1000000x32xf32, #tpu.memory_space<hbm>>) target(%dma_start3A_96 : memref<50x32xf32, #tpu.memory_space<vmem>>) offsets(%dma_start3A_99 : memref<50xi32, #tpu.memory_space<vmem>>) semaphore(%arg9 : memref<!tpu.dma_semaphore, #tpu.memory_space<semaphore_mem>>)
    %dma_start3A_103 = arith.constant 7 : i32
    %dma_start3A_104 = arith.constant 350 : i32
    %dma_start3A_105 = arith.constant 0 : i32
    %dma_start3A_106 = tpu.memref_slice %arg6[%dma_start3A_104, %dma_start3A_105] : memref<800x32xf32, #tpu.memory_space<vmem>> -> memref<50x32xf32, #tpu.memory_space<vmem>>
    %dma_start3A_107 = arith.constant 0 : i32
    %dma_start3A_108 = tpu.memref_slice %arg5[%dma_start3A_103, %dma_start3A_107] : memref<512x50xi32, #tpu.memory_space<vmem>> -> memref<1x50xi32, #tpu.memory_space<vmem>>
    %dma_start3A_109 = tpu.memref_squeeze %dma_start3A_108 : memref<1x50xi32, #tpu.memory_space<vmem>> -> memref<50xi32, #tpu.memory_space<vmem>>
    %dma_start3A_110 = arith.constant 0 : i32
    %dma_start3A_111 = arith.constant 0 : i32
    %dma_start3A_112 = tpu.memref_slice %arg3[%dma_start3A_110, %dma_start3A_111] : memref<1000000x32xf32, #tpu.memory_space<hbm>> -> memref<1000000x32xf32, #tpu.memory_space<hbm>>
    tpu.enqueue_indirect_dma source(%dma_start3A_112 : memref<1000000x32xf32, #tpu.memory_space<hbm>>) target(%dma_start3A_106 : memref<50x32xf32, #tpu.memory_space<vmem>>) offsets(%dma_start3A_109 : memref<50xi32, #tpu.memory_space<vmem>>) semaphore(%arg9 : memref<!tpu.dma_semaphore, #tpu.memory_space<semaphore_mem>>)
    %dma_start3A_113 = arith.constant 8 : i32
    %dma_start3A_114 = arith.constant 400 : i32
    %dma_start3A_115 = arith.constant 0 : i32
    %dma_start3A_116 = tpu.memref_slice %arg6[%dma_start3A_114, %dma_start3A_115] : memref<800x32xf32, #tpu.memory_space<vmem>> -> memref<50x32xf32, #tpu.memory_space<vmem>>
    %dma_start3A_117 = arith.constant 0 : i32
    %dma_start3A_118 = tpu.memref_slice %arg5[%dma_start3A_113, %dma_start3A_117] : memref<512x50xi32, #tpu.memory_space<vmem>> -> memref<1x50xi32, #tpu.memory_space<vmem>>
    %dma_start3A_119 = tpu.memref_squeeze %dma_start3A_118 : memref<1x50xi32, #tpu.memory_space<vmem>> -> memref<50xi32, #tpu.memory_space<vmem>>
    %dma_start3A_120 = arith.constant 0 : i32
    %dma_start3A_121 = arith.constant 0 : i32
    %dma_start3A_122 = tpu.memref_slice %arg3[%dma_start3A_120, %dma_start3A_121] : memref<1000000x32xf32, #tpu.memory_space<hbm>> -> memref<1000000x32xf32, #tpu.memory_space<hbm>>
    tpu.enqueue_indirect_dma source(%dma_start3A_122 : memref<1000000x32xf32, #tpu.memory_space<hbm>>) target(%dma_start3A_116 : memref<50x32xf32, #tpu.memory_space<vmem>>) offsets(%dma_start3A_119 : memref<50xi32, #tpu.memory_space<vmem>>) semaphore(%arg9 : memref<!tpu.dma_semaphore, #tpu.memory_space<semaphore_mem>>)
    %dma_start3A_123 = arith.constant 9 : i32
    %dma_start3A_124 = arith.constant 450 : i32
    %dma_start3A_125 = arith.constant 0 : i32
    %dma_start3A_126 = tpu.memref_slice %arg6[%dma_start3A_124, %dma_start3A_125] : memref<800x32xf32, #tpu.memory_space<vmem>> -> memref<50x32xf32, #tpu.memory_space<vmem>>
    %dma_start3A_127 = arith.constant 0 : i32
    %dma_start3A_128 = tpu.memref_slice %arg5[%dma_start3A_123, %dma_start3A_127] : memref<512x50xi32, #tpu.memory_space<vmem>> -> memref<1x50xi32, #tpu.memory_space<vmem>>
    %dma_start3A_129 = tpu.memref_squeeze %dma_start3A_128 : memref<1x50xi32, #tpu.memory_space<vmem>> -> memref<50xi32, #tpu.memory_space<vmem>>
    %dma_start3A_130 = arith.constant 0 : i32
    %dma_start3A_131 = arith.constant 0 : i32
    %dma_start3A_132 = tpu.memref_slice %arg3[%dma_start3A_130, %dma_start3A_131] : memref<1000000x32xf32, #tpu.memory_space<hbm>> -> memref<1000000x32xf32, #tpu.memory_space<hbm>>
    tpu.enqueue_indirect_dma source(%dma_start3A_132 : memref<1000000x32xf32, #tpu.memory_space<hbm>>) target(%dma_start3A_126 : memref<50x32xf32, #tpu.memory_space<vmem>>) offsets(%dma_start3A_129 : memref<50xi32, #tpu.memory_space<vmem>>) semaphore(%arg9 : memref<!tpu.dma_semaphore, #tpu.memory_space<semaphore_mem>>)
    %dma_start3A_133 = arith.constant 10 : i32
    %dma_start3A_134 = arith.constant 500 : i32
    %dma_start3A_135 = arith.constant 0 : i32
    %dma_start3A_136 = tpu.memref_slice %arg6[%dma_start3A_134, %dma_start3A_135] : memref<800x32xf32, #tpu.memory_space<vmem>> -> memref<50x32xf32, #tpu.memory_space<vmem>>
    %dma_start3A_137 = arith.constant 0 : i32
    %dma_start3A_138 = tpu.memref_slice %arg5[%dma_start3A_133, %dma_start3A_137] : memref<512x50xi32, #tpu.memory_space<vmem>> -> memref<1x50xi32, #tpu.memory_space<vmem>>
    %dma_start3A_139 = tpu.memref_squeeze %dma_start3A_138 : memref<1x50xi32, #tpu.memory_space<vmem>> -> memref<50xi32, #tpu.memory_space<vmem>>
    %dma_start3A_140 = arith.constant 0 : i32
    %dma_start3A_141 = arith.constant 0 : i32
    %dma_start3A_142 = tpu.memref_slice %arg3[%dma_start3A_140, %dma_start3A_141] : memref<1000000x32xf32, #tpu.memory_space<hbm>> -> memref<1000000x32xf32, #tpu.memory_space<hbm>>
    tpu.enqueue_indirect_dma source(%dma_start3A_142 : memref<1000000x32xf32, #tpu.memory_space<hbm>>) target(%dma_start3A_136 : memref<50x32xf32, #tpu.memory_space<vmem>>) offsets(%dma_start3A_139 : memref<50xi32, #tpu.memory_space<vmem>>) semaphore(%arg9 : memref<!tpu.dma_semaphore, #tpu.memory_space<semaphore_mem>>)
    %dma_start3A_143 = arith.constant 11 : i32
    %dma_start3A_144 = arith.constant 550 : i32
    %dma_start3A_145 = arith.constant 0 : i32
    %dma_start3A_146 = tpu.memref_slice %arg6[%dma_start3A_144, %dma_start3A_145] : memref<800x32xf32, #tpu.memory_space<vmem>> -> memref<50x32xf32, #tpu.memory_space<vmem>>
    %dma_start3A_147 = arith.constant 0 : i32
    %dma_start3A_148 = tpu.memref_slice %arg5[%dma_start3A_143, %dma_start3A_147] : memref<512x50xi32, #tpu.memory_space<vmem>> -> memref<1x50xi32, #tpu.memory_space<vmem>>
    %dma_start3A_149 = tpu.memref_squeeze %dma_start3A_148 : memref<1x50xi32, #tpu.memory_space<vmem>> -> memref<50xi32, #tpu.memory_space<vmem>>
    %dma_start3A_150 = arith.constant 0 : i32
    %dma_start3A_151 = arith.constant 0 : i32
    %dma_start3A_152 = tpu.memref_slice %arg3[%dma_start3A_150, %dma_start3A_151] : memref<1000000x32xf32, #tpu.memory_space<hbm>> -> memref<1000000x32xf32, #tpu.memory_space<hbm>>
    tpu.enqueue_indirect_dma source(%dma_start3A_152 : memref<1000000x32xf32, #tpu.memory_space<hbm>>) target(%dma_start3A_146 : memref<50x32xf32, #tpu.memory_space<vmem>>) offsets(%dma_start3A_149 : memref<50xi32, #tpu.memory_space<vmem>>) semaphore(%arg9 : memref<!tpu.dma_semaphore, #tpu.memory_space<semaphore_mem>>)
    %dma_start3A_153 = arith.constant 12 : i32
    %dma_start3A_154 = arith.constant 600 : i32
    %dma_start3A_155 = arith.constant 0 : i32
    %dma_start3A_156 = tpu.memref_slice %arg6[%dma_start3A_154, %dma_start3A_155] : memref<800x32xf32, #tpu.memory_space<vmem>> -> memref<50x32xf32, #tpu.memory_space<vmem>>
    %dma_start3A_157 = arith.constant 0 : i32
    %dma_start3A_158 = tpu.memref_slice %arg5[%dma_start3A_153, %dma_start3A_157] : memref<512x50xi32, #tpu.memory_space<vmem>> -> memref<1x50xi32, #tpu.memory_space<vmem>>
    %dma_start3A_159 = tpu.memref_squeeze %dma_start3A_158 : memref<1x50xi32, #tpu.memory_space<vmem>> -> memref<50xi32, #tpu.memory_space<vmem>>
    %dma_start3A_160 = arith.constant 0 : i32
    %dma_start3A_161 = arith.constant 0 : i32
    %dma_start3A_162 = tpu.memref_slice %arg3[%dma_start3A_160, %dma_start3A_161] : memref<1000000x32xf32, #tpu.memory_space<hbm>> -> memref<1000000x32xf32, #tpu.memory_space<hbm>>
    tpu.enqueue_indirect_dma source(%dma_start3A_162 : memref<1000000x32xf32, #tpu.memory_space<hbm>>) target(%dma_start3A_156 : memref<50x32xf32, #tpu.memory_space<vmem>>) offsets(%dma_start3A_159 : memref<50xi32, #tpu.memory_space<vmem>>) semaphore(%arg9 : memref<!tpu.dma_semaphore, #tpu.memory_space<semaphore_mem>>)
    %dma_start3A_163 = arith.constant 13 : i32
    %dma_start3A_164 = arith.constant 650 : i32
    %dma_start3A_165 = arith.constant 0 : i32
    %dma_start3A_166 = tpu.memref_slice %arg6[%dma_start3A_164, %dma_start3A_165] : memref<800x32xf32, #tpu.memory_space<vmem>> -> memref<50x32xf32, #tpu.memory_space<vmem>>
    %dma_start3A_167 = arith.constant 0 : i32
    %dma_start3A_168 = tpu.memref_slice %arg5[%dma_start3A_163, %dma_start3A_167] : memref<512x50xi32, #tpu.memory_space<vmem>> -> memref<1x50xi32, #tpu.memory_space<vmem>>
    %dma_start3A_169 = tpu.memref_squeeze %dma_start3A_168 : memref<1x50xi32, #tpu.memory_space<vmem>> -> memref<50xi32, #tpu.memory_space<vmem>>
    %dma_start3A_170 = arith.constant 0 : i32
    %dma_start3A_171 = arith.constant 0 : i32
    %dma_start3A_172 = tpu.memref_slice %arg3[%dma_start3A_170, %dma_start3A_171] : memref<1000000x32xf32, #tpu.memory_space<hbm>> -> memref<1000000x32xf32, #tpu.memory_space<hbm>>
    tpu.enqueue_indirect_dma source(%dma_start3A_172 : memref<1000000x32xf32, #tpu.memory_space<hbm>>) target(%dma_start3A_166 : memref<50x32xf32, #tpu.memory_space<vmem>>) offsets(%dma_start3A_169 : memref<50xi32, #tpu.memory_space<vmem>>) semaphore(%arg9 : memref<!tpu.dma_semaphore, #tpu.memory_space<semaphore_mem>>)
    %dma_start3A_173 = arith.constant 14 : i32
    %dma_start3A_174 = arith.constant 700 : i32
    %dma_start3A_175 = arith.constant 0 : i32
    %dma_start3A_176 = tpu.memref_slice %arg6[%dma_start3A_174, %dma_start3A_175] : memref<800x32xf32, #tpu.memory_space<vmem>> -> memref<50x32xf32, #tpu.memory_space<vmem>>
    %dma_start3A_177 = arith.constant 0 : i32
    %dma_start3A_178 = tpu.memref_slice %arg5[%dma_start3A_173, %dma_start3A_177] : memref<512x50xi32, #tpu.memory_space<vmem>> -> memref<1x50xi32, #tpu.memory_space<vmem>>
    %dma_start3A_179 = tpu.memref_squeeze %dma_start3A_178 : memref<1x50xi32, #tpu.memory_space<vmem>> -> memref<50xi32, #tpu.memory_space<vmem>>
    %dma_start3A_180 = arith.constant 0 : i32
    %dma_start3A_181 = arith.constant 0 : i32
    %dma_start3A_182 = tpu.memref_slice %arg3[%dma_start3A_180, %dma_start3A_181] : memref<1000000x32xf32, #tpu.memory_space<hbm>> -> memref<1000000x32xf32, #tpu.memory_space<hbm>>
    tpu.enqueue_indirect_dma source(%dma_start3A_182 : memref<1000000x32xf32, #tpu.memory_space<hbm>>) target(%dma_start3A_176 : memref<50x32xf32, #tpu.memory_space<vmem>>) offsets(%dma_start3A_179 : memref<50xi32, #tpu.memory_space<vmem>>) semaphore(%arg9 : memref<!tpu.dma_semaphore, #tpu.memory_space<semaphore_mem>>)
    %dma_start3A_183 = arith.constant 15 : i32
    %dma_start3A_184 = arith.constant 750 : i32
    %dma_start3A_185 = arith.constant 0 : i32
    %dma_start3A_186 = tpu.memref_slice %arg6[%dma_start3A_184, %dma_start3A_185] : memref<800x32xf32, #tpu.memory_space<vmem>> -> memref<50x32xf32, #tpu.memory_space<vmem>>
    %dma_start3A_187 = arith.constant 0 : i32
    %dma_start3A_188 = tpu.memref_slice %arg5[%dma_start3A_183, %dma_start3A_187] : memref<512x50xi32, #tpu.memory_space<vmem>> -> memref<1x50xi32, #tpu.memory_space<vmem>>
    %dma_start3A_189 = tpu.memref_squeeze %dma_start3A_188 : memref<1x50xi32, #tpu.memory_space<vmem>> -> memref<50xi32, #tpu.memory_space<vmem>>
    %dma_start3A_190 = arith.constant 0 : i32
    %dma_start3A_191 = arith.constant 0 : i32
    %dma_start3A_192 = tpu.memref_slice %arg3[%dma_start3A_190, %dma_start3A_191] : memref<1000000x32xf32, #tpu.memory_space<hbm>> -> memref<1000000x32xf32, #tpu.memory_space<hbm>>
    tpu.enqueue_indirect_dma source(%dma_start3A_192 : memref<1000000x32xf32, #tpu.memory_space<hbm>>) target(%dma_start3A_186 : memref<50x32xf32, #tpu.memory_space<vmem>>) offsets(%dma_start3A_189 : memref<50xi32, #tpu.memory_space<vmem>>) semaphore(%arg9 : memref<!tpu.dma_semaphore, #tpu.memory_space<semaphore_mem>>)
    %scan3A = arith.constant 0 : i32
    %scan3A_193 = arith.constant 32 : i32
    %scan3A_194 = arith.addi %scan3A, %scan3A_193 : i32
    %scan3A_195 = arith.constant 1 : i32
    scf.for %scan3A_197 = %scan3A to %scan3A_194 step %scan3A_195  : i32 {
      %mul3A_198 = arith.constant 1 : i32
      %mul3A_199 = arith.muli %scan3A_197, %mul3A_198 : i32
      %add3A_200 = arith.constant 0 : i32
      %add3A_201 = arith.addi %add3A_200, %mul3A_199 : i32
      %rem3A = arith.constant 2 : i32
      %rem3A_202 = arith.remsi %add3A_201, %rem3A : i32
      %eq3A = arith.constant 0 : i32
      %eq3A_203 = arith.cmpi eq, %rem3A_202, %eq3A : i32
      %convert_element_type3A = arith.extui %eq3A_203 : i1 to i32
      %cond3A = arith.constant 0 : i32
      %cond3A_204 = arith.cmpi ne, %convert_element_type3A, %cond3A : i32
      scf.if %cond3A_204 {
        %add3A_210 = arith.constant 1 : i32
        %add3A_211 = arith.addi %add3A_201, %add3A_210 : i32
        %lt3A = arith.constant 32 : i32
        %lt3A_212 = arith.cmpi slt, %add3A_211, %lt3A : i32
        %convert_element_type3A_213 = arith.extui %lt3A_212 : i1 to i32
        %cond3A_214 = arith.constant 0 : i32
        %cond3A_215 = arith.cmpi ne, %convert_element_type3A_213, %cond3A_214 : i32
        scf.if %cond3A_215 {
          %add3A_428 = arith.constant 1 : i32
          %add3A_429 = arith.addi %add3A_201, %add3A_428 : i32
          %mul3A_430 = arith.constant 16 : i32
          %mul3A_431 = arith.muli %add3A_429, %mul3A_430 : i32
          %add3A_432 = arith.constant 0 : i32
          %add3A_433 = arith.addi %mul3A_431, %add3A_432 : i32
          %dma_start3A_434 = arith.constant 0 : i32
          %dma_start3A_435 = arith.constant 0 : i32
          %dma_start3A_436 = tpu.memref_slice %arg7[%dma_start3A_434, %dma_start3A_435] : memref<800x32xf32, #tpu.memory_space<vmem>> -> memref<50x32xf32, #tpu.memory_space<vmem>>
          %dma_start3A_437 = arith.constant 0 : i32
          %dma_start3A_438 = tpu.memref_slice %arg5[%add3A_433, %dma_start3A_437] : memref<512x50xi32, #tpu.memory_space<vmem>> -> memref<1x50xi32, #tpu.memory_space<vmem>>
          %dma_start3A_439 = tpu.memref_squeeze %dma_start3A_438 : memref<1x50xi32, #tpu.memory_space<vmem>> -> memref<50xi32, #tpu.memory_space<vmem>>
          %dma_start3A_440 = arith.constant 0 : i32
          %dma_start3A_441 = arith.constant 0 : i32
          %dma_start3A_442 = tpu.memref_slice %arg3[%dma_start3A_440, %dma_start3A_441] : memref<1000000x32xf32, #tpu.memory_space<hbm>> -> memref<1000000x32xf32, #tpu.memory_space<hbm>>
          tpu.enqueue_indirect_dma source(%dma_start3A_442 : memref<1000000x32xf32, #tpu.memory_space<hbm>>) target(%dma_start3A_436 : memref<50x32xf32, #tpu.memory_space<vmem>>) offsets(%dma_start3A_439 : memref<50xi32, #tpu.memory_space<vmem>>) semaphore(%arg10 : memref<!tpu.dma_semaphore, #tpu.memory_space<semaphore_mem>>)
          %mul3A_443 = arith.constant 16 : i32
          %mul3A_444 = arith.muli %add3A_429, %mul3A_443 : i32
          %add3A_445 = arith.constant 1 : i32
          %add3A_446 = arith.addi %mul3A_444, %add3A_445 : i32
          %dma_start3A_447 = arith.constant 50 : i32
          %dma_start3A_448 = arith.constant 0 : i32
          %dma_start3A_449 = tpu.memref_slice %arg7[%dma_start3A_447, %dma_start3A_448] : memref<800x32xf32, #tpu.memory_space<vmem>> -> memref<50x32xf32, #tpu.memory_space<vmem>>
          %dma_start3A_450 = arith.constant 0 : i32
          %dma_start3A_451 = tpu.memref_slice %arg5[%add3A_446, %dma_start3A_450] : memref<512x50xi32, #tpu.memory_space<vmem>> -> memref<1x50xi32, #tpu.memory_space<vmem>>
          %dma_start3A_452 = tpu.memref_squeeze %dma_start3A_451 : memref<1x50xi32, #tpu.memory_space<vmem>> -> memref<50xi32, #tpu.memory_space<vmem>>
          %dma_start3A_453 = arith.constant 0 : i32
          %dma_start3A_454 = arith.constant 0 : i32
          %dma_start3A_455 = tpu.memref_slice %arg3[%dma_start3A_453, %dma_start3A_454] : memref<1000000x32xf32, #tpu.memory_space<hbm>> -> memref<1000000x32xf32, #tpu.memory_space<hbm>>
          tpu.enqueue_indirect_dma source(%dma_start3A_455 : memref<1000000x32xf32, #tpu.memory_space<hbm>>) target(%dma_start3A_449 : memref<50x32xf32, #tpu.memory_space<vmem>>) offsets(%dma_start3A_452 : memref<50xi32, #tpu.memory_space<vmem>>) semaphore(%arg10 : memref<!tpu.dma_semaphore, #tpu.memory_space<semaphore_mem>>)
          %mul3A_456 = arith.constant 16 : i32
          %mul3A_457 = arith.muli %add3A_429, %mul3A_456 : i32
          %add3A_458 = arith.constant 2 : i32
          %add3A_459 = arith.addi %mul3A_457, %add3A_458 : i32
          %dma_start3A_460 = arith.constant 100 : i32
          %dma_start3A_461 = arith.constant 0 : i32
          %dma_start3A_462 = tpu.memref_slice %arg7[%dma_start3A_460, %dma_start3A_461] : memref<800x32xf32, #tpu.memory_space<vmem>> -> memref<50x32xf32, #tpu.memory_space<vmem>>
          %dma_start3A_463 = arith.constant 0 : i32
          %dma_start3A_464 = tpu.memref_slice %arg5[%add3A_459, %dma_start3A_463] : memref<512x50xi32, #tpu.memory_space<vmem>> -> memref<1x50xi32, #tpu.memory_space<vmem>>
          %dma_start3A_465 = tpu.memref_squeeze %dma_start3A_464 : memref<1x50xi32, #tpu.memory_space<vmem>> -> memref<50xi32, #tpu.memory_space<vmem>>
          %dma_start3A_466 = arith.constant 0 : i32
          %dma_start3A_467 = arith.constant 0 : i32
          %dma_start3A_468 = tpu.memref_slice %arg3[%dma_start3A_466, %dma_start3A_467] : memref<1000000x32xf32, #tpu.memory_space<hbm>> -> memref<1000000x32xf32, #tpu.memory_space<hbm>>
          tpu.enqueue_indirect_dma source(%dma_start3A_468 : memref<1000000x32xf32, #tpu.memory_space<hbm>>) target(%dma_start3A_462 : memref<50x32xf32, #tpu.memory_space<vmem>>) offsets(%dma_start3A_465 : memref<50xi32, #tpu.memory_space<vmem>>) semaphore(%arg10 : memref<!tpu.dma_semaphore, #tpu.memory_space<semaphore_mem>>)
          %mul3A_469 = arith.constant 16 : i32
          %mul3A_470 = arith.muli %add3A_429, %mul3A_469 : i32
          %add3A_471 = arith.constant 3 : i32
          %add3A_472 = arith.addi %mul3A_470, %add3A_471 : i32
          %dma_start3A_473 = arith.constant 150 : i32
          %dma_start3A_474 = arith.constant 0 : i32
          %dma_start3A_475 = tpu.memref_slice %arg7[%dma_start3A_473, %dma_start3A_474] : memref<800x32xf32, #tpu.memory_space<vmem>> -> memref<50x32xf32, #tpu.memory_space<vmem>>
          %dma_start3A_476 = arith.constant 0 : i32
          %dma_start3A_477 = tpu.memref_slice %arg5[%add3A_472, %dma_start3A_476] : memref<512x50xi32, #tpu.memory_space<vmem>> -> memref<1x50xi32, #tpu.memory_space<vmem>>
          %dma_start3A_478 = tpu.memref_squeeze %dma_start3A_477 : memref<1x50xi32, #tpu.memory_space<vmem>> -> memref<50xi32, #tpu.memory_space<vmem>>
          %dma_start3A_479 = arith.constant 0 : i32
          %dma_start3A_480 = arith.constant 0 : i32
          %dma_start3A_481 = tpu.memref_slice %arg3[%dma_start3A_479, %dma_start3A_480] : memref<1000000x32xf32, #tpu.memory_space<hbm>> -> memref<1000000x32xf32, #tpu.memory_space<hbm>>
          tpu.enqueue_indirect_dma source(%dma_start3A_481 : memref<1000000x32xf32, #tpu.memory_space<hbm>>) target(%dma_start3A_475 : memref<50x32xf32, #tpu.memory_space<vmem>>) offsets(%dma_start3A_478 : memref<50xi32, #tpu.memory_space<vmem>>) semaphore(%arg10 : memref<!tpu.dma_semaphore, #tpu.memory_space<semaphore_mem>>)
          %mul3A_482 = arith.constant 16 : i32
          %mul3A_483 = arith.muli %add3A_429, %mul3A_482 : i32
          %add3A_484 = arith.constant 4 : i32
          %add3A_485 = arith.addi %mul3A_483, %add3A_484 : i32
          %dma_start3A_486 = arith.constant 200 : i32
          %dma_start3A_487 = arith.constant 0 : i32
          %dma_start3A_488 = tpu.memref_slice %arg7[%dma_start3A_486, %dma_start3A_487] : memref<800x32xf32, #tpu.memory_space<vmem>> -> memref<50x32xf32, #tpu.memory_space<vmem>>
          %dma_start3A_489 = arith.constant 0 : i32
          %dma_start3A_490 = tpu.memref_slice %arg5[%add3A_485, %dma_start3A_489] : memref<512x50xi32, #tpu.memory_space<vmem>> -> memref<1x50xi32, #tpu.memory_space<vmem>>
          %dma_start3A_491 = tpu.memref_squeeze %dma_start3A_490 : memref<1x50xi32, #tpu.memory_space<vmem>> -> memref<50xi32, #tpu.memory_space<vmem>>
          %dma_start3A_492 = arith.constant 0 : i32
          %dma_start3A_493 = arith.constant 0 : i32
          %dma_start3A_494 = tpu.memref_slice %arg3[%dma_start3A_492, %dma_start3A_493] : memref<1000000x32xf32, #tpu.memory_space<hbm>> -> memref<1000000x32xf32, #tpu.memory_space<hbm>>
          tpu.enqueue_indirect_dma source(%dma_start3A_494 : memref<1000000x32xf32, #tpu.memory_space<hbm>>) target(%dma_start3A_488 : memref<50x32xf32, #tpu.memory_space<vmem>>) offsets(%dma_start3A_491 : memref<50xi32, #tpu.memory_space<vmem>>) semaphore(%arg10 : memref<!tpu.dma_semaphore, #tpu.memory_space<semaphore_mem>>)
          %mul3A_495 = arith.constant 16 : i32
          %mul3A_496 = arith.muli %add3A_429, %mul3A_495 : i32
          %add3A_497 = arith.constant 5 : i32
          %add3A_498 = arith.addi %mul3A_496, %add3A_497 : i32
          %dma_start3A_499 = arith.constant 250 : i32
          %dma_start3A_500 = arith.constant 0 : i32
          %dma_start3A_501 = tpu.memref_slice %arg7[%dma_start3A_499, %dma_start3A_500] : memref<800x32xf32, #tpu.memory_space<vmem>> -> memref<50x32xf32, #tpu.memory_space<vmem>>
          %dma_start3A_502 = arith.constant 0 : i32
          %dma_start3A_503 = tpu.memref_slice %arg5[%add3A_498, %dma_start3A_502] : memref<512x50xi32, #tpu.memory_space<vmem>> -> memref<1x50xi32, #tpu.memory_space<vmem>>
          %dma_start3A_504 = tpu.memref_squeeze %dma_start3A_503 : memref<1x50xi32, #tpu.memory_space<vmem>> -> memref<50xi32, #tpu.memory_space<vmem>>
          %dma_start3A_505 = arith.constant 0 : i32
          %dma_start3A_506 = arith.constant 0 : i32
          %dma_start3A_507 = tpu.memref_slice %arg3[%dma_start3A_505, %dma_start3A_506] : memref<1000000x32xf32, #tpu.memory_space<hbm>> -> memref<1000000x32xf32, #tpu.memory_space<hbm>>
          tpu.enqueue_indirect_dma source(%dma_start3A_507 : memref<1000000x32xf32, #tpu.memory_space<hbm>>) target(%dma_start3A_501 : memref<50x32xf32, #tpu.memory_space<vmem>>) offsets(%dma_start3A_504 : memref<50xi32, #tpu.memory_space<vmem>>) semaphore(%arg10 : memref<!tpu.dma_semaphore, #tpu.memory_space<semaphore_mem>>)
          %mul3A_508 = arith.constant 16 : i32
          %mul3A_509 = arith.muli %add3A_429, %mul3A_508 : i32
          %add3A_510 = arith.constant 6 : i32
          %add3A_511 = arith.addi %mul3A_509, %add3A_510 : i32
          %dma_start3A_512 = arith.constant 300 : i32
          %dma_start3A_513 = arith.constant 0 : i32
          %dma_start3A_514 = tpu.memref_slice %arg7[%dma_start3A_512, %dma_start3A_513] : memref<800x32xf32, #tpu.memory_space<vmem>> -> memref<50x32xf32, #tpu.memory_space<vmem>>
          %dma_start3A_515 = arith.constant 0 : i32
          %dma_start3A_516 = tpu.memref_slice %arg5[%add3A_511, %dma_start3A_515] : memref<512x50xi32, #tpu.memory_space<vmem>> -> memref<1x50xi32, #tpu.memory_space<vmem>>
          %dma_start3A_517 = tpu.memref_squeeze %dma_start3A_516 : memref<1x50xi32, #tpu.memory_space<vmem>> -> memref<50xi32, #tpu.memory_space<vmem>>
          %dma_start3A_518 = arith.constant 0 : i32
          %dma_start3A_519 = arith.constant 0 : i32
          %dma_start3A_520 = tpu.memref_slice %arg3[%dma_start3A_518, %dma_start3A_519] : memref<1000000x32xf32, #tpu.memory_space<hbm>> -> memref<1000000x32xf32, #tpu.memory_space<hbm>>
          tpu.enqueue_indirect_dma source(%dma_start3A_520 : memref<1000000x32xf32, #tpu.memory_space<hbm>>) target(%dma_start3A_514 : memref<50x32xf32, #tpu.memory_space<vmem>>) offsets(%dma_start3A_517 : memref<50xi32, #tpu.memory_space<vmem>>) semaphore(%arg10 : memref<!tpu.dma_semaphore, #tpu.memory_space<semaphore_mem>>)
          %mul3A_521 = arith.constant 16 : i32
          %mul3A_522 = arith.muli %add3A_429, %mul3A_521 : i32
          %add3A_523 = arith.constant 7 : i32
          %add3A_524 = arith.addi %mul3A_522, %add3A_523 : i32
          %dma_start3A_525 = arith.constant 350 : i32
          %dma_start3A_526 = arith.constant 0 : i32
          %dma_start3A_527 = tpu.memref_slice %arg7[%dma_start3A_525, %dma_start3A_526] : memref<800x32xf32, #tpu.memory_space<vmem>> -> memref<50x32xf32, #tpu.memory_space<vmem>>
          %dma_start3A_528 = arith.constant 0 : i32
          %dma_start3A_529 = tpu.memref_slice %arg5[%add3A_524, %dma_start3A_528] : memref<512x50xi32, #tpu.memory_space<vmem>> -> memref<1x50xi32, #tpu.memory_space<vmem>>
          %dma_start3A_530 = tpu.memref_squeeze %dma_start3A_529 : memref<1x50xi32, #tpu.memory_space<vmem>> -> memref<50xi32, #tpu.memory_space<vmem>>
          %dma_start3A_531 = arith.constant 0 : i32
          %dma_start3A_532 = arith.constant 0 : i32
          %dma_start3A_533 = tpu.memref_slice %arg3[%dma_start3A_531, %dma_start3A_532] : memref<1000000x32xf32, #tpu.memory_space<hbm>> -> memref<1000000x32xf32, #tpu.memory_space<hbm>>
          tpu.enqueue_indirect_dma source(%dma_start3A_533 : memref<1000000x32xf32, #tpu.memory_space<hbm>>) target(%dma_start3A_527 : memref<50x32xf32, #tpu.memory_space<vmem>>) offsets(%dma_start3A_530 : memref<50xi32, #tpu.memory_space<vmem>>) semaphore(%arg10 : memref<!tpu.dma_semaphore, #tpu.memory_space<semaphore_mem>>)
          %mul3A_534 = arith.constant 16 : i32
          %mul3A_535 = arith.muli %add3A_429, %mul3A_534 : i32
          %add3A_536 = arith.constant 8 : i32
          %add3A_537 = arith.addi %mul3A_535, %add3A_536 : i32
          %dma_start3A_538 = arith.constant 400 : i32
          %dma_start3A_539 = arith.constant 0 : i32
          %dma_start3A_540 = tpu.memref_slice %arg7[%dma_start3A_538, %dma_start3A_539] : memref<800x32xf32, #tpu.memory_space<vmem>> -> memref<50x32xf32, #tpu.memory_space<vmem>>
          %dma_start3A_541 = arith.constant 0 : i32
          %dma_start3A_542 = tpu.memref_slice %arg5[%add3A_537, %dma_start3A_541] : memref<512x50xi32, #tpu.memory_space<vmem>> -> memref<1x50xi32, #tpu.memory_space<vmem>>
          %dma_start3A_543 = tpu.memref_squeeze %dma_start3A_542 : memref<1x50xi32, #tpu.memory_space<vmem>> -> memref<50xi32, #tpu.memory_space<vmem>>
          %dma_start3A_544 = arith.constant 0 : i32
          %dma_start3A_545 = arith.constant 0 : i32
          %dma_start3A_546 = tpu.memref_slice %arg3[%dma_start3A_544, %dma_start3A_545] : memref<1000000x32xf32, #tpu.memory_space<hbm>> -> memref<1000000x32xf32, #tpu.memory_space<hbm>>
          tpu.enqueue_indirect_dma source(%dma_start3A_546 : memref<1000000x32xf32, #tpu.memory_space<hbm>>) target(%dma_start3A_540 : memref<50x32xf32, #tpu.memory_space<vmem>>) offsets(%dma_start3A_543 : memref<50xi32, #tpu.memory_space<vmem>>) semaphore(%arg10 : memref<!tpu.dma_semaphore, #tpu.memory_space<semaphore_mem>>)
          %mul3A_547 = arith.constant 16 : i32
          %mul3A_548 = arith.muli %add3A_429, %mul3A_547 : i32
          %add3A_549 = arith.constant 9 : i32
          %add3A_550 = arith.addi %mul3A_548, %add3A_549 : i32
          %dma_start3A_551 = arith.constant 450 : i32
          %dma_start3A_552 = arith.constant 0 : i32
          %dma_start3A_553 = tpu.memref_slice %arg7[%dma_start3A_551, %dma_start3A_552] : memref<800x32xf32, #tpu.memory_space<vmem>> -> memref<50x32xf32, #tpu.memory_space<vmem>>
          %dma_start3A_554 = arith.constant 0 : i32
          %dma_start3A_555 = tpu.memref_slice %arg5[%add3A_550, %dma_start3A_554] : memref<512x50xi32, #tpu.memory_space<vmem>> -> memref<1x50xi32, #tpu.memory_space<vmem>>
          %dma_start3A_556 = tpu.memref_squeeze %dma_start3A_555 : memref<1x50xi32, #tpu.memory_space<vmem>> -> memref<50xi32, #tpu.memory_space<vmem>>
          %dma_start3A_557 = arith.constant 0 : i32
          %dma_start3A_558 = arith.constant 0 : i32
          %dma_start3A_559 = tpu.memref_slice %arg3[%dma_start3A_557, %dma_start3A_558] : memref<1000000x32xf32, #tpu.memory_space<hbm>> -> memref<1000000x32xf32, #tpu.memory_space<hbm>>
          tpu.enqueue_indirect_dma source(%dma_start3A_559 : memref<1000000x32xf32, #tpu.memory_space<hbm>>) target(%dma_start3A_553 : memref<50x32xf32, #tpu.memory_space<vmem>>) offsets(%dma_start3A_556 : memref<50xi32, #tpu.memory_space<vmem>>) semaphore(%arg10 : memref<!tpu.dma_semaphore, #tpu.memory_space<semaphore_mem>>)
          %mul3A_560 = arith.constant 16 : i32
          %mul3A_561 = arith.muli %add3A_429, %mul3A_560 : i32
          %add3A_562 = arith.constant 10 : i32
          %add3A_563 = arith.addi %mul3A_561, %add3A_562 : i32
          %dma_start3A_564 = arith.constant 500 : i32
          %dma_start3A_565 = arith.constant 0 : i32
          %dma_start3A_566 = tpu.memref_slice %arg7[%dma_start3A_564, %dma_start3A_565] : memref<800x32xf32, #tpu.memory_space<vmem>> -> memref<50x32xf32, #tpu.memory_space<vmem>>
          %dma_start3A_567 = arith.constant 0 : i32
          %dma_start3A_568 = tpu.memref_slice %arg5[%add3A_563, %dma_start3A_567] : memref<512x50xi32, #tpu.memory_space<vmem>> -> memref<1x50xi32, #tpu.memory_space<vmem>>
          %dma_start3A_569 = tpu.memref_squeeze %dma_start3A_568 : memref<1x50xi32, #tpu.memory_space<vmem>> -> memref<50xi32, #tpu.memory_space<vmem>>
          %dma_start3A_570 = arith.constant 0 : i32
          %dma_start3A_571 = arith.constant 0 : i32
          %dma_start3A_572 = tpu.memref_slice %arg3[%dma_start3A_570, %dma_start3A_571] : memref<1000000x32xf32, #tpu.memory_space<hbm>> -> memref<1000000x32xf32, #tpu.memory_space<hbm>>
          tpu.enqueue_indirect_dma source(%dma_start3A_572 : memref<1000000x32xf32, #tpu.memory_space<hbm>>) target(%dma_start3A_566 : memref<50x32xf32, #tpu.memory_space<vmem>>) offsets(%dma_start3A_569 : memref<50xi32, #tpu.memory_space<vmem>>) semaphore(%arg10 : memref<!tpu.dma_semaphore, #tpu.memory_space<semaphore_mem>>)
          %mul3A_573 = arith.constant 16 : i32
          %mul3A_574 = arith.muli %add3A_429, %mul3A_573 : i32
          %add3A_575 = arith.constant 11 : i32
          %add3A_576 = arith.addi %mul3A_574, %add3A_575 : i32
          %dma_start3A_577 = arith.constant 550 : i32
          %dma_start3A_578 = arith.constant 0 : i32
          %dma_start3A_579 = tpu.memref_slice %arg7[%dma_start3A_577, %dma_start3A_578] : memref<800x32xf32, #tpu.memory_space<vmem>> -> memref<50x32xf32, #tpu.memory_space<vmem>>
          %dma_start3A_580 = arith.constant 0 : i32
          %dma_start3A_581 = tpu.memref_slice %arg5[%add3A_576, %dma_start3A_580] : memref<512x50xi32, #tpu.memory_space<vmem>> -> memref<1x50xi32, #tpu.memory_space<vmem>>
          %dma_start3A_582 = tpu.memref_squeeze %dma_start3A_581 : memref<1x50xi32, #tpu.memory_space<vmem>> -> memref<50xi32, #tpu.memory_space<vmem>>
          %dma_start3A_583 = arith.constant 0 : i32
          %dma_start3A_584 = arith.constant 0 : i32
          %dma_start3A_585 = tpu.memref_slice %arg3[%dma_start3A_583, %dma_start3A_584] : memref<1000000x32xf32, #tpu.memory_space<hbm>> -> memref<1000000x32xf32, #tpu.memory_space<hbm>>
          tpu.enqueue_indirect_dma source(%dma_start3A_585 : memref<1000000x32xf32, #tpu.memory_space<hbm>>) target(%dma_start3A_579 : memref<50x32xf32, #tpu.memory_space<vmem>>) offsets(%dma_start3A_582 : memref<50xi32, #tpu.memory_space<vmem>>) semaphore(%arg10 : memref<!tpu.dma_semaphore, #tpu.memory_space<semaphore_mem>>)
          %mul3A_586 = arith.constant 16 : i32
          %mul3A_587 = arith.muli %add3A_429, %mul3A_586 : i32
          %add3A_588 = arith.constant 12 : i32
          %add3A_589 = arith.addi %mul3A_587, %add3A_588 : i32
          %dma_start3A_590 = arith.constant 600 : i32
          %dma_start3A_591 = arith.constant 0 : i32
          %dma_start3A_592 = tpu.memref_slice %arg7[%dma_start3A_590, %dma_start3A_591] : memref<800x32xf32, #tpu.memory_space<vmem>> -> memref<50x32xf32, #tpu.memory_space<vmem>>
          %dma_start3A_593 = arith.constant 0 : i32
          %dma_start3A_594 = tpu.memref_slice %arg5[%add3A_589, %dma_start3A_593] : memref<512x50xi32, #tpu.memory_space<vmem>> -> memref<1x50xi32, #tpu.memory_space<vmem>>
          %dma_start3A_595 = tpu.memref_squeeze %dma_start3A_594 : memref<1x50xi32, #tpu.memory_space<vmem>> -> memref<50xi32, #tpu.memory_space<vmem>>
          %dma_start3A_596 = arith.constant 0 : i32
          %dma_start3A_597 = arith.constant 0 : i32
          %dma_start3A_598 = tpu.memref_slice %arg3[%dma_start3A_596, %dma_start3A_597] : memref<1000000x32xf32, #tpu.memory_space<hbm>> -> memref<1000000x32xf32, #tpu.memory_space<hbm>>
          tpu.enqueue_indirect_dma source(%dma_start3A_598 : memref<1000000x32xf32, #tpu.memory_space<hbm>>) target(%dma_start3A_592 : memref<50x32xf32, #tpu.memory_space<vmem>>) offsets(%dma_start3A_595 : memref<50xi32, #tpu.memory_space<vmem>>) semaphore(%arg10 : memref<!tpu.dma_semaphore, #tpu.memory_space<semaphore_mem>>)
          %mul3A_599 = arith.constant 16 : i32
          %mul3A_600 = arith.muli %add3A_429, %mul3A_599 : i32
          %add3A_601 = arith.constant 13 : i32
          %add3A_602 = arith.addi %mul3A_600, %add3A_601 : i32
          %dma_start3A_603 = arith.constant 650 : i32
          %dma_start3A_604 = arith.constant 0 : i32
          %dma_start3A_605 = tpu.memref_slice %arg7[%dma_start3A_603, %dma_start3A_604] : memref<800x32xf32, #tpu.memory_space<vmem>> -> memref<50x32xf32, #tpu.memory_space<vmem>>
          %dma_start3A_606 = arith.constant 0 : i32
          %dma_start3A_607 = tpu.memref_slice %arg5[%add3A_602, %dma_start3A_606] : memref<512x50xi32, #tpu.memory_space<vmem>> -> memref<1x50xi32, #tpu.memory_space<vmem>>
          %dma_start3A_608 = tpu.memref_squeeze %dma_start3A_607 : memref<1x50xi32, #tpu.memory_space<vmem>> -> memref<50xi32, #tpu.memory_space<vmem>>
          %dma_start3A_609 = arith.constant 0 : i32
          %dma_start3A_610 = arith.constant 0 : i32
          %dma_start3A_611 = tpu.memref_slice %arg3[%dma_start3A_609, %dma_start3A_610] : memref<1000000x32xf32, #tpu.memory_space<hbm>> -> memref<1000000x32xf32, #tpu.memory_space<hbm>>
          tpu.enqueue_indirect_dma source(%dma_start3A_611 : memref<1000000x32xf32, #tpu.memory_space<hbm>>) target(%dma_start3A_605 : memref<50x32xf32, #tpu.memory_space<vmem>>) offsets(%dma_start3A_608 : memref<50xi32, #tpu.memory_space<vmem>>) semaphore(%arg10 : memref<!tpu.dma_semaphore, #tpu.memory_space<semaphore_mem>>)
          %mul3A_612 = arith.constant 16 : i32
          %mul3A_613 = arith.muli %add3A_429, %mul3A_612 : i32
          %add3A_614 = arith.constant 14 : i32
          %add3A_615 = arith.addi %mul3A_613, %add3A_614 : i32
          %dma_start3A_616 = arith.constant 700 : i32
          %dma_start3A_617 = arith.constant 0 : i32
          %dma_start3A_618 = tpu.memref_slice %arg7[%dma_start3A_616, %dma_start3A_617] : memref<800x32xf32, #tpu.memory_space<vmem>> -> memref<50x32xf32, #tpu.memory_space<vmem>>
          %dma_start3A_619 = arith.constant 0 : i32
          %dma_start3A_620 = tpu.memref_slice %arg5[%add3A_615, %dma_start3A_619] : memref<512x50xi32, #tpu.memory_space<vmem>> -> memref<1x50xi32, #tpu.memory_space<vmem>>
          %dma_start3A_621 = tpu.memref_squeeze %dma_start3A_620 : memref<1x50xi32, #tpu.memory_space<vmem>> -> memref<50xi32, #tpu.memory_space<vmem>>
          %dma_start3A_622 = arith.constant 0 : i32
          %dma_start3A_623 = arith.constant 0 : i32
          %dma_start3A_624 = tpu.memref_slice %arg3[%dma_start3A_622, %dma_start3A_623] : memref<1000000x32xf32, #tpu.memory_space<hbm>> -> memref<1000000x32xf32, #tpu.memory_space<hbm>>
          tpu.enqueue_indirect_dma source(%dma_start3A_624 : memref<1000000x32xf32, #tpu.memory_space<hbm>>) target(%dma_start3A_618 : memref<50x32xf32, #tpu.memory_space<vmem>>) offsets(%dma_start3A_621 : memref<50xi32, #tpu.memory_space<vmem>>) semaphore(%arg10 : memref<!tpu.dma_semaphore, #tpu.memory_space<semaphore_mem>>)
          %mul3A_625 = arith.constant 16 : i32
          %mul3A_626 = arith.muli %add3A_429, %mul3A_625 : i32
          %add3A_627 = arith.constant 15 : i32
          %add3A_628 = arith.addi %mul3A_626, %add3A_627 : i32
          %dma_start3A_629 = arith.constant 750 : i32
          %dma_start3A_630 = arith.constant 0 : i32
          %dma_start3A_631 = tpu.memref_slice %arg7[%dma_start3A_629, %dma_start3A_630] : memref<800x32xf32, #tpu.memory_space<vmem>> -> memref<50x32xf32, #tpu.memory_space<vmem>>
          %dma_start3A_632 = arith.constant 0 : i32
          %dma_start3A_633 = tpu.memref_slice %arg5[%add3A_628, %dma_start3A_632] : memref<512x50xi32, #tpu.memory_space<vmem>> -> memref<1x50xi32, #tpu.memory_space<vmem>>
          %dma_start3A_634 = tpu.memref_squeeze %dma_start3A_633 : memref<1x50xi32, #tpu.memory_space<vmem>> -> memref<50xi32, #tpu.memory_space<vmem>>
          %dma_start3A_635 = arith.constant 0 : i32
          %dma_start3A_636 = arith.constant 0 : i32
          %dma_start3A_637 = tpu.memref_slice %arg3[%dma_start3A_635, %dma_start3A_636] : memref<1000000x32xf32, #tpu.memory_space<hbm>> -> memref<1000000x32xf32, #tpu.memory_space<hbm>>
          tpu.enqueue_indirect_dma source(%dma_start3A_637 : memref<1000000x32xf32, #tpu.memory_space<hbm>>) target(%dma_start3A_631 : memref<50x32xf32, #tpu.memory_space<vmem>>) offsets(%dma_start3A_634 : memref<50xi32, #tpu.memory_space<vmem>>) semaphore(%arg10 : memref<!tpu.dma_semaphore, #tpu.memory_space<semaphore_mem>>)
        } else {
        }
        %mul3A_216 = arith.constant 16 : i32
        %mul3A_217 = arith.muli %add3A_201, %mul3A_216 : i32
        %add3A_218 = arith.constant 0 : i32
        %add3A_219 = arith.addi %mul3A_217, %add3A_218 : i32
        %dma_wait3A = arith.constant 0 : i32
        %dma_wait3A_220 = arith.constant 0 : i32
        %dma_wait3A_221 = tpu.memref_slice %arg6[%dma_wait3A, %dma_wait3A_220] : memref<800x32xf32, #tpu.memory_space<vmem>> -> memref<50x32xf32, #tpu.memory_space<vmem>>
        %dma_wait3A_222 = arith.constant 0 : i32
        %dma_wait3A_223 = tpu.memref_slice %arg5[%add3A_219, %dma_wait3A_222] : memref<512x50xi32, #tpu.memory_space<vmem>> -> memref<1x50xi32, #tpu.memory_space<vmem>>
        %dma_wait3A_224 = tpu.memref_squeeze %dma_wait3A_223 : memref<1x50xi32, #tpu.memory_space<vmem>> -> memref<50xi32, #tpu.memory_space<vmem>>
        %dma_wait3A_225 = arith.constant 0 : i32
        %dma_wait3A_226 = arith.constant 0 : i32
        %dma_wait3A_227 = tpu.memref_slice %arg3[%dma_wait3A_225, %dma_wait3A_226] : memref<1000000x32xf32, #tpu.memory_space<hbm>> -> memref<1000000x32xf32, #tpu.memory_space<hbm>>
        tpu.wait_indirect_dma semaphore(%arg9 : memref<!tpu.dma_semaphore, #tpu.memory_space<semaphore_mem>>) src(%dma_wait3A_227 : memref<1000000x32xf32, #tpu.memory_space<hbm>>) dst(%dma_wait3A_221 : memref<50x32xf32, #tpu.memory_space<vmem>>)
        %mul3A_228 = arith.constant 16 : i32
        %mul3A_229 = arith.muli %add3A_201, %mul3A_228 : i32
        %add3A_230 = arith.constant 1 : i32
        %add3A_231 = arith.addi %mul3A_229, %add3A_230 : i32
        %dma_wait3A_232 = arith.constant 50 : i32
        %dma_wait3A_233 = arith.constant 0 : i32
        %dma_wait3A_234 = tpu.memref_slice %arg6[%dma_wait3A_232, %dma_wait3A_233] : memref<800x32xf32, #tpu.memory_space<vmem>> -> memref<50x32xf32, #tpu.memory_space<vmem>>
        %dma_wait3A_235 = arith.constant 0 : i32
        %dma_wait3A_236 = tpu.memref_slice %arg5[%add3A_231, %dma_wait3A_235] : memref<512x50xi32, #tpu.memory_space<vmem>> -> memref<1x50xi32, #tpu.memory_space<vmem>>
        %dma_wait3A_237 = tpu.memref_squeeze %dma_wait3A_236 : memref<1x50xi32, #tpu.memory_space<vmem>> -> memref<50xi32, #tpu.memory_space<vmem>>
        %dma_wait3A_238 = arith.constant 0 : i32
        %dma_wait3A_239 = arith.constant 0 : i32
        %dma_wait3A_240 = tpu.memref_slice %arg3[%dma_wait3A_238, %dma_wait3A_239] : memref<1000000x32xf32, #tpu.memory_space<hbm>> -> memref<1000000x32xf32, #tpu.memory_space<hbm>>
        tpu.wait_indirect_dma semaphore(%arg9 : memref<!tpu.dma_semaphore, #tpu.memory_space<semaphore_mem>>) src(%dma_wait3A_240 : memref<1000000x32xf32, #tpu.memory_space<hbm>>) dst(%dma_wait3A_234 : memref<50x32xf32, #tpu.memory_space<vmem>>)
        %mul3A_241 = arith.constant 16 : i32
        %mul3A_242 = arith.muli %add3A_201, %mul3A_241 : i32
        %add3A_243 = arith.constant 2 : i32
        %add3A_244 = arith.addi %mul3A_242, %add3A_243 : i32
        %dma_wait3A_245 = arith.constant 100 : i32
        %dma_wait3A_246 = arith.constant 0 : i32
        %dma_wait3A_247 = tpu.memref_slice %arg6[%dma_wait3A_245, %dma_wait3A_246] : memref<800x32xf32, #tpu.memory_space<vmem>> -> memref<50x32xf32, #tpu.memory_space<vmem>>
        %dma_wait3A_248 = arith.constant 0 : i32
        %dma_wait3A_249 = tpu.memref_slice %arg5[%add3A_244, %dma_wait3A_248] : memref<512x50xi32, #tpu.memory_space<vmem>> -> memref<1x50xi32, #tpu.memory_space<vmem>>
        %dma_wait3A_250 = tpu.memref_squeeze %dma_wait3A_249 : memref<1x50xi32, #tpu.memory_space<vmem>> -> memref<50xi32, #tpu.memory_space<vmem>>
        %dma_wait3A_251 = arith.constant 0 : i32
        %dma_wait3A_252 = arith.constant 0 : i32
        %dma_wait3A_253 = tpu.memref_slice %arg3[%dma_wait3A_251, %dma_wait3A_252] : memref<1000000x32xf32, #tpu.memory_space<hbm>> -> memref<1000000x32xf32, #tpu.memory_space<hbm>>
        tpu.wait_indirect_dma semaphore(%arg9 : memref<!tpu.dma_semaphore, #tpu.memory_space<semaphore_mem>>) src(%dma_wait3A_253 : memref<1000000x32xf32, #tpu.memory_space<hbm>>) dst(%dma_wait3A_247 : memref<50x32xf32, #tpu.memory_space<vmem>>)
        %mul3A_254 = arith.constant 16 : i32
        %mul3A_255 = arith.muli %add3A_201, %mul3A_254 : i32
        %add3A_256 = arith.constant 3 : i32
        %add3A_257 = arith.addi %mul3A_255, %add3A_256 : i32
        %dma_wait3A_258 = arith.constant 150 : i32
        %dma_wait3A_259 = arith.constant 0 : i32
        %dma_wait3A_260 = tpu.memref_slice %arg6[%dma_wait3A_258, %dma_wait3A_259] : memref<800x32xf32, #tpu.memory_space<vmem>> -> memref<50x32xf32, #tpu.memory_space<vmem>>
        %dma_wait3A_261 = arith.constant 0 : i32
        %dma_wait3A_262 = tpu.memref_slice %arg5[%add3A_257, %dma_wait3A_261] : memref<512x50xi32, #tpu.memory_space<vmem>> -> memref<1x50xi32, #tpu.memory_space<vmem>>
        %dma_wait3A_263 = tpu.memref_squeeze %dma_wait3A_262 : memref<1x50xi32, #tpu.memory_space<vmem>> -> memref<50xi32, #tpu.memory_space<vmem>>
        %dma_wait3A_264 = arith.constant 0 : i32
        %dma_wait3A_265 = arith.constant 0 : i32
        %dma_wait3A_266 = tpu.memref_slice %arg3[%dma_wait3A_264, %dma_wait3A_265] : memref<1000000x32xf32, #tpu.memory_space<hbm>> -> memref<1000000x32xf32, #tpu.memory_space<hbm>>
        tpu.wait_indirect_dma semaphore(%arg9 : memref<!tpu.dma_semaphore, #tpu.memory_space<semaphore_mem>>) src(%dma_wait3A_266 : memref<1000000x32xf32, #tpu.memory_space<hbm>>) dst(%dma_wait3A_260 : memref<50x32xf32, #tpu.memory_space<vmem>>)
        %mul3A_267 = arith.constant 16 : i32
        %mul3A_268 = arith.muli %add3A_201, %mul3A_267 : i32
        %add3A_269 = arith.constant 4 : i32
        %add3A_270 = arith.addi %mul3A_268, %add3A_269 : i32
        %dma_wait3A_271 = arith.constant 200 : i32
        %dma_wait3A_272 = arith.constant 0 : i32
        %dma_wait3A_273 = tpu.memref_slice %arg6[%dma_wait3A_271, %dma_wait3A_272] : memref<800x32xf32, #tpu.memory_space<vmem>> -> memref<50x32xf32, #tpu.memory_space<vmem>>
        %dma_wait3A_274 = arith.constant 0 : i32
        %dma_wait3A_275 = tpu.memref_slice %arg5[%add3A_270, %dma_wait3A_274] : memref<512x50xi32, #tpu.memory_space<vmem>> -> memref<1x50xi32, #tpu.memory_space<vmem>>
        %dma_wait3A_276 = tpu.memref_squeeze %dma_wait3A_275 : memref<1x50xi32, #tpu.memory_space<vmem>> -> memref<50xi32, #tpu.memory_space<vmem>>
        %dma_wait3A_277 = arith.constant 0 : i32
        %dma_wait3A_278 = arith.constant 0 : i32
        %dma_wait3A_279 = tpu.memref_slice %arg3[%dma_wait3A_277, %dma_wait3A_278] : memref<1000000x32xf32, #tpu.memory_space<hbm>> -> memref<1000000x32xf32, #tpu.memory_space<hbm>>
        tpu.wait_indirect_dma semaphore(%arg9 : memref<!tpu.dma_semaphore, #tpu.memory_space<semaphore_mem>>) src(%dma_wait3A_279 : memref<1000000x32xf32, #tpu.memory_space<hbm>>) dst(%dma_wait3A_273 : memref<50x32xf32, #tpu.memory_space<vmem>>)
        %mul3A_280 = arith.constant 16 : i32
        %mul3A_281 = arith.muli %add3A_201, %mul3A_280 : i32
        %add3A_282 = arith.constant 5 : i32
        %add3A_283 = arith.addi %mul3A_281, %add3A_282 : i32
        %dma_wait3A_284 = arith.constant 250 : i32
        %dma_wait3A_285 = arith.constant 0 : i32
        %dma_wait3A_286 = tpu.memref_slice %arg6[%dma_wait3A_284, %dma_wait3A_285] : memref<800x32xf32, #tpu.memory_space<vmem>> -> memref<50x32xf32, #tpu.memory_space<vmem>>
        %dma_wait3A_287 = arith.constant 0 : i32
        %dma_wait3A_288 = tpu.memref_slice %arg5[%add3A_283, %dma_wait3A_287] : memref<512x50xi32, #tpu.memory_space<vmem>> -> memref<1x50xi32, #tpu.memory_space<vmem>>
        %dma_wait3A_289 = tpu.memref_squeeze %dma_wait3A_288 : memref<1x50xi32, #tpu.memory_space<vmem>> -> memref<50xi32, #tpu.memory_space<vmem>>
        %dma_wait3A_290 = arith.constant 0 : i32
        %dma_wait3A_291 = arith.constant 0 : i32
        %dma_wait3A_292 = tpu.memref_slice %arg3[%dma_wait3A_290, %dma_wait3A_291] : memref<1000000x32xf32, #tpu.memory_space<hbm>> -> memref<1000000x32xf32, #tpu.memory_space<hbm>>
        tpu.wait_indirect_dma semaphore(%arg9 : memref<!tpu.dma_semaphore, #tpu.memory_space<semaphore_mem>>) src(%dma_wait3A_292 : memref<1000000x32xf32, #tpu.memory_space<hbm>>) dst(%dma_wait3A_286 : memref<50x32xf32, #tpu.memory_space<vmem>>)
        %mul3A_293 = arith.constant 16 : i32
        %mul3A_294 = arith.muli %add3A_201, %mul3A_293 : i32
        %add3A_295 = arith.constant 6 : i32
        %add3A_296 = arith.addi %mul3A_294, %add3A_295 : i32
        %dma_wait3A_297 = arith.constant 300 : i32
        %dma_wait3A_298 = arith.constant 0 : i32
        %dma_wait3A_299 = tpu.memref_slice %arg6[%dma_wait3A_297, %dma_wait3A_298] : memref<800x32xf32, #tpu.memory_space<vmem>> -> memref<50x32xf32, #tpu.memory_space<vmem>>
        %dma_wait3A_300 = arith.constant 0 : i32
        %dma_wait3A_301 = tpu.memref_slice %arg5[%add3A_296, %dma_wait3A_300] : memref<512x50xi32, #tpu.memory_space<vmem>> -> memref<1x50xi32, #tpu.memory_space<vmem>>
        %dma_wait3A_302 = tpu.memref_squeeze %dma_wait3A_301 : memref<1x50xi32, #tpu.memory_space<vmem>> -> memref<50xi32, #tpu.memory_space<vmem>>
        %dma_wait3A_303 = arith.constant 0 : i32
        %dma_wait3A_304 = arith.constant 0 : i32
        %dma_wait3A_305 = tpu.memref_slice %arg3[%dma_wait3A_303, %dma_wait3A_304] : memref<1000000x32xf32, #tpu.memory_space<hbm>> -> memref<1000000x32xf32, #tpu.memory_space<hbm>>
        tpu.wait_indirect_dma semaphore(%arg9 : memref<!tpu.dma_semaphore, #tpu.memory_space<semaphore_mem>>) src(%dma_wait3A_305 : memref<1000000x32xf32, #tpu.memory_space<hbm>>) dst(%dma_wait3A_299 : memref<50x32xf32, #tpu.memory_space<vmem>>)
        %mul3A_306 = arith.constant 16 : i32
        %mul3A_307 = arith.muli %add3A_201, %mul3A_306 : i32
        %add3A_308 = arith.constant 7 : i32
        %add3A_309 = arith.addi %mul3A_307, %add3A_308 : i32
        %dma_wait3A_310 = arith.constant 350 : i32
        %dma_wait3A_311 = arith.constant 0 : i32
        %dma_wait3A_312 = tpu.memref_slice %arg6[%dma_wait3A_310, %dma_wait3A_311] : memref<800x32xf32, #tpu.memory_space<vmem>> -> memref<50x32xf32, #tpu.memory_space<vmem>>
        %dma_wait3A_313 = arith.constant 0 : i32
        %dma_wait3A_314 = tpu.memref_slice %arg5[%add3A_309, %dma_wait3A_313] : memref<512x50xi32, #tpu.memory_space<vmem>> -> memref<1x50xi32, #tpu.memory_space<vmem>>
        %dma_wait3A_315 = tpu.memref_squeeze %dma_wait3A_314 : memref<1x50xi32, #tpu.memory_space<vmem>> -> memref<50xi32, #tpu.memory_space<vmem>>
        %dma_wait3A_316 = arith.constant 0 : i32
        %dma_wait3A_317 = arith.constant 0 : i32
        %dma_wait3A_318 = tpu.memref_slice %arg3[%dma_wait3A_316, %dma_wait3A_317] : memref<1000000x32xf32, #tpu.memory_space<hbm>> -> memref<1000000x32xf32, #tpu.memory_space<hbm>>
        tpu.wait_indirect_dma semaphore(%arg9 : memref<!tpu.dma_semaphore, #tpu.memory_space<semaphore_mem>>) src(%dma_wait3A_318 : memref<1000000x32xf32, #tpu.memory_space<hbm>>) dst(%dma_wait3A_312 : memref<50x32xf32, #tpu.memory_space<vmem>>)
        %mul3A_319 = arith.constant 16 : i32
        %mul3A_320 = arith.muli %add3A_201, %mul3A_319 : i32
        %add3A_321 = arith.constant 8 : i32
        %add3A_322 = arith.addi %mul3A_320, %add3A_321 : i32
        %dma_wait3A_323 = arith.constant 400 : i32
        %dma_wait3A_324 = arith.constant 0 : i32
        %dma_wait3A_325 = tpu.memref_slice %arg6[%dma_wait3A_323, %dma_wait3A_324] : memref<800x32xf32, #tpu.memory_space<vmem>> -> memref<50x32xf32, #tpu.memory_space<vmem>>
        %dma_wait3A_326 = arith.constant 0 : i32
        %dma_wait3A_327 = tpu.memref_slice %arg5[%add3A_322, %dma_wait3A_326] : memref<512x50xi32, #tpu.memory_space<vmem>> -> memref<1x50xi32, #tpu.memory_space<vmem>>
        %dma_wait3A_328 = tpu.memref_squeeze %dma_wait3A_327 : memref<1x50xi32, #tpu.memory_space<vmem>> -> memref<50xi32, #tpu.memory_space<vmem>>
        %dma_wait3A_329 = arith.constant 0 : i32
        %dma_wait3A_330 = arith.constant 0 : i32
        %dma_wait3A_331 = tpu.memref_slice %arg3[%dma_wait3A_329, %dma_wait3A_330] : memref<1000000x32xf32, #tpu.memory_space<hbm>> -> memref<1000000x32xf32, #tpu.memory_space<hbm>>
        tpu.wait_indirect_dma semaphore(%arg9 : memref<!tpu.dma_semaphore, #tpu.memory_space<semaphore_mem>>) src(%dma_wait3A_331 : memref<1000000x32xf32, #tpu.memory_space<hbm>>) dst(%dma_wait3A_325 : memref<50x32xf32, #tpu.memory_space<vmem>>)
        %mul3A_332 = arith.constant 16 : i32
        %mul3A_333 = arith.muli %add3A_201, %mul3A_332 : i32
        %add3A_334 = arith.constant 9 : i32
        %add3A_335 = arith.addi %mul3A_333, %add3A_334 : i32
        %dma_wait3A_336 = arith.constant 450 : i32
        %dma_wait3A_337 = arith.constant 0 : i32
        %dma_wait3A_338 = tpu.memref_slice %arg6[%dma_wait3A_336, %dma_wait3A_337] : memref<800x32xf32, #tpu.memory_space<vmem>> -> memref<50x32xf32, #tpu.memory_space<vmem>>
        %dma_wait3A_339 = arith.constant 0 : i32
        %dma_wait3A_340 = tpu.memref_slice %arg5[%add3A_335, %dma_wait3A_339] : memref<512x50xi32, #tpu.memory_space<vmem>> -> memref<1x50xi32, #tpu.memory_space<vmem>>
        %dma_wait3A_341 = tpu.memref_squeeze %dma_wait3A_340 : memref<1x50xi32, #tpu.memory_space<vmem>> -> memref<50xi32, #tpu.memory_space<vmem>>
        %dma_wait3A_342 = arith.constant 0 : i32
        %dma_wait3A_343 = arith.constant 0 : i32
        %dma_wait3A_344 = tpu.memref_slice %arg3[%dma_wait3A_342, %dma_wait3A_343] : memref<1000000x32xf32, #tpu.memory_space<hbm>> -> memref<1000000x32xf32, #tpu.memory_space<hbm>>
        tpu.wait_indirect_dma semaphore(%arg9 : memref<!tpu.dma_semaphore, #tpu.memory_space<semaphore_mem>>) src(%dma_wait3A_344 : memref<1000000x32xf32, #tpu.memory_space<hbm>>) dst(%dma_wait3A_338 : memref<50x32xf32, #tpu.memory_space<vmem>>)
        %mul3A_345 = arith.constant 16 : i32
        %mul3A_346 = arith.muli %add3A_201, %mul3A_345 : i32
        %add3A_347 = arith.constant 10 : i32
        %add3A_348 = arith.addi %mul3A_346, %add3A_347 : i32
        %dma_wait3A_349 = arith.constant 500 : i32
        %dma_wait3A_350 = arith.constant 0 : i32
        %dma_wait3A_351 = tpu.memref_slice %arg6[%dma_wait3A_349, %dma_wait3A_350] : memref<800x32xf32, #tpu.memory_space<vmem>> -> memref<50x32xf32, #tpu.memory_space<vmem>>
        %dma_wait3A_352 = arith.constant 0 : i32
        %dma_wait3A_353 = tpu.memref_slice %arg5[%add3A_348, %dma_wait3A_352] : memref<512x50xi32, #tpu.memory_space<vmem>> -> memref<1x50xi32, #tpu.memory_space<vmem>>
        %dma_wait3A_354 = tpu.memref_squeeze %dma_wait3A_353 : memref<1x50xi32, #tpu.memory_space<vmem>> -> memref<50xi32, #tpu.memory_space<vmem>>
        %dma_wait3A_355 = arith.constant 0 : i32
        %dma_wait3A_356 = arith.constant 0 : i32
        %dma_wait3A_357 = tpu.memref_slice %arg3[%dma_wait3A_355, %dma_wait3A_356] : memref<1000000x32xf32, #tpu.memory_space<hbm>> -> memref<1000000x32xf32, #tpu.memory_space<hbm>>
        tpu.wait_indirect_dma semaphore(%arg9 : memref<!tpu.dma_semaphore, #tpu.memory_space<semaphore_mem>>) src(%dma_wait3A_357 : memref<1000000x32xf32, #tpu.memory_space<hbm>>) dst(%dma_wait3A_351 : memref<50x32xf32, #tpu.memory_space<vmem>>)
        %mul3A_358 = arith.constant 16 : i32
        %mul3A_359 = arith.muli %add3A_201, %mul3A_358 : i32
        %add3A_360 = arith.constant 11 : i32
        %add3A_361 = arith.addi %mul3A_359, %add3A_360 : i32
        %dma_wait3A_362 = arith.constant 550 : i32
        %dma_wait3A_363 = arith.constant 0 : i32
        %dma_wait3A_364 = tpu.memref_slice %arg6[%dma_wait3A_362, %dma_wait3A_363] : memref<800x32xf32, #tpu.memory_space<vmem>> -> memref<50x32xf32, #tpu.memory_space<vmem>>
        %dma_wait3A_365 = arith.constant 0 : i32
        %dma_wait3A_366 = tpu.memref_slice %arg5[%add3A_361, %dma_wait3A_365] : memref<512x50xi32, #tpu.memory_space<vmem>> -> memref<1x50xi32, #tpu.memory_space<vmem>>
        %dma_wait3A_367 = tpu.memref_squeeze %dma_wait3A_366 : memref<1x50xi32, #tpu.memory_space<vmem>> -> memref<50xi32, #tpu.memory_space<vmem>>
        %dma_wait3A_368 = arith.constant 0 : i32
        %dma_wait3A_369 = arith.constant 0 : i32
        %dma_wait3A_370 = tpu.memref_slice %arg3[%dma_wait3A_368, %dma_wait3A_369] : memref<1000000x32xf32, #tpu.memory_space<hbm>> -> memref<1000000x32xf32, #tpu.memory_space<hbm>>
        tpu.wait_indirect_dma semaphore(%arg9 : memref<!tpu.dma_semaphore, #tpu.memory_space<semaphore_mem>>) src(%dma_wait3A_370 : memref<1000000x32xf32, #tpu.memory_space<hbm>>) dst(%dma_wait3A_364 : memref<50x32xf32, #tpu.memory_space<vmem>>)
        %mul3A_371 = arith.constant 16 : i32
        %mul3A_372 = arith.muli %add3A_201, %mul3A_371 : i32
        %add3A_373 = arith.constant 12 : i32
        %add3A_374 = arith.addi %mul3A_372, %add3A_373 : i32
        %dma_wait3A_375 = arith.constant 600 : i32
        %dma_wait3A_376 = arith.constant 0 : i32
        %dma_wait3A_377 = tpu.memref_slice %arg6[%dma_wait3A_375, %dma_wait3A_376] : memref<800x32xf32, #tpu.memory_space<vmem>> -> memref<50x32xf32, #tpu.memory_space<vmem>>
        %dma_wait3A_378 = arith.constant 0 : i32
        %dma_wait3A_379 = tpu.memref_slice %arg5[%add3A_374, %dma_wait3A_378] : memref<512x50xi32, #tpu.memory_space<vmem>> -> memref<1x50xi32, #tpu.memory_space<vmem>>
        %dma_wait3A_380 = tpu.memref_squeeze %dma_wait3A_379 : memref<1x50xi32, #tpu.memory_space<vmem>> -> memref<50xi32, #tpu.memory_space<vmem>>
        %dma_wait3A_381 = arith.constant 0 : i32
        %dma_wait3A_382 = arith.constant 0 : i32
        %dma_wait3A_383 = tpu.memref_slice %arg3[%dma_wait3A_381, %dma_wait3A_382] : memref<1000000x32xf32, #tpu.memory_space<hbm>> -> memref<1000000x32xf32, #tpu.memory_space<hbm>>
        tpu.wait_indirect_dma semaphore(%arg9 : memref<!tpu.dma_semaphore, #tpu.memory_space<semaphore_mem>>) src(%dma_wait3A_383 : memref<1000000x32xf32, #tpu.memory_space<hbm>>) dst(%dma_wait3A_377 : memref<50x32xf32, #tpu.memory_space<vmem>>)
        %mul3A_384 = arith.constant 16 : i32
        %mul3A_385 = arith.muli %add3A_201, %mul3A_384 : i32
        %add3A_386 = arith.constant 13 : i32
        %add3A_387 = arith.addi %mul3A_385, %add3A_386 : i32
        %dma_wait3A_388 = arith.constant 650 : i32
        %dma_wait3A_389 = arith.constant 0 : i32
        %dma_wait3A_390 = tpu.memref_slice %arg6[%dma_wait3A_388, %dma_wait3A_389] : memref<800x32xf32, #tpu.memory_space<vmem>> -> memref<50x32xf32, #tpu.memory_space<vmem>>
        %dma_wait3A_391 = arith.constant 0 : i32
        %dma_wait3A_392 = tpu.memref_slice %arg5[%add3A_387, %dma_wait3A_391] : memref<512x50xi32, #tpu.memory_space<vmem>> -> memref<1x50xi32, #tpu.memory_space<vmem>>
        %dma_wait3A_393 = tpu.memref_squeeze %dma_wait3A_392 : memref<1x50xi32, #tpu.memory_space<vmem>> -> memref<50xi32, #tpu.memory_space<vmem>>
        %dma_wait3A_394 = arith.constant 0 : i32
        %dma_wait3A_395 = arith.constant 0 : i32
        %dma_wait3A_396 = tpu.memref_slice %arg3[%dma_wait3A_394, %dma_wait3A_395] : memref<1000000x32xf32, #tpu.memory_space<hbm>> -> memref<1000000x32xf32, #tpu.memory_space<hbm>>
        tpu.wait_indirect_dma semaphore(%arg9 : memref<!tpu.dma_semaphore, #tpu.memory_space<semaphore_mem>>) src(%dma_wait3A_396 : memref<1000000x32xf32, #tpu.memory_space<hbm>>) dst(%dma_wait3A_390 : memref<50x32xf32, #tpu.memory_space<vmem>>)
        %mul3A_397 = arith.constant 16 : i32
        %mul3A_398 = arith.muli %add3A_201, %mul3A_397 : i32
        %add3A_399 = arith.constant 14 : i32
        %add3A_400 = arith.addi %mul3A_398, %add3A_399 : i32
        %dma_wait3A_401 = arith.constant 700 : i32
        %dma_wait3A_402 = arith.constant 0 : i32
        %dma_wait3A_403 = tpu.memref_slice %arg6[%dma_wait3A_401, %dma_wait3A_402] : memref<800x32xf32, #tpu.memory_space<vmem>> -> memref<50x32xf32, #tpu.memory_space<vmem>>
        %dma_wait3A_404 = arith.constant 0 : i32
        %dma_wait3A_405 = tpu.memref_slice %arg5[%add3A_400, %dma_wait3A_404] : memref<512x50xi32, #tpu.memory_space<vmem>> -> memref<1x50xi32, #tpu.memory_space<vmem>>
        %dma_wait3A_406 = tpu.memref_squeeze %dma_wait3A_405 : memref<1x50xi32, #tpu.memory_space<vmem>> -> memref<50xi32, #tpu.memory_space<vmem>>
        %dma_wait3A_407 = arith.constant 0 : i32
        %dma_wait3A_408 = arith.constant 0 : i32
        %dma_wait3A_409 = tpu.memref_slice %arg3[%dma_wait3A_407, %dma_wait3A_408] : memref<1000000x32xf32, #tpu.memory_space<hbm>> -> memref<1000000x32xf32, #tpu.memory_space<hbm>>
        tpu.wait_indirect_dma semaphore(%arg9 : memref<!tpu.dma_semaphore, #tpu.memory_space<semaphore_mem>>) src(%dma_wait3A_409 : memref<1000000x32xf32, #tpu.memory_space<hbm>>) dst(%dma_wait3A_403 : memref<50x32xf32, #tpu.memory_space<vmem>>)
        %mul3A_410 = arith.constant 16 : i32
        %mul3A_411 = arith.muli %add3A_201, %mul3A_410 : i32
        %add3A_412 = arith.constant 15 : i32
        %add3A_413 = arith.addi %mul3A_411, %add3A_412 : i32
        %dma_wait3A_414 = arith.constant 750 : i32
        %dma_wait3A_415 = arith.constant 0 : i32
        %dma_wait3A_416 = tpu.memref_slice %arg6[%dma_wait3A_414, %dma_wait3A_415] : memref<800x32xf32, #tpu.memory_space<vmem>> -> memref<50x32xf32, #tpu.memory_space<vmem>>
        %dma_wait3A_417 = arith.constant 0 : i32
        %dma_wait3A_418 = tpu.memref_slice %arg5[%add3A_413, %dma_wait3A_417] : memref<512x50xi32, #tpu.memory_space<vmem>> -> memref<1x50xi32, #tpu.memory_space<vmem>>
        %dma_wait3A_419 = tpu.memref_squeeze %dma_wait3A_418 : memref<1x50xi32, #tpu.memory_space<vmem>> -> memref<50xi32, #tpu.memory_space<vmem>>
        %dma_wait3A_420 = arith.constant 0 : i32
        %dma_wait3A_421 = arith.constant 0 : i32
        %dma_wait3A_422 = tpu.memref_slice %arg3[%dma_wait3A_420, %dma_wait3A_421] : memref<1000000x32xf32, #tpu.memory_space<hbm>> -> memref<1000000x32xf32, #tpu.memory_space<hbm>>
        tpu.wait_indirect_dma semaphore(%arg9 : memref<!tpu.dma_semaphore, #tpu.memory_space<semaphore_mem>>) src(%dma_wait3A_422 : memref<1000000x32xf32, #tpu.memory_space<hbm>>) dst(%dma_wait3A_416 : memref<50x32xf32, #tpu.memory_space<vmem>>)
        %parallel_loop3A = arith.constant 0 : i32
        %parallel_loop3A_423 = arith.constant 50 : i32
        %parallel_loop3A_424 = arith.constant 1 : i32
        scf.for %parallel_loop3A_428 = %parallel_loop3A to %parallel_loop3A_423 step %parallel_loop3A_424  : i32 {
          %parallel_loop3A_429 = arith.constant 32 : i32
          %parallel_loop3A_430 = arith.muli %parallel_loop3A_428, %parallel_loop3A_429 : i32
          %parallel_loop3A_431 = vector.broadcast %parallel_loop3A_430 : i32 to vector<16xi32>
          %parallel_loop3A_432 = arith.addi %iota3A, %parallel_loop3A_431 : vector<16xi32>
          %parallel_loop3A_433 = arith.constant 16 : i32
          %parallel_loop3A_434 = vector.broadcast %parallel_loop3A_433 : i32 to vector<16xi32>
          %parallel_loop3A_435 = arith.addi %parallel_loop3A_432, %parallel_loop3A_434 : vector<16xi32>
          %parallel_loop3A_436 = arith.constant 0 : i32
          %parallel_loop3A_437 = arith.addi %parallel_loop3A_436, %parallel_loop3A_428 : i32
          %parallel_loop3A_438 = arith.index_cast %parallel_loop3A_437 : i32 to index
          %parallel_loop3A_439 = arith.constant 0 : index
          %parallel_loop3A_440 = tpu.vector_load %arg6[%parallel_loop3A_438, %parallel_loop3A_439] {strides = array<i32>} : memref<800x32xf32, #tpu.memory_space<vmem>>, vector<16xf32>,
          %parallel_loop3A_441 = arith.index_cast %parallel_loop3A_437 : i32 to index
          %parallel_loop3A_442 = arith.constant 16 : index
          %parallel_loop3A_443 = tpu.vector_load %arg6[%parallel_loop3A_441, %parallel_loop3A_442] {strides = array<i32>} : memref<800x32xf32, #tpu.memory_space<vmem>>, vector<16xf32>,
          tpu.vector_store_idx %arg8[%parallel_loop3A_432, %broadcast_in_dim3A_3], %parallel_loop3A_440 : memref<1600x17xf32, #tpu.memory_space<vmem>>[vector<16xi32>, vector<16xi32>], vector<16xf32>,
          tpu.vector_store_idx %arg8[%parallel_loop3A_435, %broadcast_in_dim3A_3], %parallel_loop3A_443 : memref<1600x17xf32, #tpu.memory_space<vmem>>[vector<16xi32>, vector<16xi32>], vector<16xf32>,
          %parallel_loop3A_444 = arith.constant 50 : i32
          %parallel_loop3A_445 = arith.addi %parallel_loop3A_444, %parallel_loop3A_428 : i32
          %parallel_loop3A_446 = arith.index_cast %parallel_loop3A_445 : i32 to index
          %parallel_loop3A_447 = arith.constant 0 : index
          %parallel_loop3A_448 = tpu.vector_load %arg6[%parallel_loop3A_446, %parallel_loop3A_447] {strides = array<i32>} : memref<800x32xf32, #tpu.memory_space<vmem>>, vector<16xf32>,
          %parallel_loop3A_449 = arith.index_cast %parallel_loop3A_445 : i32 to index
          %parallel_loop3A_450 = arith.constant 16 : index
          %parallel_loop3A_451 = tpu.vector_load %arg6[%parallel_loop3A_449, %parallel_loop3A_450] {strides = array<i32>} : memref<800x32xf32, #tpu.memory_space<vmem>>, vector<16xf32>,
          tpu.vector_store_idx %arg8[%parallel_loop3A_432, %broadcast_in_dim3A_5], %parallel_loop3A_448 : memref<1600x17xf32, #tpu.memory_space<vmem>>[vector<16xi32>, vector<16xi32>], vector<16xf32>,
          tpu.vector_store_idx %arg8[%parallel_loop3A_435, %broadcast_in_dim3A_5], %parallel_loop3A_451 : memref<1600x17xf32, #tpu.memory_space<vmem>>[vector<16xi32>, vector<16xi32>], vector<16xf32>,
          %parallel_loop3A_452 = arith.constant 100 : i32
          %parallel_loop3A_453 = arith.addi %parallel_loop3A_452, %parallel_loop3A_428 : i32
          %parallel_loop3A_454 = arith.index_cast %parallel_loop3A_453 : i32 to index
          %parallel_loop3A_455 = arith.constant 0 : index
          %parallel_loop3A_456 = tpu.vector_load %arg6[%parallel_loop3A_454, %parallel_loop3A_455] {strides = array<i32>} : memref<800x32xf32, #tpu.memory_space<vmem>>, vector<16xf32>,
          %parallel_loop3A_457 = arith.index_cast %parallel_loop3A_453 : i32 to index
          %parallel_loop3A_458 = arith.constant 16 : index
          %parallel_loop3A_459 = tpu.vector_load %arg6[%parallel_loop3A_457, %parallel_loop3A_458] {strides = array<i32>} : memref<800x32xf32, #tpu.memory_space<vmem>>, vector<16xf32>,
          tpu.vector_store_idx %arg8[%parallel_loop3A_432, %broadcast_in_dim3A_7], %parallel_loop3A_456 : memref<1600x17xf32, #tpu.memory_space<vmem>>[vector<16xi32>, vector<16xi32>], vector<16xf32>,
          tpu.vector_store_idx %arg8[%parallel_loop3A_435, %broadcast_in_dim3A_7], %parallel_loop3A_459 : memref<1600x17xf32, #tpu.memory_space<vmem>>[vector<16xi32>, vector<16xi32>], vector<16xf32>,
          %parallel_loop3A_460 = arith.constant 150 : i32
          %parallel_loop3A_461 = arith.addi %parallel_loop3A_460, %parallel_loop3A_428 : i32
          %parallel_loop3A_462 = arith.index_cast %parallel_loop3A_461 : i32 to index
          %parallel_loop3A_463 = arith.constant 0 : index
          %parallel_loop3A_464 = tpu.vector_load %arg6[%parallel_loop3A_462, %parallel_loop3A_463] {strides = array<i32>} : memref<800x32xf32, #tpu.memory_space<vmem>>, vector<16xf32>,
          %parallel_loop3A_465 = arith.index_cast %parallel_loop3A_461 : i32 to index
          %parallel_loop3A_466 = arith.constant 16 : index
          %parallel_loop3A_467 = tpu.vector_load %arg6[%parallel_loop3A_465, %parallel_loop3A_466] {strides = array<i32>} : memref<800x32xf32, #tpu.memory_space<vmem>>, vector<16xf32>,
          tpu.vector_store_idx %arg8[%parallel_loop3A_432, %broadcast_in_dim3A_9], %parallel_loop3A_464 : memref<1600x17xf32, #tpu.memory_space<vmem>>[vector<16xi32>, vector<16xi32>], vector<16xf32>,
          tpu.vector_store_idx %arg8[%parallel_loop3A_435, %broadcast_in_dim3A_9], %parallel_loop3A_467 : memref<1600x17xf32, #tpu.memory_space<vmem>>[vector<16xi32>, vector<16xi32>], vector<16xf32>,
          %parallel_loop3A_468 = arith.constant 200 : i32
          %parallel_loop3A_469 = arith.addi %parallel_loop3A_468, %parallel_loop3A_428 : i32
          %parallel_loop3A_470 = arith.index_cast %parallel_loop3A_469 : i32 to index
          %parallel_loop3A_471 = arith.constant 0 : index
          %parallel_loop3A_472 = tpu.vector_load %arg6[%parallel_loop3A_470, %parallel_loop3A_471] {strides = array<i32>} : memref<800x32xf32, #tpu.memory_space<vmem>>, vector<16xf32>,
          %parallel_loop3A_473 = arith.index_cast %parallel_loop3A_469 : i32 to index
          %parallel_loop3A_474 = arith.constant 16 : index
          %parallel_loop3A_475 = tpu.vector_load %arg6[%parallel_loop3A_473, %parallel_loop3A_474] {strides = array<i32>} : memref<800x32xf32, #tpu.memory_space<vmem>>, vector<16xf32>,
          tpu.vector_store_idx %arg8[%parallel_loop3A_432, %broadcast_in_dim3A_11], %parallel_loop3A_472 : memref<1600x17xf32, #tpu.memory_space<vmem>>[vector<16xi32>, vector<16xi32>], vector<16xf32>,
          tpu.vector_store_idx %arg8[%parallel_loop3A_435, %broadcast_in_dim3A_11], %parallel_loop3A_475 : memref<1600x17xf32, #tpu.memory_space<vmem>>[vector<16xi32>, vector<16xi32>], vector<16xf32>,
          %parallel_loop3A_476 = arith.constant 250 : i32
          %parallel_loop3A_477 = arith.addi %parallel_loop3A_476, %parallel_loop3A_428 : i32
          %parallel_loop3A_478 = arith.index_cast %parallel_loop3A_477 : i32 to index
          %parallel_loop3A_479 = arith.constant 0 : index
          %parallel_loop3A_480 = tpu.vector_load %arg6[%parallel_loop3A_478, %parallel_loop3A_479] {strides = array<i32>} : memref<800x32xf32, #tpu.memory_space<vmem>>, vector<16xf32>,
          %parallel_loop3A_481 = arith.index_cast %parallel_loop3A_477 : i32 to index
          %parallel_loop3A_482 = arith.constant 16 : index
          %parallel_loop3A_483 = tpu.vector_load %arg6[%parallel_loop3A_481, %parallel_loop3A_482] {strides = array<i32>} : memref<800x32xf32, #tpu.memory_space<vmem>>, vector<16xf32>,
          tpu.vector_store_idx %arg8[%parallel_loop3A_432, %broadcast_in_dim3A_13], %parallel_loop3A_480 : memref<1600x17xf32, #tpu.memory_space<vmem>>[vector<16xi32>, vector<16xi32>], vector<16xf32>,
          tpu.vector_store_idx %arg8[%parallel_loop3A_435, %broadcast_in_dim3A_13], %parallel_loop3A_483 : memref<1600x17xf32, #tpu.memory_space<vmem>>[vector<16xi32>, vector<16xi32>], vector<16xf32>,
          %parallel_loop3A_484 = arith.constant 300 : i32
          %parallel_loop3A_485 = arith.addi %parallel_loop3A_484, %parallel_loop3A_428 : i32
          %parallel_loop3A_486 = arith.index_cast %parallel_loop3A_485 : i32 to index
          %parallel_loop3A_487 = arith.constant 0 : index
          %parallel_loop3A_488 = tpu.vector_load %arg6[%parallel_loop3A_486, %parallel_loop3A_487] {strides = array<i32>} : memref<800x32xf32, #tpu.memory_space<vmem>>, vector<16xf32>,
          %parallel_loop3A_489 = arith.index_cast %parallel_loop3A_485 : i32 to index
          %parallel_loop3A_490 = arith.constant 16 : index
          %parallel_loop3A_491 = tpu.vector_load %arg6[%parallel_loop3A_489, %parallel_loop3A_490] {strides = array<i32>} : memref<800x32xf32, #tpu.memory_space<vmem>>, vector<16xf32>,
          tpu.vector_store_idx %arg8[%parallel_loop3A_432, %broadcast_in_dim3A_15], %parallel_loop3A_488 : memref<1600x17xf32, #tpu.memory_space<vmem>>[vector<16xi32>, vector<16xi32>], vector<16xf32>,
          tpu.vector_store_idx %arg8[%parallel_loop3A_435, %broadcast_in_dim3A_15], %parallel_loop3A_491 : memref<1600x17xf32, #tpu.memory_space<vmem>>[vector<16xi32>, vector<16xi32>], vector<16xf32>,
          %parallel_loop3A_492 = arith.constant 350 : i32
          %parallel_loop3A_493 = arith.addi %parallel_loop3A_492, %parallel_loop3A_428 : i32
          %parallel_loop3A_494 = arith.index_cast %parallel_loop3A_493 : i32 to index
          %parallel_loop3A_495 = arith.constant 0 : index
          %parallel_loop3A_496 = tpu.vector_load %arg6[%parallel_loop3A_494, %parallel_loop3A_495] {strides = array<i32>} : memref<800x32xf32, #tpu.memory_space<vmem>>, vector<16xf32>,
          %parallel_loop3A_497 = arith.index_cast %parallel_loop3A_493 : i32 to index
          %parallel_loop3A_498 = arith.constant 16 : index
          %parallel_loop3A_499 = tpu.vector_load %arg6[%parallel_loop3A_497, %parallel_loop3A_498] {strides = array<i32>} : memref<800x32xf32, #tpu.memory_space<vmem>>, vector<16xf32>,
          tpu.vector_store_idx %arg8[%parallel_loop3A_432, %broadcast_in_dim3A_17], %parallel_loop3A_496 : memref<1600x17xf32, #tpu.memory_space<vmem>>[vector<16xi32>, vector<16xi32>], vector<16xf32>,
          tpu.vector_store_idx %arg8[%parallel_loop3A_435, %broadcast_in_dim3A_17], %parallel_loop3A_499 : memref<1600x17xf32, #tpu.memory_space<vmem>>[vector<16xi32>, vector<16xi32>], vector<16xf32>,
          %parallel_loop3A_500 = arith.constant 400 : i32
          %parallel_loop3A_501 = arith.addi %parallel_loop3A_500, %parallel_loop3A_428 : i32
          %parallel_loop3A_502 = arith.index_cast %parallel_loop3A_501 : i32 to index
          %parallel_loop3A_503 = arith.constant 0 : index
          %parallel_loop3A_504 = tpu.vector_load %arg6[%parallel_loop3A_502, %parallel_loop3A_503] {strides = array<i32>} : memref<800x32xf32, #tpu.memory_space<vmem>>, vector<16xf32>,
          %parallel_loop3A_505 = arith.index_cast %parallel_loop3A_501 : i32 to index
          %parallel_loop3A_506 = arith.constant 16 : index
          %parallel_loop3A_507 = tpu.vector_load %arg6[%parallel_loop3A_505, %parallel_loop3A_506] {strides = array<i32>} : memref<800x32xf32, #tpu.memory_space<vmem>>, vector<16xf32>,
          tpu.vector_store_idx %arg8[%parallel_loop3A_432, %broadcast_in_dim3A_19], %parallel_loop3A_504 : memref<1600x17xf32, #tpu.memory_space<vmem>>[vector<16xi32>, vector<16xi32>], vector<16xf32>,
          tpu.vector_store_idx %arg8[%parallel_loop3A_435, %broadcast_in_dim3A_19], %parallel_loop3A_507 : memref<1600x17xf32, #tpu.memory_space<vmem>>[vector<16xi32>, vector<16xi32>], vector<16xf32>,
          %parallel_loop3A_508 = arith.constant 450 : i32
          %parallel_loop3A_509 = arith.addi %parallel_loop3A_508, %parallel_loop3A_428 : i32
          %parallel_loop3A_510 = arith.index_cast %parallel_loop3A_509 : i32 to index
          %parallel_loop3A_511 = arith.constant 0 : index
          %parallel_loop3A_512 = tpu.vector_load %arg6[%parallel_loop3A_510, %parallel_loop3A_511] {strides = array<i32>} : memref<800x32xf32, #tpu.memory_space<vmem>>, vector<16xf32>,
          %parallel_loop3A_513 = arith.index_cast %parallel_loop3A_509 : i32 to index
          %parallel_loop3A_514 = arith.constant 16 : index
          %parallel_loop3A_515 = tpu.vector_load %arg6[%parallel_loop3A_513, %parallel_loop3A_514] {strides = array<i32>} : memref<800x32xf32, #tpu.memory_space<vmem>>, vector<16xf32>,
          tpu.vector_store_idx %arg8[%parallel_loop3A_432, %broadcast_in_dim3A_21], %parallel_loop3A_512 : memref<1600x17xf32, #tpu.memory_space<vmem>>[vector<16xi32>, vector<16xi32>], vector<16xf32>,
          tpu.vector_store_idx %arg8[%parallel_loop3A_435, %broadcast_in_dim3A_21], %parallel_loop3A_515 : memref<1600x17xf32, #tpu.memory_space<vmem>>[vector<16xi32>, vector<16xi32>], vector<16xf32>,
          %parallel_loop3A_516 = arith.constant 500 : i32
          %parallel_loop3A_517 = arith.addi %parallel_loop3A_516, %parallel_loop3A_428 : i32
          %parallel_loop3A_518 = arith.index_cast %parallel_loop3A_517 : i32 to index
          %parallel_loop3A_519 = arith.constant 0 : index
          %parallel_loop3A_520 = tpu.vector_load %arg6[%parallel_loop3A_518, %parallel_loop3A_519] {strides = array<i32>} : memref<800x32xf32, #tpu.memory_space<vmem>>, vector<16xf32>,
          %parallel_loop3A_521 = arith.index_cast %parallel_loop3A_517 : i32 to index
          %parallel_loop3A_522 = arith.constant 16 : index
          %parallel_loop3A_523 = tpu.vector_load %arg6[%parallel_loop3A_521, %parallel_loop3A_522] {strides = array<i32>} : memref<800x32xf32, #tpu.memory_space<vmem>>, vector<16xf32>,
          tpu.vector_store_idx %arg8[%parallel_loop3A_432, %broadcast_in_dim3A_23], %parallel_loop3A_520 : memref<1600x17xf32, #tpu.memory_space<vmem>>[vector<16xi32>, vector<16xi32>], vector<16xf32>,
          tpu.vector_store_idx %arg8[%parallel_loop3A_435, %broadcast_in_dim3A_23], %parallel_loop3A_523 : memref<1600x17xf32, #tpu.memory_space<vmem>>[vector<16xi32>, vector<16xi32>], vector<16xf32>,
          %parallel_loop3A_524 = arith.constant 550 : i32
          %parallel_loop3A_525 = arith.addi %parallel_loop3A_524, %parallel_loop3A_428 : i32
          %parallel_loop3A_526 = arith.index_cast %parallel_loop3A_525 : i32 to index
          %parallel_loop3A_527 = arith.constant 0 : index
          %parallel_loop3A_528 = tpu.vector_load %arg6[%parallel_loop3A_526, %parallel_loop3A_527] {strides = array<i32>} : memref<800x32xf32, #tpu.memory_space<vmem>>, vector<16xf32>,
          %parallel_loop3A_529 = arith.index_cast %parallel_loop3A_525 : i32 to index
          %parallel_loop3A_530 = arith.constant 16 : index
          %parallel_loop3A_531 = tpu.vector_load %arg6[%parallel_loop3A_529, %parallel_loop3A_530] {strides = array<i32>} : memref<800x32xf32, #tpu.memory_space<vmem>>, vector<16xf32>,
          tpu.vector_store_idx %arg8[%parallel_loop3A_432, %broadcast_in_dim3A_25], %parallel_loop3A_528 : memref<1600x17xf32, #tpu.memory_space<vmem>>[vector<16xi32>, vector<16xi32>], vector<16xf32>,
          tpu.vector_store_idx %arg8[%parallel_loop3A_435, %broadcast_in_dim3A_25], %parallel_loop3A_531 : memref<1600x17xf32, #tpu.memory_space<vmem>>[vector<16xi32>, vector<16xi32>], vector<16xf32>,
          %parallel_loop3A_532 = arith.constant 600 : i32
          %parallel_loop3A_533 = arith.addi %parallel_loop3A_532, %parallel_loop3A_428 : i32
          %parallel_loop3A_534 = arith.index_cast %parallel_loop3A_533 : i32 to index
          %parallel_loop3A_535 = arith.constant 0 : index
          %parallel_loop3A_536 = tpu.vector_load %arg6[%parallel_loop3A_534, %parallel_loop3A_535] {strides = array<i32>} : memref<800x32xf32, #tpu.memory_space<vmem>>, vector<16xf32>,
          %parallel_loop3A_537 = arith.index_cast %parallel_loop3A_533 : i32 to index
          %parallel_loop3A_538 = arith.constant 16 : index
          %parallel_loop3A_539 = tpu.vector_load %arg6[%parallel_loop3A_537, %parallel_loop3A_538] {strides = array<i32>} : memref<800x32xf32, #tpu.memory_space<vmem>>, vector<16xf32>,
          tpu.vector_store_idx %arg8[%parallel_loop3A_432, %broadcast_in_dim3A_27], %parallel_loop3A_536 : memref<1600x17xf32, #tpu.memory_space<vmem>>[vector<16xi32>, vector<16xi32>], vector<16xf32>,
          tpu.vector_store_idx %arg8[%parallel_loop3A_435, %broadcast_in_dim3A_27], %parallel_loop3A_539 : memref<1600x17xf32, #tpu.memory_space<vmem>>[vector<16xi32>, vector<16xi32>], vector<16xf32>,
          %parallel_loop3A_540 = arith.constant 650 : i32
          %parallel_loop3A_541 = arith.addi %parallel_loop3A_540, %parallel_loop3A_428 : i32
          %parallel_loop3A_542 = arith.index_cast %parallel_loop3A_541 : i32 to index
          %parallel_loop3A_543 = arith.constant 0 : index
          %parallel_loop3A_544 = tpu.vector_load %arg6[%parallel_loop3A_542, %parallel_loop3A_543] {strides = array<i32>} : memref<800x32xf32, #tpu.memory_space<vmem>>, vector<16xf32>,
          %parallel_loop3A_545 = arith.index_cast %parallel_loop3A_541 : i32 to index
          %parallel_loop3A_546 = arith.constant 16 : index
          %parallel_loop3A_547 = tpu.vector_load %arg6[%parallel_loop3A_545, %parallel_loop3A_546] {strides = array<i32>} : memref<800x32xf32, #tpu.memory_space<vmem>>, vector<16xf32>,
          tpu.vector_store_idx %arg8[%parallel_loop3A_432, %broadcast_in_dim3A_29], %parallel_loop3A_544 : memref<1600x17xf32, #tpu.memory_space<vmem>>[vector<16xi32>, vector<16xi32>], vector<16xf32>,
          tpu.vector_store_idx %arg8[%parallel_loop3A_435, %broadcast_in_dim3A_29], %parallel_loop3A_547 : memref<1600x17xf32, #tpu.memory_space<vmem>>[vector<16xi32>, vector<16xi32>], vector<16xf32>,
          %parallel_loop3A_548 = arith.constant 700 : i32
          %parallel_loop3A_549 = arith.addi %parallel_loop3A_548, %parallel_loop3A_428 : i32
          %parallel_loop3A_550 = arith.index_cast %parallel_loop3A_549 : i32 to index
          %parallel_loop3A_551 = arith.constant 0 : index
          %parallel_loop3A_552 = tpu.vector_load %arg6[%parallel_loop3A_550, %parallel_loop3A_551] {strides = array<i32>} : memref<800x32xf32, #tpu.memory_space<vmem>>, vector<16xf32>,
          %parallel_loop3A_553 = arith.index_cast %parallel_loop3A_549 : i32 to index
          %parallel_loop3A_554 = arith.constant 16 : index
          %parallel_loop3A_555 = tpu.vector_load %arg6[%parallel_loop3A_553, %parallel_loop3A_554] {strides = array<i32>} : memref<800x32xf32, #tpu.memory_space<vmem>>, vector<16xf32>,
          tpu.vector_store_idx %arg8[%parallel_loop3A_432, %broadcast_in_dim3A_31], %parallel_loop3A_552 : memref<1600x17xf32, #tpu.memory_space<vmem>>[vector<16xi32>, vector<16xi32>], vector<16xf32>,
          tpu.vector_store_idx %arg8[%parallel_loop3A_435, %broadcast_in_dim3A_31], %parallel_loop3A_555 : memref<1600x17xf32, #tpu.memory_space<vmem>>[vector<16xi32>, vector<16xi32>], vector<16xf32>,
          %parallel_loop3A_556 = arith.constant 750 : i32
          %parallel_loop3A_557 = arith.addi %parallel_loop3A_556, %parallel_loop3A_428 : i32
          %parallel_loop3A_558 = arith.index_cast %parallel_loop3A_557 : i32 to index
          %parallel_loop3A_559 = arith.constant 0 : index
          %parallel_loop3A_560 = tpu.vector_load %arg6[%parallel_loop3A_558, %parallel_loop3A_559] {strides = array<i32>} : memref<800x32xf32, #tpu.memory_space<vmem>>, vector<16xf32>,
          %parallel_loop3A_561 = arith.index_cast %parallel_loop3A_557 : i32 to index
          %parallel_loop3A_562 = arith.constant 16 : index
          %parallel_loop3A_563 = tpu.vector_load %arg6[%parallel_loop3A_561, %parallel_loop3A_562] {strides = array<i32>} : memref<800x32xf32, #tpu.memory_space<vmem>>, vector<16xf32>,
          tpu.vector_store_idx %arg8[%parallel_loop3A_432, %broadcast_in_dim3A_33], %parallel_loop3A_560 : memref<1600x17xf32, #tpu.memory_space<vmem>>[vector<16xi32>, vector<16xi32>], vector<16xf32>,
          tpu.vector_store_idx %arg8[%parallel_loop3A_435, %broadcast_in_dim3A_33], %parallel_loop3A_563 : memref<1600x17xf32, #tpu.memory_space<vmem>>[vector<16xi32>, vector<16xi32>], vector<16xf32>,
        } {sc.loop_unroll_factor = 2 : i64, sc.parallel_access}
        %mul3A_425 = arith.constant 16 : i32
        %mul3A_426 = arith.muli %add3A_201, %mul3A_425 : i32
        %add3A_427 = arith.addi %mul3A_2, %mul3A_426 : i32
        "tpu.region"() ({
          %run_scoped3A = tpu.sem_alloc : memref<!tpu.dma_semaphore, #tpu.memory_space<semaphore_mem>>
          %dma_start3A_428 = arith.constant 0 : i32
          %dma_start3A_429 = arith.constant 0 : i32
          %dma_start3A_430 = tpu.memref_slice %arg8[%dma_start3A_428, %dma_start3A_429] : memref<1600x17xf32, #tpu.memory_space<vmem>> -> memref<1600x16xf32, #tpu.memory_space<vmem>>
          %dma_start3A_431 = arith.constant 0 : i32
          %dma_start3A_432 = tpu.memref_slice %arg4[%dma_start3A_431, %add3A_427] : memref<1600x16384xf32, #tpu.memory_space<hbm>> -> memref<1600x16xf32, #tpu.memory_space<hbm>>
          %dma_start3A_433 = arith.constant 0 : i32
          %dma_start3A_434 = tpu.memref_slice %arg4[%dma_start3A_433, %add3A_427] : memref<1600x16384xf32, #tpu.memory_space<hbm>> -> memref<1600x16xf32, #tpu.memory_space<hbm>>
          %dma_start3A_435 = arith.constant 0 : i32
          %dma_start3A_436 = arith.constant 0 : i32
          %dma_start3A_437 = tpu.memref_slice %arg8[%dma_start3A_435, %dma_start3A_436] : memref<1600x17xf32, #tpu.memory_space<vmem>> -> memref<1600x16xf32, #tpu.memory_space<vmem>>
          tpu.enqueue_dma source(%dma_start3A_437 : memref<1600x16xf32, #tpu.memory_space<vmem>>) target(%dma_start3A_434 : memref<1600x16xf32, #tpu.memory_space<hbm>>) target_semaphore(%run_scoped3A : memref<!tpu.dma_semaphore, #tpu.memory_space<semaphore_mem>>)
          %dma_wait3A_438 = arith.constant 0 : i32
          %dma_wait3A_439 = arith.constant 0 : i32
          %dma_wait3A_440 = tpu.memref_slice %arg8[%dma_wait3A_438, %dma_wait3A_439] : memref<1600x17xf32, #tpu.memory_space<vmem>> -> memref<1600x16xf32, #tpu.memory_space<vmem>>
          %dma_wait3A_441 = arith.constant 0 : i32
          %dma_wait3A_442 = tpu.memref_slice %arg4[%dma_wait3A_441, %add3A_427] : memref<1600x16384xf32, #tpu.memory_space<hbm>> -> memref<1600x16xf32, #tpu.memory_space<hbm>>
          %dma_wait3A_443 = arith.constant 0 : i32
          %dma_wait3A_444 = tpu.memref_slice %arg4[%dma_wait3A_443, %add3A_427] : memref<1600x16384xf32, #tpu.memory_space<hbm>> -> memref<1600x16xf32, #tpu.memory_space<hbm>>
          %dma_wait3A_445 = arith.constant 0 : i32
          %dma_wait3A_446 = arith.constant 0 : i32
          %dma_wait3A_447 = tpu.memref_slice %arg8[%dma_wait3A_445, %dma_wait3A_446] : memref<1600x17xf32, #tpu.memory_space<vmem>> -> memref<1600x16xf32, #tpu.memory_space<vmem>>
          tpu.wait_dma2 semaphore(%run_scoped3A : memref<!tpu.dma_semaphore, #tpu.memory_space<semaphore_mem>>) src(%dma_wait3A_447 : memref<1600x16xf32, #tpu.memory_space<vmem>>) dst(%dma_wait3A_444 : memref<1600x16xf32, #tpu.memory_space<hbm>>)
          tpu.yield
        }) : () -> ()
      } else {
      }
      %eq3A_205 = arith.constant 1 : i32
      %eq3A_206 = arith.cmpi eq, %rem3A_202, %eq3A_205 : i32
      %convert_element_type3A_207 = arith.extui %eq3A_206 : i1 to i32
      %cond3A_208 = arith.constant 0 : i32
      %cond3A_209 = arith.cmpi ne, %convert_element_type3A_207, %cond3A_208 : i32
      scf.if %cond3A_209 {
        %add3A_210 = arith.constant 1 : i32
        %add3A_211 = arith.addi %add3A_201, %add3A_210 : i32
        %lt3A = arith.constant 32 : i32
        %lt3A_212 = arith.cmpi slt, %add3A_211, %lt3A : i32
        %convert_element_type3A_213 = arith.extui %lt3A_212 : i1 to i32
        %cond3A_214 = arith.constant 0 : i32
        %cond3A_215 = arith.cmpi ne, %convert_element_type3A_213, %cond3A_214 : i32
        scf.if %cond3A_215 {
          %add3A_428 = arith.constant 1 : i32
          %add3A_429 = arith.addi %add3A_201, %add3A_428 : i32
          %mul3A_430 = arith.constant 16 : i32
          %mul3A_431 = arith.muli %add3A_429, %mul3A_430 : i32
          %add3A_432 = arith.constant 0 : i32
          %add3A_433 = arith.addi %mul3A_431, %add3A_432 : i32
          %dma_start3A_434 = arith.constant 0 : i32
          %dma_start3A_435 = arith.constant 0 : i32
          %dma_start3A_436 = tpu.memref_slice %arg6[%dma_start3A_434, %dma_start3A_435] : memref<800x32xf32, #tpu.memory_space<vmem>> -> memref<50x32xf32, #tpu.memory_space<vmem>>
          %dma_start3A_437 = arith.constant 0 : i32
          %dma_start3A_438 = tpu.memref_slice %arg5[%add3A_433, %dma_start3A_437] : memref<512x50xi32, #tpu.memory_space<vmem>> -> memref<1x50xi32, #tpu.memory_space<vmem>>
          %dma_start3A_439 = tpu.memref_squeeze %dma_start3A_438 : memref<1x50xi32, #tpu.memory_space<vmem>> -> memref<50xi32, #tpu.memory_space<vmem>>
          %dma_start3A_440 = arith.constant 0 : i32
          %dma_start3A_441 = arith.constant 0 : i32
          %dma_start3A_442 = tpu.memref_slice %arg3[%dma_start3A_440, %dma_start3A_441] : memref<1000000x32xf32, #tpu.memory_space<hbm>> -> memref<1000000x32xf32, #tpu.memory_space<hbm>>
          tpu.enqueue_indirect_dma source(%dma_start3A_442 : memref<1000000x32xf32, #tpu.memory_space<hbm>>) target(%dma_start3A_436 : memref<50x32xf32, #tpu.memory_space<vmem>>) offsets(%dma_start3A_439 : memref<50xi32, #tpu.memory_space<vmem>>) semaphore(%arg9 : memref<!tpu.dma_semaphore, #tpu.memory_space<semaphore_mem>>)
          %mul3A_443 = arith.constant 16 : i32
          %mul3A_444 = arith.muli %add3A_429, %mul3A_443 : i32
          %add3A_445 = arith.constant 1 : i32
          %add3A_446 = arith.addi %mul3A_444, %add3A_445 : i32
          %dma_start3A_447 = arith.constant 50 : i32
          %dma_start3A_448 = arith.constant 0 : i32
          %dma_start3A_449 = tpu.memref_slice %arg6[%dma_start3A_447, %dma_start3A_448] : memref<800x32xf32, #tpu.memory_space<vmem>> -> memref<50x32xf32, #tpu.memory_space<vmem>>
          %dma_start3A_450 = arith.constant 0 : i32
          %dma_start3A_451 = tpu.memref_slice %arg5[%add3A_446, %dma_start3A_450] : memref<512x50xi32, #tpu.memory_space<vmem>> -> memref<1x50xi32, #tpu.memory_space<vmem>>
          %dma_start3A_452 = tpu.memref_squeeze %dma_start3A_451 : memref<1x50xi32, #tpu.memory_space<vmem>> -> memref<50xi32, #tpu.memory_space<vmem>>
          %dma_start3A_453 = arith.constant 0 : i32
          %dma_start3A_454 = arith.constant 0 : i32
          %dma_start3A_455 = tpu.memref_slice %arg3[%dma_start3A_453, %dma_start3A_454] : memref<1000000x32xf32, #tpu.memory_space<hbm>> -> memref<1000000x32xf32, #tpu.memory_space<hbm>>
          tpu.enqueue_indirect_dma source(%dma_start3A_455 : memref<1000000x32xf32, #tpu.memory_space<hbm>>) target(%dma_start3A_449 : memref<50x32xf32, #tpu.memory_space<vmem>>) offsets(%dma_start3A_452 : memref<50xi32, #tpu.memory_space<vmem>>) semaphore(%arg9 : memref<!tpu.dma_semaphore, #tpu.memory_space<semaphore_mem>>)
          %mul3A_456 = arith.constant 16 : i32
          %mul3A_457 = arith.muli %add3A_429, %mul3A_456 : i32
          %add3A_458 = arith.constant 2 : i32
          %add3A_459 = arith.addi %mul3A_457, %add3A_458 : i32
          %dma_start3A_460 = arith.constant 100 : i32
          %dma_start3A_461 = arith.constant 0 : i32
          %dma_start3A_462 = tpu.memref_slice %arg6[%dma_start3A_460, %dma_start3A_461] : memref<800x32xf32, #tpu.memory_space<vmem>> -> memref<50x32xf32, #tpu.memory_space<vmem>>
          %dma_start3A_463 = arith.constant 0 : i32
          %dma_start3A_464 = tpu.memref_slice %arg5[%add3A_459, %dma_start3A_463] : memref<512x50xi32, #tpu.memory_space<vmem>> -> memref<1x50xi32, #tpu.memory_space<vmem>>
          %dma_start3A_465 = tpu.memref_squeeze %dma_start3A_464 : memref<1x50xi32, #tpu.memory_space<vmem>> -> memref<50xi32, #tpu.memory_space<vmem>>
          %dma_start3A_466 = arith.constant 0 : i32
          %dma_start3A_467 = arith.constant 0 : i32
          %dma_start3A_468 = tpu.memref_slice %arg3[%dma_start3A_466, %dma_start3A_467] : memref<1000000x32xf32, #tpu.memory_space<hbm>> -> memref<1000000x32xf32, #tpu.memory_space<hbm>>
          tpu.enqueue_indirect_dma source(%dma_start3A_468 : memref<1000000x32xf32, #tpu.memory_space<hbm>>) target(%dma_start3A_462 : memref<50x32xf32, #tpu.memory_space<vmem>>) offsets(%dma_start3A_465 : memref<50xi32, #tpu.memory_space<vmem>>) semaphore(%arg9 : memref<!tpu.dma_semaphore, #tpu.memory_space<semaphore_mem>>)
          %mul3A_469 = arith.constant 16 : i32
          %mul3A_470 = arith.muli %add3A_429, %mul3A_469 : i32
          %add3A_471 = arith.constant 3 : i32
          %add3A_472 = arith.addi %mul3A_470, %add3A_471 : i32
          %dma_start3A_473 = arith.constant 150 : i32
          %dma_start3A_474 = arith.constant 0 : i32
          %dma_start3A_475 = tpu.memref_slice %arg6[%dma_start3A_473, %dma_start3A_474] : memref<800x32xf32, #tpu.memory_space<vmem>> -> memref<50x32xf32, #tpu.memory_space<vmem>>
          %dma_start3A_476 = arith.constant 0 : i32
          %dma_start3A_477 = tpu.memref_slice %arg5[%add3A_472, %dma_start3A_476] : memref<512x50xi32, #tpu.memory_space<vmem>> -> memref<1x50xi32, #tpu.memory_space<vmem>>
          %dma_start3A_478 = tpu.memref_squeeze %dma_start3A_477 : memref<1x50xi32, #tpu.memory_space<vmem>> -> memref<50xi32, #tpu.memory_space<vmem>>
          %dma_start3A_479 = arith.constant 0 : i32
          %dma_start3A_480 = arith.constant 0 : i32
          %dma_start3A_481 = tpu.memref_slice %arg3[%dma_start3A_479, %dma_start3A_480] : memref<1000000x32xf32, #tpu.memory_space<hbm>> -> memref<1000000x32xf32, #tpu.memory_space<hbm>>
          tpu.enqueue_indirect_dma source(%dma_start3A_481 : memref<1000000x32xf32, #tpu.memory_space<hbm>>) target(%dma_start3A_475 : memref<50x32xf32, #tpu.memory_space<vmem>>) offsets(%dma_start3A_478 : memref<50xi32, #tpu.memory_space<vmem>>) semaphore(%arg9 : memref<!tpu.dma_semaphore, #tpu.memory_space<semaphore_mem>>)
          %mul3A_482 = arith.constant 16 : i32
          %mul3A_483 = arith.muli %add3A_429, %mul3A_482 : i32
          %add3A_484 = arith.constant 4 : i32
          %add3A_485 = arith.addi %mul3A_483, %add3A_484 : i32
          %dma_start3A_486 = arith.constant 200 : i32
          %dma_start3A_487 = arith.constant 0 : i32
          %dma_start3A_488 = tpu.memref_slice %arg6[%dma_start3A_486, %dma_start3A_487] : memref<800x32xf32, #tpu.memory_space<vmem>> -> memref<50x32xf32, #tpu.memory_space<vmem>>
          %dma_start3A_489 = arith.constant 0 : i32
          %dma_start3A_490 = tpu.memref_slice %arg5[%add3A_485, %dma_start3A_489] : memref<512x50xi32, #tpu.memory_space<vmem>> -> memref<1x50xi32, #tpu.memory_space<vmem>>
          %dma_start3A_491 = tpu.memref_squeeze %dma_start3A_490 : memref<1x50xi32, #tpu.memory_space<vmem>> -> memref<50xi32, #tpu.memory_space<vmem>>
          %dma_start3A_492 = arith.constant 0 : i32
          %dma_start3A_493 = arith.constant 0 : i32
          %dma_start3A_494 = tpu.memref_slice %arg3[%dma_start3A_492, %dma_start3A_493] : memref<1000000x32xf32, #tpu.memory_space<hbm>> -> memref<1000000x32xf32, #tpu.memory_space<hbm>>
          tpu.enqueue_indirect_dma source(%dma_start3A_494 : memref<1000000x32xf32, #tpu.memory_space<hbm>>) target(%dma_start3A_488 : memref<50x32xf32, #tpu.memory_space<vmem>>) offsets(%dma_start3A_491 : memref<50xi32, #tpu.memory_space<vmem>>) semaphore(%arg9 : memref<!tpu.dma_semaphore, #tpu.memory_space<semaphore_mem>>)
          %mul3A_495 = arith.constant 16 : i32
          %mul3A_496 = arith.muli %add3A_429, %mul3A_495 : i32
          %add3A_497 = arith.constant 5 : i32
          %add3A_498 = arith.addi %mul3A_496, %add3A_497 : i32
          %dma_start3A_499 = arith.constant 250 : i32
          %dma_start3A_500 = arith.constant 0 : i32
          %dma_start3A_501 = tpu.memref_slice %arg6[%dma_start3A_499, %dma_start3A_500] : memref<800x32xf32, #tpu.memory_space<vmem>> -> memref<50x32xf32, #tpu.memory_space<vmem>>
          %dma_start3A_502 = arith.constant 0 : i32
          %dma_start3A_503 = tpu.memref_slice %arg5[%add3A_498, %dma_start3A_502] : memref<512x50xi32, #tpu.memory_space<vmem>> -> memref<1x50xi32, #tpu.memory_space<vmem>>
          %dma_start3A_504 = tpu.memref_squeeze %dma_start3A_503 : memref<1x50xi32, #tpu.memory_space<vmem>> -> memref<50xi32, #tpu.memory_space<vmem>>
          %dma_start3A_505 = arith.constant 0 : i32
          %dma_start3A_506 = arith.constant 0 : i32
          %dma_start3A_507 = tpu.memref_slice %arg3[%dma_start3A_505, %dma_start3A_506] : memref<1000000x32xf32, #tpu.memory_space<hbm>> -> memref<1000000x32xf32, #tpu.memory_space<hbm>>
          tpu.enqueue_indirect_dma source(%dma_start3A_507 : memref<1000000x32xf32, #tpu.memory_space<hbm>>) target(%dma_start3A_501 : memref<50x32xf32, #tpu.memory_space<vmem>>) offsets(%dma_start3A_504 : memref<50xi32, #tpu.memory_space<vmem>>) semaphore(%arg9 : memref<!tpu.dma_semaphore, #tpu.memory_space<semaphore_mem>>)
          %mul3A_508 = arith.constant 16 : i32
          %mul3A_509 = arith.muli %add3A_429, %mul3A_508 : i32
          %add3A_510 = arith.constant 6 : i32
          %add3A_511 = arith.addi %mul3A_509, %add3A_510 : i32
          %dma_start3A_512 = arith.constant 300 : i32
          %dma_start3A_513 = arith.constant 0 : i32
          %dma_start3A_514 = tpu.memref_slice %arg6[%dma_start3A_512, %dma_start3A_513] : memref<800x32xf32, #tpu.memory_space<vmem>> -> memref<50x32xf32, #tpu.memory_space<vmem>>
          %dma_start3A_515 = arith.constant 0 : i32
          %dma_start3A_516 = tpu.memref_slice %arg5[%add3A_511, %dma_start3A_515] : memref<512x50xi32, #tpu.memory_space<vmem>> -> memref<1x50xi32, #tpu.memory_space<vmem>>
          %dma_start3A_517 = tpu.memref_squeeze %dma_start3A_516 : memref<1x50xi32, #tpu.memory_space<vmem>> -> memref<50xi32, #tpu.memory_space<vmem>>
          %dma_start3A_518 = arith.constant 0 : i32
          %dma_start3A_519 = arith.constant 0 : i32
          %dma_start3A_520 = tpu.memref_slice %arg3[%dma_start3A_518, %dma_start3A_519] : memref<1000000x32xf32, #tpu.memory_space<hbm>> -> memref<1000000x32xf32, #tpu.memory_space<hbm>>
          tpu.enqueue_indirect_dma source(%dma_start3A_520 : memref<1000000x32xf32, #tpu.memory_space<hbm>>) target(%dma_start3A_514 : memref<50x32xf32, #tpu.memory_space<vmem>>) offsets(%dma_start3A_517 : memref<50xi32, #tpu.memory_space<vmem>>) semaphore(%arg9 : memref<!tpu.dma_semaphore, #tpu.memory_space<semaphore_mem>>)
          %mul3A_521 = arith.constant 16 : i32
          %mul3A_522 = arith.muli %add3A_429, %mul3A_521 : i32
          %add3A_523 = arith.constant 7 : i32
          %add3A_524 = arith.addi %mul3A_522, %add3A_523 : i32
          %dma_start3A_525 = arith.constant 350 : i32
          %dma_start3A_526 = arith.constant 0 : i32
          %dma_start3A_527 = tpu.memref_slice %arg6[%dma_start3A_525, %dma_start3A_526] : memref<800x32xf32, #tpu.memory_space<vmem>> -> memref<50x32xf32, #tpu.memory_space<vmem>>
          %dma_start3A_528 = arith.constant 0 : i32
          %dma_start3A_529 = tpu.memref_slice %arg5[%add3A_524, %dma_start3A_528] : memref<512x50xi32, #tpu.memory_space<vmem>> -> memref<1x50xi32, #tpu.memory_space<vmem>>
          %dma_start3A_530 = tpu.memref_squeeze %dma_start3A_529 : memref<1x50xi32, #tpu.memory_space<vmem>> -> memref<50xi32, #tpu.memory_space<vmem>>
          %dma_start3A_531 = arith.constant 0 : i32
          %dma_start3A_532 = arith.constant 0 : i32
          %dma_start3A_533 = tpu.memref_slice %arg3[%dma_start3A_531, %dma_start3A_532] : memref<1000000x32xf32, #tpu.memory_space<hbm>> -> memref<1000000x32xf32, #tpu.memory_space<hbm>>
          tpu.enqueue_indirect_dma source(%dma_start3A_533 : memref<1000000x32xf32, #tpu.memory_space<hbm>>) target(%dma_start3A_527 : memref<50x32xf32, #tpu.memory_space<vmem>>) offsets(%dma_start3A_530 : memref<50xi32, #tpu.memory_space<vmem>>) semaphore(%arg9 : memref<!tpu.dma_semaphore, #tpu.memory_space<semaphore_mem>>)
          %mul3A_534 = arith.constant 16 : i32
          %mul3A_535 = arith.muli %add3A_429, %mul3A_534 : i32
          %add3A_536 = arith.constant 8 : i32
          %add3A_537 = arith.addi %mul3A_535, %add3A_536 : i32
          %dma_start3A_538 = arith.constant 400 : i32
          %dma_start3A_539 = arith.constant 0 : i32
          %dma_start3A_540 = tpu.memref_slice %arg6[%dma_start3A_538, %dma_start3A_539] : memref<800x32xf32, #tpu.memory_space<vmem>> -> memref<50x32xf32, #tpu.memory_space<vmem>>
          %dma_start3A_541 = arith.constant 0 : i32
          %dma_start3A_542 = tpu.memref_slice %arg5[%add3A_537, %dma_start3A_541] : memref<512x50xi32, #tpu.memory_space<vmem>> -> memref<1x50xi32, #tpu.memory_space<vmem>>
          %dma_start3A_543 = tpu.memref_squeeze %dma_start3A_542 : memref<1x50xi32, #tpu.memory_space<vmem>> -> memref<50xi32, #tpu.memory_space<vmem>>
          %dma_start3A_544 = arith.constant 0 : i32
          %dma_start3A_545 = arith.constant 0 : i32
          %dma_start3A_546 = tpu.memref_slice %arg3[%dma_start3A_544, %dma_start3A_545] : memref<1000000x32xf32, #tpu.memory_space<hbm>> -> memref<1000000x32xf32, #tpu.memory_space<hbm>>
          tpu.enqueue_indirect_dma source(%dma_start3A_546 : memref<1000000x32xf32, #tpu.memory_space<hbm>>) target(%dma_start3A_540 : memref<50x32xf32, #tpu.memory_space<vmem>>) offsets(%dma_start3A_543 : memref<50xi32, #tpu.memory_space<vmem>>) semaphore(%arg9 : memref<!tpu.dma_semaphore, #tpu.memory_space<semaphore_mem>>)
          %mul3A_547 = arith.constant 16 : i32
          %mul3A_548 = arith.muli %add3A_429, %mul3A_547 : i32
          %add3A_549 = arith.constant 9 : i32
          %add3A_550 = arith.addi %mul3A_548, %add3A_549 : i32
          %dma_start3A_551 = arith.constant 450 : i32
          %dma_start3A_552 = arith.constant 0 : i32
          %dma_start3A_553 = tpu.memref_slice %arg6[%dma_start3A_551, %dma_start3A_552] : memref<800x32xf32, #tpu.memory_space<vmem>> -> memref<50x32xf32, #tpu.memory_space<vmem>>
          %dma_start3A_554 = arith.constant 0 : i32
          %dma_start3A_555 = tpu.memref_slice %arg5[%add3A_550, %dma_start3A_554] : memref<512x50xi32, #tpu.memory_space<vmem>> -> memref<1x50xi32, #tpu.memory_space<vmem>>
          %dma_start3A_556 = tpu.memref_squeeze %dma_start3A_555 : memref<1x50xi32, #tpu.memory_space<vmem>> -> memref<50xi32, #tpu.memory_space<vmem>>
          %dma_start3A_557 = arith.constant 0 : i32
          %dma_start3A_558 = arith.constant 0 : i32
          %dma_start3A_559 = tpu.memref_slice %arg3[%dma_start3A_557, %dma_start3A_558] : memref<1000000x32xf32, #tpu.memory_space<hbm>> -> memref<1000000x32xf32, #tpu.memory_space<hbm>>
          tpu.enqueue_indirect_dma source(%dma_start3A_559 : memref<1000000x32xf32, #tpu.memory_space<hbm>>) target(%dma_start3A_553 : memref<50x32xf32, #tpu.memory_space<vmem>>) offsets(%dma_start3A_556 : memref<50xi32, #tpu.memory_space<vmem>>) semaphore(%arg9 : memref<!tpu.dma_semaphore, #tpu.memory_space<semaphore_mem>>)
          %mul3A_560 = arith.constant 16 : i32
          %mul3A_561 = arith.muli %add3A_429, %mul3A_560 : i32
          %add3A_562 = arith.constant 10 : i32
          %add3A_563 = arith.addi %mul3A_561, %add3A_562 : i32
          %dma_start3A_564 = arith.constant 500 : i32
          %dma_start3A_565 = arith.constant 0 : i32
          %dma_start3A_566 = tpu.memref_slice %arg6[%dma_start3A_564, %dma_start3A_565] : memref<800x32xf32, #tpu.memory_space<vmem>> -> memref<50x32xf32, #tpu.memory_space<vmem>>
          %dma_start3A_567 = arith.constant 0 : i32
          %dma_start3A_568 = tpu.memref_slice %arg5[%add3A_563, %dma_start3A_567] : memref<512x50xi32, #tpu.memory_space<vmem>> -> memref<1x50xi32, #tpu.memory_space<vmem>>
          %dma_start3A_569 = tpu.memref_squeeze %dma_start3A_568 : memref<1x50xi32, #tpu.memory_space<vmem>> -> memref<50xi32, #tpu.memory_space<vmem>>
          %dma_start3A_570 = arith.constant 0 : i32
          %dma_start3A_571 = arith.constant 0 : i32
          %dma_start3A_572 = tpu.memref_slice %arg3[%dma_start3A_570, %dma_start3A_571] : memref<1000000x32xf32, #tpu.memory_space<hbm>> -> memref<1000000x32xf32, #tpu.memory_space<hbm>>
          tpu.enqueue_indirect_dma source(%dma_start3A_572 : memref<1000000x32xf32, #tpu.memory_space<hbm>>) target(%dma_start3A_566 : memref<50x32xf32, #tpu.memory_space<vmem>>) offsets(%dma_start3A_569 : memref<50xi32, #tpu.memory_space<vmem>>) semaphore(%arg9 : memref<!tpu.dma_semaphore, #tpu.memory_space<semaphore_mem>>)
          %mul3A_573 = arith.constant 16 : i32
          %mul3A_574 = arith.muli %add3A_429, %mul3A_573 : i32
          %add3A_575 = arith.constant 11 : i32
          %add3A_576 = arith.addi %mul3A_574, %add3A_575 : i32
          %dma_start3A_577 = arith.constant 550 : i32
          %dma_start3A_578 = arith.constant 0 : i32
          %dma_start3A_579 = tpu.memref_slice %arg6[%dma_start3A_577, %dma_start3A_578] : memref<800x32xf32, #tpu.memory_space<vmem>> -> memref<50x32xf32, #tpu.memory_space<vmem>>
          %dma_start3A_580 = arith.constant 0 : i32
          %dma_start3A_581 = tpu.memref_slice %arg5[%add3A_576, %dma_start3A_580] : memref<512x50xi32, #tpu.memory_space<vmem>> -> memref<1x50xi32, #tpu.memory_space<vmem>>
          %dma_start3A_582 = tpu.memref_squeeze %dma_start3A_581 : memref<1x50xi32, #tpu.memory_space<vmem>> -> memref<50xi32, #tpu.memory_space<vmem>>
          %dma_start3A_583 = arith.constant 0 : i32
          %dma_start3A_584 = arith.constant 0 : i32
          %dma_start3A_585 = tpu.memref_slice %arg3[%dma_start3A_583, %dma_start3A_584] : memref<1000000x32xf32, #tpu.memory_space<hbm>> -> memref<1000000x32xf32, #tpu.memory_space<hbm>>
          tpu.enqueue_indirect_dma source(%dma_start3A_585 : memref<1000000x32xf32, #tpu.memory_space<hbm>>) target(%dma_start3A_579 : memref<50x32xf32, #tpu.memory_space<vmem>>) offsets(%dma_start3A_582 : memref<50xi32, #tpu.memory_space<vmem>>) semaphore(%arg9 : memref<!tpu.dma_semaphore, #tpu.memory_space<semaphore_mem>>)
          %mul3A_586 = arith.constant 16 : i32
          %mul3A_587 = arith.muli %add3A_429, %mul3A_586 : i32
          %add3A_588 = arith.constant 12 : i32
          %add3A_589 = arith.addi %mul3A_587, %add3A_588 : i32
          %dma_start3A_590 = arith.constant 600 : i32
          %dma_start3A_591 = arith.constant 0 : i32
          %dma_start3A_592 = tpu.memref_slice %arg6[%dma_start3A_590, %dma_start3A_591] : memref<800x32xf32, #tpu.memory_space<vmem>> -> memref<50x32xf32, #tpu.memory_space<vmem>>
          %dma_start3A_593 = arith.constant 0 : i32
          %dma_start3A_594 = tpu.memref_slice %arg5[%add3A_589, %dma_start3A_593] : memref<512x50xi32, #tpu.memory_space<vmem>> -> memref<1x50xi32, #tpu.memory_space<vmem>>
          %dma_start3A_595 = tpu.memref_squeeze %dma_start3A_594 : memref<1x50xi32, #tpu.memory_space<vmem>> -> memref<50xi32, #tpu.memory_space<vmem>>
          %dma_start3A_596 = arith.constant 0 : i32
          %dma_start3A_597 = arith.constant 0 : i32
          %dma_start3A_598 = tpu.memref_slice %arg3[%dma_start3A_596, %dma_start3A_597] : memref<1000000x32xf32, #tpu.memory_space<hbm>> -> memref<1000000x32xf32, #tpu.memory_space<hbm>>
          tpu.enqueue_indirect_dma source(%dma_start3A_598 : memref<1000000x32xf32, #tpu.memory_space<hbm>>) target(%dma_start3A_592 : memref<50x32xf32, #tpu.memory_space<vmem>>) offsets(%dma_start3A_595 : memref<50xi32, #tpu.memory_space<vmem>>) semaphore(%arg9 : memref<!tpu.dma_semaphore, #tpu.memory_space<semaphore_mem>>)
          %mul3A_599 = arith.constant 16 : i32
          %mul3A_600 = arith.muli %add3A_429, %mul3A_599 : i32
          %add3A_601 = arith.constant 13 : i32
          %add3A_602 = arith.addi %mul3A_600, %add3A_601 : i32
          %dma_start3A_603 = arith.constant 650 : i32
          %dma_start3A_604 = arith.constant 0 : i32
          %dma_start3A_605 = tpu.memref_slice %arg6[%dma_start3A_603, %dma_start3A_604] : memref<800x32xf32, #tpu.memory_space<vmem>> -> memref<50x32xf32, #tpu.memory_space<vmem>>
          %dma_start3A_606 = arith.constant 0 : i32
          %dma_start3A_607 = tpu.memref_slice %arg5[%add3A_602, %dma_start3A_606] : memref<512x50xi32, #tpu.memory_space<vmem>> -> memref<1x50xi32, #tpu.memory_space<vmem>>
          %dma_start3A_608 = tpu.memref_squeeze %dma_start3A_607 : memref<1x50xi32, #tpu.memory_space<vmem>> -> memref<50xi32, #tpu.memory_space<vmem>>
          %dma_start3A_609 = arith.constant 0 : i32
          %dma_start3A_610 = arith.constant 0 : i32
          %dma_start3A_611 = tpu.memref_slice %arg3[%dma_start3A_609, %dma_start3A_610] : memref<1000000x32xf32, #tpu.memory_space<hbm>> -> memref<1000000x32xf32, #tpu.memory_space<hbm>>
          tpu.enqueue_indirect_dma source(%dma_start3A_611 : memref<1000000x32xf32, #tpu.memory_space<hbm>>) target(%dma_start3A_605 : memref<50x32xf32, #tpu.memory_space<vmem>>) offsets(%dma_start3A_608 : memref<50xi32, #tpu.memory_space<vmem>>) semaphore(%arg9 : memref<!tpu.dma_semaphore, #tpu.memory_space<semaphore_mem>>)
          %mul3A_612 = arith.constant 16 : i32
          %mul3A_613 = arith.muli %add3A_429, %mul3A_612 : i32
          %add3A_614 = arith.constant 14 : i32
          %add3A_615 = arith.addi %mul3A_613, %add3A_614 : i32
          %dma_start3A_616 = arith.constant 700 : i32
          %dma_start3A_617 = arith.constant 0 : i32
          %dma_start3A_618 = tpu.memref_slice %arg6[%dma_start3A_616, %dma_start3A_617] : memref<800x32xf32, #tpu.memory_space<vmem>> -> memref<50x32xf32, #tpu.memory_space<vmem>>
          %dma_start3A_619 = arith.constant 0 : i32
          %dma_start3A_620 = tpu.memref_slice %arg5[%add3A_615, %dma_start3A_619] : memref<512x50xi32, #tpu.memory_space<vmem>> -> memref<1x50xi32, #tpu.memory_space<vmem>>
          %dma_start3A_621 = tpu.memref_squeeze %dma_start3A_620 : memref<1x50xi32, #tpu.memory_space<vmem>> -> memref<50xi32, #tpu.memory_space<vmem>>
          %dma_start3A_622 = arith.constant 0 : i32
          %dma_start3A_623 = arith.constant 0 : i32
          %dma_start3A_624 = tpu.memref_slice %arg3[%dma_start3A_622, %dma_start3A_623] : memref<1000000x32xf32, #tpu.memory_space<hbm>> -> memref<1000000x32xf32, #tpu.memory_space<hbm>>
          tpu.enqueue_indirect_dma source(%dma_start3A_624 : memref<1000000x32xf32, #tpu.memory_space<hbm>>) target(%dma_start3A_618 : memref<50x32xf32, #tpu.memory_space<vmem>>) offsets(%dma_start3A_621 : memref<50xi32, #tpu.memory_space<vmem>>) semaphore(%arg9 : memref<!tpu.dma_semaphore, #tpu.memory_space<semaphore_mem>>)
          %mul3A_625 = arith.constant 16 : i32
          %mul3A_626 = arith.muli %add3A_429, %mul3A_625 : i32
          %add3A_627 = arith.constant 15 : i32
          %add3A_628 = arith.addi %mul3A_626, %add3A_627 : i32
          %dma_start3A_629 = arith.constant 750 : i32
          %dma_start3A_630 = arith.constant 0 : i32
          %dma_start3A_631 = tpu.memref_slice %arg6[%dma_start3A_629, %dma_start3A_630] : memref<800x32xf32, #tpu.memory_space<vmem>> -> memref<50x32xf32, #tpu.memory_space<vmem>>
          %dma_start3A_632 = arith.constant 0 : i32
          %dma_start3A_633 = tpu.memref_slice %arg5[%add3A_628, %dma_start3A_632] : memref<512x50xi32, #tpu.memory_space<vmem>> -> memref<1x50xi32, #tpu.memory_space<vmem>>
          %dma_start3A_634 = tpu.memref_squeeze %dma_start3A_633 : memref<1x50xi32, #tpu.memory_space<vmem>> -> memref<50xi32, #tpu.memory_space<vmem>>
          %dma_start3A_635 = arith.constant 0 : i32
          %dma_start3A_636 = arith.constant 0 : i32
          %dma_start3A_637 = tpu.memref_slice %arg3[%dma_start3A_635, %dma_start3A_636] : memref<1000000x32xf32, #tpu.memory_space<hbm>> -> memref<1000000x32xf32, #tpu.memory_space<hbm>>
          tpu.enqueue_indirect_dma source(%dma_start3A_637 : memref<1000000x32xf32, #tpu.memory_space<hbm>>) target(%dma_start3A_631 : memref<50x32xf32, #tpu.memory_space<vmem>>) offsets(%dma_start3A_634 : memref<50xi32, #tpu.memory_space<vmem>>) semaphore(%arg9 : memref<!tpu.dma_semaphore, #tpu.memory_space<semaphore_mem>>)
        } else {
        }
        %mul3A_216 = arith.constant 16 : i32
        %mul3A_217 = arith.muli %add3A_201, %mul3A_216 : i32
        %add3A_218 = arith.constant 0 : i32
        %add3A_219 = arith.addi %mul3A_217, %add3A_218 : i32
        %dma_wait3A = arith.constant 0 : i32
        %dma_wait3A_220 = arith.constant 0 : i32
        %dma_wait3A_221 = tpu.memref_slice %arg7[%dma_wait3A, %dma_wait3A_220] : memref<800x32xf32, #tpu.memory_space<vmem>> -> memref<50x32xf32, #tpu.memory_space<vmem>>
        %dma_wait3A_222 = arith.constant 0 : i32
        %dma_wait3A_223 = tpu.memref_slice %arg5[%add3A_219, %dma_wait3A_222] : memref<512x50xi32, #tpu.memory_space<vmem>> -> memref<1x50xi32, #tpu.memory_space<vmem>>
        %dma_wait3A_224 = tpu.memref_squeeze %dma_wait3A_223 : memref<1x50xi32, #tpu.memory_space<vmem>> -> memref<50xi32, #tpu.memory_space<vmem>>
        %dma_wait3A_225 = arith.constant 0 : i32
        %dma_wait3A_226 = arith.constant 0 : i32
        %dma_wait3A_227 = tpu.memref_slice %arg3[%dma_wait3A_225, %dma_wait3A_226] : memref<1000000x32xf32, #tpu.memory_space<hbm>> -> memref<1000000x32xf32, #tpu.memory_space<hbm>>
        tpu.wait_indirect_dma semaphore(%arg10 : memref<!tpu.dma_semaphore, #tpu.memory_space<semaphore_mem>>) src(%dma_wait3A_227 : memref<1000000x32xf32, #tpu.memory_space<hbm>>) dst(%dma_wait3A_221 : memref<50x32xf32, #tpu.memory_space<vmem>>)
        %mul3A_228 = arith.constant 16 : i32
        %mul3A_229 = arith.muli %add3A_201, %mul3A_228 : i32
        %add3A_230 = arith.constant 1 : i32
        %add3A_231 = arith.addi %mul3A_229, %add3A_230 : i32
        %dma_wait3A_232 = arith.constant 50 : i32
        %dma_wait3A_233 = arith.constant 0 : i32
        %dma_wait3A_234 = tpu.memref_slice %arg7[%dma_wait3A_232, %dma_wait3A_233] : memref<800x32xf32, #tpu.memory_space<vmem>> -> memref<50x32xf32, #tpu.memory_space<vmem>>
        %dma_wait3A_235 = arith.constant 0 : i32
        %dma_wait3A_236 = tpu.memref_slice %arg5[%add3A_231, %dma_wait3A_235] : memref<512x50xi32, #tpu.memory_space<vmem>> -> memref<1x50xi32, #tpu.memory_space<vmem>>
        %dma_wait3A_237 = tpu.memref_squeeze %dma_wait3A_236 : memref<1x50xi32, #tpu.memory_space<vmem>> -> memref<50xi32, #tpu.memory_space<vmem>>
        %dma_wait3A_238 = arith.constant 0 : i32
        %dma_wait3A_239 = arith.constant 0 : i32
        %dma_wait3A_240 = tpu.memref_slice %arg3[%dma_wait3A_238, %dma_wait3A_239] : memref<1000000x32xf32, #tpu.memory_space<hbm>> -> memref<1000000x32xf32, #tpu.memory_space<hbm>>
        tpu.wait_indirect_dma semaphore(%arg10 : memref<!tpu.dma_semaphore, #tpu.memory_space<semaphore_mem>>) src(%dma_wait3A_240 : memref<1000000x32xf32, #tpu.memory_space<hbm>>) dst(%dma_wait3A_234 : memref<50x32xf32, #tpu.memory_space<vmem>>)
        %mul3A_241 = arith.constant 16 : i32
        %mul3A_242 = arith.muli %add3A_201, %mul3A_241 : i32
        %add3A_243 = arith.constant 2 : i32
        %add3A_244 = arith.addi %mul3A_242, %add3A_243 : i32
        %dma_wait3A_245 = arith.constant 100 : i32
        %dma_wait3A_246 = arith.constant 0 : i32
        %dma_wait3A_247 = tpu.memref_slice %arg7[%dma_wait3A_245, %dma_wait3A_246] : memref<800x32xf32, #tpu.memory_space<vmem>> -> memref<50x32xf32, #tpu.memory_space<vmem>>
        %dma_wait3A_248 = arith.constant 0 : i32
        %dma_wait3A_249 = tpu.memref_slice %arg5[%add3A_244, %dma_wait3A_248] : memref<512x50xi32, #tpu.memory_space<vmem>> -> memref<1x50xi32, #tpu.memory_space<vmem>>
        %dma_wait3A_250 = tpu.memref_squeeze %dma_wait3A_249 : memref<1x50xi32, #tpu.memory_space<vmem>> -> memref<50xi32, #tpu.memory_space<vmem>>
        %dma_wait3A_251 = arith.constant 0 : i32
        %dma_wait3A_252 = arith.constant 0 : i32
        %dma_wait3A_253 = tpu.memref_slice %arg3[%dma_wait3A_251, %dma_wait3A_252] : memref<1000000x32xf32, #tpu.memory_space<hbm>> -> memref<1000000x32xf32, #tpu.memory_space<hbm>>
        tpu.wait_indirect_dma semaphore(%arg10 : memref<!tpu.dma_semaphore, #tpu.memory_space<semaphore_mem>>) src(%dma_wait3A_253 : memref<1000000x32xf32, #tpu.memory_space<hbm>>) dst(%dma_wait3A_247 : memref<50x32xf32, #tpu.memory_space<vmem>>)
        %mul3A_254 = arith.constant 16 : i32
        %mul3A_255 = arith.muli %add3A_201, %mul3A_254 : i32
        %add3A_256 = arith.constant 3 : i32
        %add3A_257 = arith.addi %mul3A_255, %add3A_256 : i32
        %dma_wait3A_258 = arith.constant 150 : i32
        %dma_wait3A_259 = arith.constant 0 : i32
        %dma_wait3A_260 = tpu.memref_slice %arg7[%dma_wait3A_258, %dma_wait3A_259] : memref<800x32xf32, #tpu.memory_space<vmem>> -> memref<50x32xf32, #tpu.memory_space<vmem>>
        %dma_wait3A_261 = arith.constant 0 : i32
        %dma_wait3A_262 = tpu.memref_slice %arg5[%add3A_257, %dma_wait3A_261] : memref<512x50xi32, #tpu.memory_space<vmem>> -> memref<1x50xi32, #tpu.memory_space<vmem>>
        %dma_wait3A_263 = tpu.memref_squeeze %dma_wait3A_262 : memref<1x50xi32, #tpu.memory_space<vmem>> -> memref<50xi32, #tpu.memory_space<vmem>>
        %dma_wait3A_264 = arith.constant 0 : i32
        %dma_wait3A_265 = arith.constant 0 : i32
        %dma_wait3A_266 = tpu.memref_slice %arg3[%dma_wait3A_264, %dma_wait3A_265] : memref<1000000x32xf32, #tpu.memory_space<hbm>> -> memref<1000000x32xf32, #tpu.memory_space<hbm>>
        tpu.wait_indirect_dma semaphore(%arg10 : memref<!tpu.dma_semaphore, #tpu.memory_space<semaphore_mem>>) src(%dma_wait3A_266 : memref<1000000x32xf32, #tpu.memory_space<hbm>>) dst(%dma_wait3A_260 : memref<50x32xf32, #tpu.memory_space<vmem>>)
        %mul3A_267 = arith.constant 16 : i32
        %mul3A_268 = arith.muli %add3A_201, %mul3A_267 : i32
        %add3A_269 = arith.constant 4 : i32
        %add3A_270 = arith.addi %mul3A_268, %add3A_269 : i32
        %dma_wait3A_271 = arith.constant 200 : i32
        %dma_wait3A_272 = arith.constant 0 : i32
        %dma_wait3A_273 = tpu.memref_slice %arg7[%dma_wait3A_271, %dma_wait3A_272] : memref<800x32xf32, #tpu.memory_space<vmem>> -> memref<50x32xf32, #tpu.memory_space<vmem>>
        %dma_wait3A_274 = arith.constant 0 : i32
        %dma_wait3A_275 = tpu.memref_slice %arg5[%add3A_270, %dma_wait3A_274] : memref<512x50xi32, #tpu.memory_space<vmem>> -> memref<1x50xi32, #tpu.memory_space<vmem>>
        %dma_wait3A_276 = tpu.memref_squeeze %dma_wait3A_275 : memref<1x50xi32, #tpu.memory_space<vmem>> -> memref<50xi32, #tpu.memory_space<vmem>>
        %dma_wait3A_277 = arith.constant 0 : i32
        %dma_wait3A_278 = arith.constant 0 : i32
        %dma_wait3A_279 = tpu.memref_slice %arg3[%dma_wait3A_277, %dma_wait3A_278] : memref<1000000x32xf32, #tpu.memory_space<hbm>> -> memref<1000000x32xf32, #tpu.memory_space<hbm>>
        tpu.wait_indirect_dma semaphore(%arg10 : memref<!tpu.dma_semaphore, #tpu.memory_space<semaphore_mem>>) src(%dma_wait3A_279 : memref<1000000x32xf32, #tpu.memory_space<hbm>>) dst(%dma_wait3A_273 : memref<50x32xf32, #tpu.memory_space<vmem>>)
        %mul3A_280 = arith.constant 16 : i32
        %mul3A_281 = arith.muli %add3A_201, %mul3A_280 : i32
        %add3A_282 = arith.constant 5 : i32
        %add3A_283 = arith.addi %mul3A_281, %add3A_282 : i32
        %dma_wait3A_284 = arith.constant 250 : i32
        %dma_wait3A_285 = arith.constant 0 : i32
        %dma_wait3A_286 = tpu.memref_slice %arg7[%dma_wait3A_284, %dma_wait3A_285] : memref<800x32xf32, #tpu.memory_space<vmem>> -> memref<50x32xf32, #tpu.memory_space<vmem>>
        %dma_wait3A_287 = arith.constant 0 : i32
        %dma_wait3A_288 = tpu.memref_slice %arg5[%add3A_283, %dma_wait3A_287] : memref<512x50xi32, #tpu.memory_space<vmem>> -> memref<1x50xi32, #tpu.memory_space<vmem>>
        %dma_wait3A_289 = tpu.memref_squeeze %dma_wait3A_288 : memref<1x50xi32, #tpu.memory_space<vmem>> -> memref<50xi32, #tpu.memory_space<vmem>>
        %dma_wait3A_290 = arith.constant 0 : i32
        %dma_wait3A_291 = arith.constant 0 : i32
        %dma_wait3A_292 = tpu.memref_slice %arg3[%dma_wait3A_290, %dma_wait3A_291] : memref<1000000x32xf32, #tpu.memory_space<hbm>> -> memref<1000000x32xf32, #tpu.memory_space<hbm>>
        tpu.wait_indirect_dma semaphore(%arg10 : memref<!tpu.dma_semaphore, #tpu.memory_space<semaphore_mem>>) src(%dma_wait3A_292 : memref<1000000x32xf32, #tpu.memory_space<hbm>>) dst(%dma_wait3A_286 : memref<50x32xf32, #tpu.memory_space<vmem>>)
        %mul3A_293 = arith.constant 16 : i32
        %mul3A_294 = arith.muli %add3A_201, %mul3A_293 : i32
        %add3A_295 = arith.constant 6 : i32
        %add3A_296 = arith.addi %mul3A_294, %add3A_295 : i32
        %dma_wait3A_297 = arith.constant 300 : i32
        %dma_wait3A_298 = arith.constant 0 : i32
        %dma_wait3A_299 = tpu.memref_slice %arg7[%dma_wait3A_297, %dma_wait3A_298] : memref<800x32xf32, #tpu.memory_space<vmem>> -> memref<50x32xf32, #tpu.memory_space<vmem>>
        %dma_wait3A_300 = arith.constant 0 : i32
        %dma_wait3A_301 = tpu.memref_slice %arg5[%add3A_296, %dma_wait3A_300] : memref<512x50xi32, #tpu.memory_space<vmem>> -> memref<1x50xi32, #tpu.memory_space<vmem>>
        %dma_wait3A_302 = tpu.memref_squeeze %dma_wait3A_301 : memref<1x50xi32, #tpu.memory_space<vmem>> -> memref<50xi32, #tpu.memory_space<vmem>>
        %dma_wait3A_303 = arith.constant 0 : i32
        %dma_wait3A_304 = arith.constant 0 : i32
        %dma_wait3A_305 = tpu.memref_slice %arg3[%dma_wait3A_303, %dma_wait3A_304] : memref<1000000x32xf32, #tpu.memory_space<hbm>> -> memref<1000000x32xf32, #tpu.memory_space<hbm>>
        tpu.wait_indirect_dma semaphore(%arg10 : memref<!tpu.dma_semaphore, #tpu.memory_space<semaphore_mem>>) src(%dma_wait3A_305 : memref<1000000x32xf32, #tpu.memory_space<hbm>>) dst(%dma_wait3A_299 : memref<50x32xf32, #tpu.memory_space<vmem>>)
        %mul3A_306 = arith.constant 16 : i32
        %mul3A_307 = arith.muli %add3A_201, %mul3A_306 : i32
        %add3A_308 = arith.constant 7 : i32
        %add3A_309 = arith.addi %mul3A_307, %add3A_308 : i32
        %dma_wait3A_310 = arith.constant 350 : i32
        %dma_wait3A_311 = arith.constant 0 : i32
        %dma_wait3A_312 = tpu.memref_slice %arg7[%dma_wait3A_310, %dma_wait3A_311] : memref<800x32xf32, #tpu.memory_space<vmem>> -> memref<50x32xf32, #tpu.memory_space<vmem>>
        %dma_wait3A_313 = arith.constant 0 : i32
        %dma_wait3A_314 = tpu.memref_slice %arg5[%add3A_309, %dma_wait3A_313] : memref<512x50xi32, #tpu.memory_space<vmem>> -> memref<1x50xi32, #tpu.memory_space<vmem>>
        %dma_wait3A_315 = tpu.memref_squeeze %dma_wait3A_314 : memref<1x50xi32, #tpu.memory_space<vmem>> -> memref<50xi32, #tpu.memory_space<vmem>>
        %dma_wait3A_316 = arith.constant 0 : i32
        %dma_wait3A_317 = arith.constant 0 : i32
        %dma_wait3A_318 = tpu.memref_slice %arg3[%dma_wait3A_316, %dma_wait3A_317] : memref<1000000x32xf32, #tpu.memory_space<hbm>> -> memref<1000000x32xf32, #tpu.memory_space<hbm>>
        tpu.wait_indirect_dma semaphore(%arg10 : memref<!tpu.dma_semaphore, #tpu.memory_space<semaphore_mem>>) src(%dma_wait3A_318 : memref<1000000x32xf32, #tpu.memory_space<hbm>>) dst(%dma_wait3A_312 : memref<50x32xf32, #tpu.memory_space<vmem>>)
        %mul3A_319 = arith.constant 16 : i32
        %mul3A_320 = arith.muli %add3A_201, %mul3A_319 : i32
        %add3A_321 = arith.constant 8 : i32
        %add3A_322 = arith.addi %mul3A_320, %add3A_321 : i32
        %dma_wait3A_323 = arith.constant 400 : i32
        %dma_wait3A_324 = arith.constant 0 : i32
        %dma_wait3A_325 = tpu.memref_slice %arg7[%dma_wait3A_323, %dma_wait3A_324] : memref<800x32xf32, #tpu.memory_space<vmem>> -> memref<50x32xf32, #tpu.memory_space<vmem>>
        %dma_wait3A_326 = arith.constant 0 : i32
        %dma_wait3A_327 = tpu.memref_slice %arg5[%add3A_322, %dma_wait3A_326] : memref<512x50xi32, #tpu.memory_space<vmem>> -> memref<1x50xi32, #tpu.memory_space<vmem>>
        %dma_wait3A_328 = tpu.memref_squeeze %dma_wait3A_327 : memref<1x50xi32, #tpu.memory_space<vmem>> -> memref<50xi32, #tpu.memory_space<vmem>>
        %dma_wait3A_329 = arith.constant 0 : i32
        %dma_wait3A_330 = arith.constant 0 : i32
        %dma_wait3A_331 = tpu.memref_slice %arg3[%dma_wait3A_329, %dma_wait3A_330] : memref<1000000x32xf32, #tpu.memory_space<hbm>> -> memref<1000000x32xf32, #tpu.memory_space<hbm>>
        tpu.wait_indirect_dma semaphore(%arg10 : memref<!tpu.dma_semaphore, #tpu.memory_space<semaphore_mem>>) src(%dma_wait3A_331 : memref<1000000x32xf32, #tpu.memory_space<hbm>>) dst(%dma_wait3A_325 : memref<50x32xf32, #tpu.memory_space<vmem>>)
        %mul3A_332 = arith.constant 16 : i32
        %mul3A_333 = arith.muli %add3A_201, %mul3A_332 : i32
        %add3A_334 = arith.constant 9 : i32
        %add3A_335 = arith.addi %mul3A_333, %add3A_334 : i32
        %dma_wait3A_336 = arith.constant 450 : i32
        %dma_wait3A_337 = arith.constant 0 : i32
        %dma_wait3A_338 = tpu.memref_slice %arg7[%dma_wait3A_336, %dma_wait3A_337] : memref<800x32xf32, #tpu.memory_space<vmem>> -> memref<50x32xf32, #tpu.memory_space<vmem>>
        %dma_wait3A_339 = arith.constant 0 : i32
        %dma_wait3A_340 = tpu.memref_slice %arg5[%add3A_335, %dma_wait3A_339] : memref<512x50xi32, #tpu.memory_space<vmem>> -> memref<1x50xi32, #tpu.memory_space<vmem>>
        %dma_wait3A_341 = tpu.memref_squeeze %dma_wait3A_340 : memref<1x50xi32, #tpu.memory_space<vmem>> -> memref<50xi32, #tpu.memory_space<vmem>>
        %dma_wait3A_342 = arith.constant 0 : i32
        %dma_wait3A_343 = arith.constant 0 : i32
        %dma_wait3A_344 = tpu.memref_slice %arg3[%dma_wait3A_342, %dma_wait3A_343] : memref<1000000x32xf32, #tpu.memory_space<hbm>> -> memref<1000000x32xf32, #tpu.memory_space<hbm>>
        tpu.wait_indirect_dma semaphore(%arg10 : memref<!tpu.dma_semaphore, #tpu.memory_space<semaphore_mem>>) src(%dma_wait3A_344 : memref<1000000x32xf32, #tpu.memory_space<hbm>>) dst(%dma_wait3A_338 : memref<50x32xf32, #tpu.memory_space<vmem>>)
        %mul3A_345 = arith.constant 16 : i32
        %mul3A_346 = arith.muli %add3A_201, %mul3A_345 : i32
        %add3A_347 = arith.constant 10 : i32
        %add3A_348 = arith.addi %mul3A_346, %add3A_347 : i32
        %dma_wait3A_349 = arith.constant 500 : i32
        %dma_wait3A_350 = arith.constant 0 : i32
        %dma_wait3A_351 = tpu.memref_slice %arg7[%dma_wait3A_349, %dma_wait3A_350] : memref<800x32xf32, #tpu.memory_space<vmem>> -> memref<50x32xf32, #tpu.memory_space<vmem>>
        %dma_wait3A_352 = arith.constant 0 : i32
        %dma_wait3A_353 = tpu.memref_slice %arg5[%add3A_348, %dma_wait3A_352] : memref<512x50xi32, #tpu.memory_space<vmem>> -> memref<1x50xi32, #tpu.memory_space<vmem>>
        %dma_wait3A_354 = tpu.memref_squeeze %dma_wait3A_353 : memref<1x50xi32, #tpu.memory_space<vmem>> -> memref<50xi32, #tpu.memory_space<vmem>>
        %dma_wait3A_355 = arith.constant 0 : i32
        %dma_wait3A_356 = arith.constant 0 : i32
        %dma_wait3A_357 = tpu.memref_slice %arg3[%dma_wait3A_355, %dma_wait3A_356] : memref<1000000x32xf32, #tpu.memory_space<hbm>> -> memref<1000000x32xf32, #tpu.memory_space<hbm>>
        tpu.wait_indirect_dma semaphore(%arg10 : memref<!tpu.dma_semaphore, #tpu.memory_space<semaphore_mem>>) src(%dma_wait3A_357 : memref<1000000x32xf32, #tpu.memory_space<hbm>>) dst(%dma_wait3A_351 : memref<50x32xf32, #tpu.memory_space<vmem>>)
        %mul3A_358 = arith.constant 16 : i32
        %mul3A_359 = arith.muli %add3A_201, %mul3A_358 : i32
        %add3A_360 = arith.constant 11 : i32
        %add3A_361 = arith.addi %mul3A_359, %add3A_360 : i32
        %dma_wait3A_362 = arith.constant 550 : i32
        %dma_wait3A_363 = arith.constant 0 : i32
        %dma_wait3A_364 = tpu.memref_slice %arg7[%dma_wait3A_362, %dma_wait3A_363] : memref<800x32xf32, #tpu.memory_space<vmem>> -> memref<50x32xf32, #tpu.memory_space<vmem>>
        %dma_wait3A_365 = arith.constant 0 : i32
        %dma_wait3A_366 = tpu.memref_slice %arg5[%add3A_361, %dma_wait3A_365] : memref<512x50xi32, #tpu.memory_space<vmem>> -> memref<1x50xi32, #tpu.memory_space<vmem>>
        %dma_wait3A_367 = tpu.memref_squeeze %dma_wait3A_366 : memref<1x50xi32, #tpu.memory_space<vmem>> -> memref<50xi32, #tpu.memory_space<vmem>>
        %dma_wait3A_368 = arith.constant 0 : i32
        %dma_wait3A_369 = arith.constant 0 : i32
        %dma_wait3A_370 = tpu.memref_slice %arg3[%dma_wait3A_368, %dma_wait3A_369] : memref<1000000x32xf32, #tpu.memory_space<hbm>> -> memref<1000000x32xf32, #tpu.memory_space<hbm>>
        tpu.wait_indirect_dma semaphore(%arg10 : memref<!tpu.dma_semaphore, #tpu.memory_space<semaphore_mem>>) src(%dma_wait3A_370 : memref<1000000x32xf32, #tpu.memory_space<hbm>>) dst(%dma_wait3A_364 : memref<50x32xf32, #tpu.memory_space<vmem>>)
        %mul3A_371 = arith.constant 16 : i32
        %mul3A_372 = arith.muli %add3A_201, %mul3A_371 : i32
        %add3A_373 = arith.constant 12 : i32
        %add3A_374 = arith.addi %mul3A_372, %add3A_373 : i32
        %dma_wait3A_375 = arith.constant 600 : i32
        %dma_wait3A_376 = arith.constant 0 : i32
        %dma_wait3A_377 = tpu.memref_slice %arg7[%dma_wait3A_375, %dma_wait3A_376] : memref<800x32xf32, #tpu.memory_space<vmem>> -> memref<50x32xf32, #tpu.memory_space<vmem>>
        %dma_wait3A_378 = arith.constant 0 : i32
        %dma_wait3A_379 = tpu.memref_slice %arg5[%add3A_374, %dma_wait3A_378] : memref<512x50xi32, #tpu.memory_space<vmem>> -> memref<1x50xi32, #tpu.memory_space<vmem>>
        %dma_wait3A_380 = tpu.memref_squeeze %dma_wait3A_379 : memref<1x50xi32, #tpu.memory_space<vmem>> -> memref<50xi32, #tpu.memory_space<vmem>>
        %dma_wait3A_381 = arith.constant 0 : i32
        %dma_wait3A_382 = arith.constant 0 : i32
        %dma_wait3A_383 = tpu.memref_slice %arg3[%dma_wait3A_381, %dma_wait3A_382] : memref<1000000x32xf32, #tpu.memory_space<hbm>> -> memref<1000000x32xf32, #tpu.memory_space<hbm>>
        tpu.wait_indirect_dma semaphore(%arg10 : memref<!tpu.dma_semaphore, #tpu.memory_space<semaphore_mem>>) src(%dma_wait3A_383 : memref<1000000x32xf32, #tpu.memory_space<hbm>>) dst(%dma_wait3A_377 : memref<50x32xf32, #tpu.memory_space<vmem>>)
        %mul3A_384 = arith.constant 16 : i32
        %mul3A_385 = arith.muli %add3A_201, %mul3A_384 : i32
        %add3A_386 = arith.constant 13 : i32
        %add3A_387 = arith.addi %mul3A_385, %add3A_386 : i32
        %dma_wait3A_388 = arith.constant 650 : i32
        %dma_wait3A_389 = arith.constant 0 : i32
        %dma_wait3A_390 = tpu.memref_slice %arg7[%dma_wait3A_388, %dma_wait3A_389] : memref<800x32xf32, #tpu.memory_space<vmem>> -> memref<50x32xf32, #tpu.memory_space<vmem>>
        %dma_wait3A_391 = arith.constant 0 : i32
        %dma_wait3A_392 = tpu.memref_slice %arg5[%add3A_387, %dma_wait3A_391] : memref<512x50xi32, #tpu.memory_space<vmem>> -> memref<1x50xi32, #tpu.memory_space<vmem>>
        %dma_wait3A_393 = tpu.memref_squeeze %dma_wait3A_392 : memref<1x50xi32, #tpu.memory_space<vmem>> -> memref<50xi32, #tpu.memory_space<vmem>>
        %dma_wait3A_394 = arith.constant 0 : i32
        %dma_wait3A_395 = arith.constant 0 : i32
        %dma_wait3A_396 = tpu.memref_slice %arg3[%dma_wait3A_394, %dma_wait3A_395] : memref<1000000x32xf32, #tpu.memory_space<hbm>> -> memref<1000000x32xf32, #tpu.memory_space<hbm>>
        tpu.wait_indirect_dma semaphore(%arg10 : memref<!tpu.dma_semaphore, #tpu.memory_space<semaphore_mem>>) src(%dma_wait3A_396 : memref<1000000x32xf32, #tpu.memory_space<hbm>>) dst(%dma_wait3A_390 : memref<50x32xf32, #tpu.memory_space<vmem>>)
        %mul3A_397 = arith.constant 16 : i32
        %mul3A_398 = arith.muli %add3A_201, %mul3A_397 : i32
        %add3A_399 = arith.constant 14 : i32
        %add3A_400 = arith.addi %mul3A_398, %add3A_399 : i32
        %dma_wait3A_401 = arith.constant 700 : i32
        %dma_wait3A_402 = arith.constant 0 : i32
        %dma_wait3A_403 = tpu.memref_slice %arg7[%dma_wait3A_401, %dma_wait3A_402] : memref<800x32xf32, #tpu.memory_space<vmem>> -> memref<50x32xf32, #tpu.memory_space<vmem>>
        %dma_wait3A_404 = arith.constant 0 : i32
        %dma_wait3A_405 = tpu.memref_slice %arg5[%add3A_400, %dma_wait3A_404] : memref<512x50xi32, #tpu.memory_space<vmem>> -> memref<1x50xi32, #tpu.memory_space<vmem>>
        %dma_wait3A_406 = tpu.memref_squeeze %dma_wait3A_405 : memref<1x50xi32, #tpu.memory_space<vmem>> -> memref<50xi32, #tpu.memory_space<vmem>>
        %dma_wait3A_407 = arith.constant 0 : i32
        %dma_wait3A_408 = arith.constant 0 : i32
        %dma_wait3A_409 = tpu.memref_slice %arg3[%dma_wait3A_407, %dma_wait3A_408] : memref<1000000x32xf32, #tpu.memory_space<hbm>> -> memref<1000000x32xf32, #tpu.memory_space<hbm>>
        tpu.wait_indirect_dma semaphore(%arg10 : memref<!tpu.dma_semaphore, #tpu.memory_space<semaphore_mem>>) src(%dma_wait3A_409 : memref<1000000x32xf32, #tpu.memory_space<hbm>>) dst(%dma_wait3A_403 : memref<50x32xf32, #tpu.memory_space<vmem>>)
        %mul3A_410 = arith.constant 16 : i32
        %mul3A_411 = arith.muli %add3A_201, %mul3A_410 : i32
        %add3A_412 = arith.constant 15 : i32
        %add3A_413 = arith.addi %mul3A_411, %add3A_412 : i32
        %dma_wait3A_414 = arith.constant 750 : i32
        %dma_wait3A_415 = arith.constant 0 : i32
        %dma_wait3A_416 = tpu.memref_slice %arg7[%dma_wait3A_414, %dma_wait3A_415] : memref<800x32xf32, #tpu.memory_space<vmem>> -> memref<50x32xf32, #tpu.memory_space<vmem>>
        %dma_wait3A_417 = arith.constant 0 : i32
        %dma_wait3A_418 = tpu.memref_slice %arg5[%add3A_413, %dma_wait3A_417] : memref<512x50xi32, #tpu.memory_space<vmem>> -> memref<1x50xi32, #tpu.memory_space<vmem>>
        %dma_wait3A_419 = tpu.memref_squeeze %dma_wait3A_418 : memref<1x50xi32, #tpu.memory_space<vmem>> -> memref<50xi32, #tpu.memory_space<vmem>>
        %dma_wait3A_420 = arith.constant 0 : i32
        %dma_wait3A_421 = arith.constant 0 : i32
        %dma_wait3A_422 = tpu.memref_slice %arg3[%dma_wait3A_420, %dma_wait3A_421] : memref<1000000x32xf32, #tpu.memory_space<hbm>> -> memref<1000000x32xf32, #tpu.memory_space<hbm>>
        tpu.wait_indirect_dma semaphore(%arg10 : memref<!tpu.dma_semaphore, #tpu.memory_space<semaphore_mem>>) src(%dma_wait3A_422 : memref<1000000x32xf32, #tpu.memory_space<hbm>>) dst(%dma_wait3A_416 : memref<50x32xf32, #tpu.memory_space<vmem>>)
        %parallel_loop3A = arith.constant 0 : i32
        %parallel_loop3A_423 = arith.constant 50 : i32
        %parallel_loop3A_424 = arith.constant 1 : i32
        scf.for %parallel_loop3A_428 = %parallel_loop3A to %parallel_loop3A_423 step %parallel_loop3A_424  : i32 {
          %parallel_loop3A_429 = arith.constant 32 : i32
          %parallel_loop3A_430 = arith.muli %parallel_loop3A_428, %parallel_loop3A_429 : i32
          %parallel_loop3A_431 = vector.broadcast %parallel_loop3A_430 : i32 to vector<16xi32>
          %parallel_loop3A_432 = arith.addi %iota3A, %parallel_loop3A_431 : vector<16xi32>
          %parallel_loop3A_433 = arith.constant 16 : i32
          %parallel_loop3A_434 = vector.broadcast %parallel_loop3A_433 : i32 to vector<16xi32>
          %parallel_loop3A_435 = arith.addi %parallel_loop3A_432, %parallel_loop3A_434 : vector<16xi32>
          %parallel_loop3A_436 = arith.constant 0 : i32
          %parallel_loop3A_437 = arith.addi %parallel_loop3A_436, %parallel_loop3A_428 : i32
          %parallel_loop3A_438 = arith.index_cast %parallel_loop3A_437 : i32 to index
          %parallel_loop3A_439 = arith.constant 0 : index
          %parallel_loop3A_440 = tpu.vector_load %arg7[%parallel_loop3A_438, %parallel_loop3A_439] {strides = array<i32>} : memref<800x32xf32, #tpu.memory_space<vmem>>, vector<16xf32>,
          %parallel_loop3A_441 = arith.index_cast %parallel_loop3A_437 : i32 to index
          %parallel_loop3A_442 = arith.constant 16 : index
          %parallel_loop3A_443 = tpu.vector_load %arg7[%parallel_loop3A_441, %parallel_loop3A_442] {strides = array<i32>} : memref<800x32xf32, #tpu.memory_space<vmem>>, vector<16xf32>,
          tpu.vector_store_idx %arg8[%parallel_loop3A_432, %broadcast_in_dim3A_3], %parallel_loop3A_440 : memref<1600x17xf32, #tpu.memory_space<vmem>>[vector<16xi32>, vector<16xi32>], vector<16xf32>,
          tpu.vector_store_idx %arg8[%parallel_loop3A_435, %broadcast_in_dim3A_3], %parallel_loop3A_443 : memref<1600x17xf32, #tpu.memory_space<vmem>>[vector<16xi32>, vector<16xi32>], vector<16xf32>,
          %parallel_loop3A_444 = arith.constant 50 : i32
          %parallel_loop3A_445 = arith.addi %parallel_loop3A_444, %parallel_loop3A_428 : i32
          %parallel_loop3A_446 = arith.index_cast %parallel_loop3A_445 : i32 to index
          %parallel_loop3A_447 = arith.constant 0 : index
          %parallel_loop3A_448 = tpu.vector_load %arg7[%parallel_loop3A_446, %parallel_loop3A_447] {strides = array<i32>} : memref<800x32xf32, #tpu.memory_space<vmem>>, vector<16xf32>,
          %parallel_loop3A_449 = arith.index_cast %parallel_loop3A_445 : i32 to index
          %parallel_loop3A_450 = arith.constant 16 : index
          %parallel_loop3A_451 = tpu.vector_load %arg7[%parallel_loop3A_449, %parallel_loop3A_450] {strides = array<i32>} : memref<800x32xf32, #tpu.memory_space<vmem>>, vector<16xf32>,
          tpu.vector_store_idx %arg8[%parallel_loop3A_432, %broadcast_in_dim3A_5], %parallel_loop3A_448 : memref<1600x17xf32, #tpu.memory_space<vmem>>[vector<16xi32>, vector<16xi32>], vector<16xf32>,
          tpu.vector_store_idx %arg8[%parallel_loop3A_435, %broadcast_in_dim3A_5], %parallel_loop3A_451 : memref<1600x17xf32, #tpu.memory_space<vmem>>[vector<16xi32>, vector<16xi32>], vector<16xf32>,
          %parallel_loop3A_452 = arith.constant 100 : i32
          %parallel_loop3A_453 = arith.addi %parallel_loop3A_452, %parallel_loop3A_428 : i32
          %parallel_loop3A_454 = arith.index_cast %parallel_loop3A_453 : i32 to index
          %parallel_loop3A_455 = arith.constant 0 : index
          %parallel_loop3A_456 = tpu.vector_load %arg7[%parallel_loop3A_454, %parallel_loop3A_455] {strides = array<i32>} : memref<800x32xf32, #tpu.memory_space<vmem>>, vector<16xf32>,
          %parallel_loop3A_457 = arith.index_cast %parallel_loop3A_453 : i32 to index
          %parallel_loop3A_458 = arith.constant 16 : index
          %parallel_loop3A_459 = tpu.vector_load %arg7[%parallel_loop3A_457, %parallel_loop3A_458] {strides = array<i32>} : memref<800x32xf32, #tpu.memory_space<vmem>>, vector<16xf32>,
          tpu.vector_store_idx %arg8[%parallel_loop3A_432, %broadcast_in_dim3A_7], %parallel_loop3A_456 : memref<1600x17xf32, #tpu.memory_space<vmem>>[vector<16xi32>, vector<16xi32>], vector<16xf32>,
          tpu.vector_store_idx %arg8[%parallel_loop3A_435, %broadcast_in_dim3A_7], %parallel_loop3A_459 : memref<1600x17xf32, #tpu.memory_space<vmem>>[vector<16xi32>, vector<16xi32>], vector<16xf32>,
          %parallel_loop3A_460 = arith.constant 150 : i32
          %parallel_loop3A_461 = arith.addi %parallel_loop3A_460, %parallel_loop3A_428 : i32
          %parallel_loop3A_462 = arith.index_cast %parallel_loop3A_461 : i32 to index
          %parallel_loop3A_463 = arith.constant 0 : index
          %parallel_loop3A_464 = tpu.vector_load %arg7[%parallel_loop3A_462, %parallel_loop3A_463] {strides = array<i32>} : memref<800x32xf32, #tpu.memory_space<vmem>>, vector<16xf32>,
          %parallel_loop3A_465 = arith.index_cast %parallel_loop3A_461 : i32 to index
          %parallel_loop3A_466 = arith.constant 16 : index
          %parallel_loop3A_467 = tpu.vector_load %arg7[%parallel_loop3A_465, %parallel_loop3A_466] {strides = array<i32>} : memref<800x32xf32, #tpu.memory_space<vmem>>, vector<16xf32>,
          tpu.vector_store_idx %arg8[%parallel_loop3A_432, %broadcast_in_dim3A_9], %parallel_loop3A_464 : memref<1600x17xf32, #tpu.memory_space<vmem>>[vector<16xi32>, vector<16xi32>], vector<16xf32>,
          tpu.vector_store_idx %arg8[%parallel_loop3A_435, %broadcast_in_dim3A_9], %parallel_loop3A_467 : memref<1600x17xf32, #tpu.memory_space<vmem>>[vector<16xi32>, vector<16xi32>], vector<16xf32>,
          %parallel_loop3A_468 = arith.constant 200 : i32
          %parallel_loop3A_469 = arith.addi %parallel_loop3A_468, %parallel_loop3A_428 : i32
          %parallel_loop3A_470 = arith.index_cast %parallel_loop3A_469 : i32 to index
          %parallel_loop3A_471 = arith.constant 0 : index
          %parallel_loop3A_472 = tpu.vector_load %arg7[%parallel_loop3A_470, %parallel_loop3A_471] {strides = array<i32>} : memref<800x32xf32, #tpu.memory_space<vmem>>, vector<16xf32>,
          %parallel_loop3A_473 = arith.index_cast %parallel_loop3A_469 : i32 to index
          %parallel_loop3A_474 = arith.constant 16 : index
          %parallel_loop3A_475 = tpu.vector_load %arg7[%parallel_loop3A_473, %parallel_loop3A_474] {strides = array<i32>} : memref<800x32xf32, #tpu.memory_space<vmem>>, vector<16xf32>,
          tpu.vector_store_idx %arg8[%parallel_loop3A_432, %broadcast_in_dim3A_11], %parallel_loop3A_472 : memref<1600x17xf32, #tpu.memory_space<vmem>>[vector<16xi32>, vector<16xi32>], vector<16xf32>,
          tpu.vector_store_idx %arg8[%parallel_loop3A_435, %broadcast_in_dim3A_11], %parallel_loop3A_475 : memref<1600x17xf32, #tpu.memory_space<vmem>>[vector<16xi32>, vector<16xi32>], vector<16xf32>,
          %parallel_loop3A_476 = arith.constant 250 : i32
          %parallel_loop3A_477 = arith.addi %parallel_loop3A_476, %parallel_loop3A_428 : i32
          %parallel_loop3A_478 = arith.index_cast %parallel_loop3A_477 : i32 to index
          %parallel_loop3A_479 = arith.constant 0 : index
          %parallel_loop3A_480 = tpu.vector_load %arg7[%parallel_loop3A_478, %parallel_loop3A_479] {strides = array<i32>} : memref<800x32xf32, #tpu.memory_space<vmem>>, vector<16xf32>,
          %parallel_loop3A_481 = arith.index_cast %parallel_loop3A_477 : i32 to index
          %parallel_loop3A_482 = arith.constant 16 : index
          %parallel_loop3A_483 = tpu.vector_load %arg7[%parallel_loop3A_481, %parallel_loop3A_482] {strides = array<i32>} : memref<800x32xf32, #tpu.memory_space<vmem>>, vector<16xf32>,
          tpu.vector_store_idx %arg8[%parallel_loop3A_432, %broadcast_in_dim3A_13], %parallel_loop3A_480 : memref<1600x17xf32, #tpu.memory_space<vmem>>[vector<16xi32>, vector<16xi32>], vector<16xf32>,
          tpu.vector_store_idx %arg8[%parallel_loop3A_435, %broadcast_in_dim3A_13], %parallel_loop3A_483 : memref<1600x17xf32, #tpu.memory_space<vmem>>[vector<16xi32>, vector<16xi32>], vector<16xf32>,
          %parallel_loop3A_484 = arith.constant 300 : i32
          %parallel_loop3A_485 = arith.addi %parallel_loop3A_484, %parallel_loop3A_428 : i32
          %parallel_loop3A_486 = arith.index_cast %parallel_loop3A_485 : i32 to index
          %parallel_loop3A_487 = arith.constant 0 : index
          %parallel_loop3A_488 = tpu.vector_load %arg7[%parallel_loop3A_486, %parallel_loop3A_487] {strides = array<i32>} : memref<800x32xf32, #tpu.memory_space<vmem>>, vector<16xf32>,
          %parallel_loop3A_489 = arith.index_cast %parallel_loop3A_485 : i32 to index
          %parallel_loop3A_490 = arith.constant 16 : index
          %parallel_loop3A_491 = tpu.vector_load %arg7[%parallel_loop3A_489, %parallel_loop3A_490] {strides = array<i32>} : memref<800x32xf32, #tpu.memory_space<vmem>>, vector<16xf32>,
          tpu.vector_store_idx %arg8[%parallel_loop3A_432, %broadcast_in_dim3A_15], %parallel_loop3A_488 : memref<1600x17xf32, #tpu.memory_space<vmem>>[vector<16xi32>, vector<16xi32>], vector<16xf32>,
          tpu.vector_store_idx %arg8[%parallel_loop3A_435, %broadcast_in_dim3A_15], %parallel_loop3A_491 : memref<1600x17xf32, #tpu.memory_space<vmem>>[vector<16xi32>, vector<16xi32>], vector<16xf32>,
          %parallel_loop3A_492 = arith.constant 350 : i32
          %parallel_loop3A_493 = arith.addi %parallel_loop3A_492, %parallel_loop3A_428 : i32
          %parallel_loop3A_494 = arith.index_cast %parallel_loop3A_493 : i32 to index
          %parallel_loop3A_495 = arith.constant 0 : index
          %parallel_loop3A_496 = tpu.vector_load %arg7[%parallel_loop3A_494, %parallel_loop3A_495] {strides = array<i32>} : memref<800x32xf32, #tpu.memory_space<vmem>>, vector<16xf32>,
          %parallel_loop3A_497 = arith.index_cast %parallel_loop3A_493 : i32 to index
          %parallel_loop3A_498 = arith.constant 16 : index
          %parallel_loop3A_499 = tpu.vector_load %arg7[%parallel_loop3A_497, %parallel_loop3A_498] {strides = array<i32>} : memref<800x32xf32, #tpu.memory_space<vmem>>, vector<16xf32>,
          tpu.vector_store_idx %arg8[%parallel_loop3A_432, %broadcast_in_dim3A_17], %parallel_loop3A_496 : memref<1600x17xf32, #tpu.memory_space<vmem>>[vector<16xi32>, vector<16xi32>], vector<16xf32>,
          tpu.vector_store_idx %arg8[%parallel_loop3A_435, %broadcast_in_dim3A_17], %parallel_loop3A_499 : memref<1600x17xf32, #tpu.memory_space<vmem>>[vector<16xi32>, vector<16xi32>], vector<16xf32>,
          %parallel_loop3A_500 = arith.constant 400 : i32
          %parallel_loop3A_501 = arith.addi %parallel_loop3A_500, %parallel_loop3A_428 : i32
          %parallel_loop3A_502 = arith.index_cast %parallel_loop3A_501 : i32 to index
          %parallel_loop3A_503 = arith.constant 0 : index
          %parallel_loop3A_504 = tpu.vector_load %arg7[%parallel_loop3A_502, %parallel_loop3A_503] {strides = array<i32>} : memref<800x32xf32, #tpu.memory_space<vmem>>, vector<16xf32>,
          %parallel_loop3A_505 = arith.index_cast %parallel_loop3A_501 : i32 to index
          %parallel_loop3A_506 = arith.constant 16 : index
          %parallel_loop3A_507 = tpu.vector_load %arg7[%parallel_loop3A_505, %parallel_loop3A_506] {strides = array<i32>} : memref<800x32xf32, #tpu.memory_space<vmem>>, vector<16xf32>,
          tpu.vector_store_idx %arg8[%parallel_loop3A_432, %broadcast_in_dim3A_19], %parallel_loop3A_504 : memref<1600x17xf32, #tpu.memory_space<vmem>>[vector<16xi32>, vector<16xi32>], vector<16xf32>,
          tpu.vector_store_idx %arg8[%parallel_loop3A_435, %broadcast_in_dim3A_19], %parallel_loop3A_507 : memref<1600x17xf32, #tpu.memory_space<vmem>>[vector<16xi32>, vector<16xi32>], vector<16xf32>,
          %parallel_loop3A_508 = arith.constant 450 : i32
          %parallel_loop3A_509 = arith.addi %parallel_loop3A_508, %parallel_loop3A_428 : i32
          %parallel_loop3A_510 = arith.index_cast %parallel_loop3A_509 : i32 to index
          %parallel_loop3A_511 = arith.constant 0 : index
          %parallel_loop3A_512 = tpu.vector_load %arg7[%parallel_loop3A_510, %parallel_loop3A_511] {strides = array<i32>} : memref<800x32xf32, #tpu.memory_space<vmem>>, vector<16xf32>,
          %parallel_loop3A_513 = arith.index_cast %parallel_loop3A_509 : i32 to index
          %parallel_loop3A_514 = arith.constant 16 : index
          %parallel_loop3A_515 = tpu.vector_load %arg7[%parallel_loop3A_513, %parallel_loop3A_514] {strides = array<i32>} : memref<800x32xf32, #tpu.memory_space<vmem>>, vector<16xf32>,
          tpu.vector_store_idx %arg8[%parallel_loop3A_432, %broadcast_in_dim3A_21], %parallel_loop3A_512 : memref<1600x17xf32, #tpu.memory_space<vmem>>[vector<16xi32>, vector<16xi32>], vector<16xf32>,
          tpu.vector_store_idx %arg8[%parallel_loop3A_435, %broadcast_in_dim3A_21], %parallel_loop3A_515 : memref<1600x17xf32, #tpu.memory_space<vmem>>[vector<16xi32>, vector<16xi32>], vector<16xf32>,
          %parallel_loop3A_516 = arith.constant 500 : i32
          %parallel_loop3A_517 = arith.addi %parallel_loop3A_516, %parallel_loop3A_428 : i32
          %parallel_loop3A_518 = arith.index_cast %parallel_loop3A_517 : i32 to index
          %parallel_loop3A_519 = arith.constant 0 : index
          %parallel_loop3A_520 = tpu.vector_load %arg7[%parallel_loop3A_518, %parallel_loop3A_519] {strides = array<i32>} : memref<800x32xf32, #tpu.memory_space<vmem>>, vector<16xf32>,
          %parallel_loop3A_521 = arith.index_cast %parallel_loop3A_517 : i32 to index
          %parallel_loop3A_522 = arith.constant 16 : index
          %parallel_loop3A_523 = tpu.vector_load %arg7[%parallel_loop3A_521, %parallel_loop3A_522] {strides = array<i32>} : memref<800x32xf32, #tpu.memory_space<vmem>>, vector<16xf32>,
          tpu.vector_store_idx %arg8[%parallel_loop3A_432, %broadcast_in_dim3A_23], %parallel_loop3A_520 : memref<1600x17xf32, #tpu.memory_space<vmem>>[vector<16xi32>, vector<16xi32>], vector<16xf32>,
          tpu.vector_store_idx %arg8[%parallel_loop3A_435, %broadcast_in_dim3A_23], %parallel_loop3A_523 : memref<1600x17xf32, #tpu.memory_space<vmem>>[vector<16xi32>, vector<16xi32>], vector<16xf32>,
          %parallel_loop3A_524 = arith.constant 550 : i32
          %parallel_loop3A_525 = arith.addi %parallel_loop3A_524, %parallel_loop3A_428 : i32
          %parallel_loop3A_526 = arith.index_cast %parallel_loop3A_525 : i32 to index
          %parallel_loop3A_527 = arith.constant 0 : index
          %parallel_loop3A_528 = tpu.vector_load %arg7[%parallel_loop3A_526, %parallel_loop3A_527] {strides = array<i32>} : memref<800x32xf32, #tpu.memory_space<vmem>>, vector<16xf32>,
          %parallel_loop3A_529 = arith.index_cast %parallel_loop3A_525 : i32 to index
          %parallel_loop3A_530 = arith.constant 16 : index
          %parallel_loop3A_531 = tpu.vector_load %arg7[%parallel_loop3A_529, %parallel_loop3A_530] {strides = array<i32>} : memref<800x32xf32, #tpu.memory_space<vmem>>, vector<16xf32>,
          tpu.vector_store_idx %arg8[%parallel_loop3A_432, %broadcast_in_dim3A_25], %parallel_loop3A_528 : memref<1600x17xf32, #tpu.memory_space<vmem>>[vector<16xi32>, vector<16xi32>], vector<16xf32>,
          tpu.vector_store_idx %arg8[%parallel_loop3A_435, %broadcast_in_dim3A_25], %parallel_loop3A_531 : memref<1600x17xf32, #tpu.memory_space<vmem>>[vector<16xi32>, vector<16xi32>], vector<16xf32>,
          %parallel_loop3A_532 = arith.constant 600 : i32
          %parallel_loop3A_533 = arith.addi %parallel_loop3A_532, %parallel_loop3A_428 : i32
          %parallel_loop3A_534 = arith.index_cast %parallel_loop3A_533 : i32 to index
          %parallel_loop3A_535 = arith.constant 0 : index
          %parallel_loop3A_536 = tpu.vector_load %arg7[%parallel_loop3A_534, %parallel_loop3A_535] {strides = array<i32>} : memref<800x32xf32, #tpu.memory_space<vmem>>, vector<16xf32>,
          %parallel_loop3A_537 = arith.index_cast %parallel_loop3A_533 : i32 to index
          %parallel_loop3A_538 = arith.constant 16 : index
          %parallel_loop3A_539 = tpu.vector_load %arg7[%parallel_loop3A_537, %parallel_loop3A_538] {strides = array<i32>} : memref<800x32xf32, #tpu.memory_space<vmem>>, vector<16xf32>,
          tpu.vector_store_idx %arg8[%parallel_loop3A_432, %broadcast_in_dim3A_27], %parallel_loop3A_536 : memref<1600x17xf32, #tpu.memory_space<vmem>>[vector<16xi32>, vector<16xi32>], vector<16xf32>,
          tpu.vector_store_idx %arg8[%parallel_loop3A_435, %broadcast_in_dim3A_27], %parallel_loop3A_539 : memref<1600x17xf32, #tpu.memory_space<vmem>>[vector<16xi32>, vector<16xi32>], vector<16xf32>,
          %parallel_loop3A_540 = arith.constant 650 : i32
          %parallel_loop3A_541 = arith.addi %parallel_loop3A_540, %parallel_loop3A_428 : i32
          %parallel_loop3A_542 = arith.index_cast %parallel_loop3A_541 : i32 to index
          %parallel_loop3A_543 = arith.constant 0 : index
          %parallel_loop3A_544 = tpu.vector_load %arg7[%parallel_loop3A_542, %parallel_loop3A_543] {strides = array<i32>} : memref<800x32xf32, #tpu.memory_space<vmem>>, vector<16xf32>,
          %parallel_loop3A_545 = arith.index_cast %parallel_loop3A_541 : i32 to index
          %parallel_loop3A_546 = arith.constant 16 : index
          %parallel_loop3A_547 = tpu.vector_load %arg7[%parallel_loop3A_545, %parallel_loop3A_546] {strides = array<i32>} : memref<800x32xf32, #tpu.memory_space<vmem>>, vector<16xf32>,
          tpu.vector_store_idx %arg8[%parallel_loop3A_432, %broadcast_in_dim3A_29], %parallel_loop3A_544 : memref<1600x17xf32, #tpu.memory_space<vmem>>[vector<16xi32>, vector<16xi32>], vector<16xf32>,
          tpu.vector_store_idx %arg8[%parallel_loop3A_435, %broadcast_in_dim3A_29], %parallel_loop3A_547 : memref<1600x17xf32, #tpu.memory_space<vmem>>[vector<16xi32>, vector<16xi32>], vector<16xf32>,
          %parallel_loop3A_548 = arith.constant 700 : i32
          %parallel_loop3A_549 = arith.addi %parallel_loop3A_548, %parallel_loop3A_428 : i32
          %parallel_loop3A_550 = arith.index_cast %parallel_loop3A_549 : i32 to index
          %parallel_loop3A_551 = arith.constant 0 : index
          %parallel_loop3A_552 = tpu.vector_load %arg7[%parallel_loop3A_550, %parallel_loop3A_551] {strides = array<i32>} : memref<800x32xf32, #tpu.memory_space<vmem>>, vector<16xf32>,
          %parallel_loop3A_553 = arith.index_cast %parallel_loop3A_549 : i32 to index
          %parallel_loop3A_554 = arith.constant 16 : index
          %parallel_loop3A_555 = tpu.vector_load %arg7[%parallel_loop3A_553, %parallel_loop3A_554] {strides = array<i32>} : memref<800x32xf32, #tpu.memory_space<vmem>>, vector<16xf32>,
          tpu.vector_store_idx %arg8[%parallel_loop3A_432, %broadcast_in_dim3A_31], %parallel_loop3A_552 : memref<1600x17xf32, #tpu.memory_space<vmem>>[vector<16xi32>, vector<16xi32>], vector<16xf32>,
          tpu.vector_store_idx %arg8[%parallel_loop3A_435, %broadcast_in_dim3A_31], %parallel_loop3A_555 : memref<1600x17xf32, #tpu.memory_space<vmem>>[vector<16xi32>, vector<16xi32>], vector<16xf32>,
          %parallel_loop3A_556 = arith.constant 750 : i32
          %parallel_loop3A_557 = arith.addi %parallel_loop3A_556, %parallel_loop3A_428 : i32
          %parallel_loop3A_558 = arith.index_cast %parallel_loop3A_557 : i32 to index
          %parallel_loop3A_559 = arith.constant 0 : index
          %parallel_loop3A_560 = tpu.vector_load %arg7[%parallel_loop3A_558, %parallel_loop3A_559] {strides = array<i32>} : memref<800x32xf32, #tpu.memory_space<vmem>>, vector<16xf32>,
          %parallel_loop3A_561 = arith.index_cast %parallel_loop3A_557 : i32 to index
          %parallel_loop3A_562 = arith.constant 16 : index
          %parallel_loop3A_563 = tpu.vector_load %arg7[%parallel_loop3A_561, %parallel_loop3A_562] {strides = array<i32>} : memref<800x32xf32, #tpu.memory_space<vmem>>, vector<16xf32>,
          tpu.vector_store_idx %arg8[%parallel_loop3A_432, %broadcast_in_dim3A_33], %parallel_loop3A_560 : memref<1600x17xf32, #tpu.memory_space<vmem>>[vector<16xi32>, vector<16xi32>], vector<16xf32>,
          tpu.vector_store_idx %arg8[%parallel_loop3A_435, %broadcast_in_dim3A_33], %parallel_loop3A_563 : memref<1600x17xf32, #tpu.memory_space<vmem>>[vector<16xi32>, vector<16xi32>], vector<16xf32>,
        } {sc.loop_unroll_factor = 2 : i64, sc.parallel_access}
        %mul3A_425 = arith.constant 16 : i32
        %mul3A_426 = arith.muli %add3A_201, %mul3A_425 : i32
        %add3A_427 = arith.addi %mul3A_2, %mul3A_426 : i32
        "tpu.region"() ({
          %run_scoped3A = tpu.sem_alloc : memref<!tpu.dma_semaphore, #tpu.memory_space<semaphore_mem>>
          %dma_start3A_428 = arith.constant 0 : i32
          %dma_start3A_429 = arith.constant 0 : i32
          %dma_start3A_430 = tpu.memref_slice %arg8[%dma_start3A_428, %dma_start3A_429] : memref<1600x17xf32, #tpu.memory_space<vmem>> -> memref<1600x16xf32, #tpu.memory_space<vmem>>
          %dma_start3A_431 = arith.constant 0 : i32
          %dma_start3A_432 = tpu.memref_slice %arg4[%dma_start3A_431, %add3A_427] : memref<1600x16384xf32, #tpu.memory_space<hbm>> -> memref<1600x16xf32, #tpu.memory_space<hbm>>
          %dma_start3A_433 = arith.constant 0 : i32
          %dma_start3A_434 = tpu.memref_slice %arg4[%dma_start3A_433, %add3A_427] : memref<1600x16384xf32, #tpu.memory_space<hbm>> -> memref<1600x16xf32, #tpu.memory_space<hbm>>
          %dma_start3A_435 = arith.constant 0 : i32
          %dma_start3A_436 = arith.constant 0 : i32
          %dma_start3A_437 = tpu.memref_slice %arg8[%dma_start3A_435, %dma_start3A_436] : memref<1600x17xf32, #tpu.memory_space<vmem>> -> memref<1600x16xf32, #tpu.memory_space<vmem>>
          tpu.enqueue_dma source(%dma_start3A_437 : memref<1600x16xf32, #tpu.memory_space<vmem>>) target(%dma_start3A_434 : memref<1600x16xf32, #tpu.memory_space<hbm>>) target_semaphore(%run_scoped3A : memref<!tpu.dma_semaphore, #tpu.memory_space<semaphore_mem>>)
          %dma_wait3A_438 = arith.constant 0 : i32
          %dma_wait3A_439 = arith.constant 0 : i32
          %dma_wait3A_440 = tpu.memref_slice %arg8[%dma_wait3A_438, %dma_wait3A_439] : memref<1600x17xf32, #tpu.memory_space<vmem>> -> memref<1600x16xf32, #tpu.memory_space<vmem>>
          %dma_wait3A_441 = arith.constant 0 : i32
          %dma_wait3A_442 = tpu.memref_slice %arg4[%dma_wait3A_441, %add3A_427] : memref<1600x16384xf32, #tpu.memory_space<hbm>> -> memref<1600x16xf32, #tpu.memory_space<hbm>>
          %dma_wait3A_443 = arith.constant 0 : i32
          %dma_wait3A_444 = tpu.memref_slice %arg4[%dma_wait3A_443, %add3A_427] : memref<1600x16384xf32, #tpu.memory_space<hbm>> -> memref<1600x16xf32, #tpu.memory_space<hbm>>
          %dma_wait3A_445 = arith.constant 0 : i32
          %dma_wait3A_446 = arith.constant 0 : i32
          %dma_wait3A_447 = tpu.memref_slice %arg8[%dma_wait3A_445, %dma_wait3A_446] : memref<1600x17xf32, #tpu.memory_space<vmem>> -> memref<1600x16xf32, #tpu.memory_space<vmem>>
          tpu.wait_dma2 semaphore(%run_scoped3A : memref<!tpu.dma_semaphore, #tpu.memory_space<semaphore_mem>>) src(%dma_wait3A_447 : memref<1600x16xf32, #tpu.memory_space<vmem>>) dst(%dma_wait3A_444 : memref<1600x16xf32, #tpu.memory_space<hbm>>)
          tpu.yield
        }) : () -> ()
      } else {
      }
    }
    %scan3A_196 = arith.constant 32 : i32
    return
  }
}

</mosaic_0001>

<sc_bundles>
// kernel: kernel.3.cloned.1.call-start
scs
__scs_entry_jumppad:
0x0: {  	(pc) =	sbr.rel $0x88, $3  }
0x1: {  	(tag) =	ssettag $0x0;
	lr =	simm.s32 $0x1  }
0x2: {  	[smem:$0x3F9F] =	sst lr;
	_ =	strace $0xD0000000  }
0x3: {  	_ = 	snop  }
0x4: {  	_ = 	snop  }
0x5: {  	_ = 	snop  }
0x6: {  	_ = 	snop  }
0x7: {  	_ = 	snop  }
__scs_overlays_trampoline_lowered:
0x8: {  	[smem:$0x3FAE] =	sst s0  }
0x9: {  	[smem:$0x3FAF] =	sst s1  }
0xa: {  	[smem:$0x3FB0] =	sst s2  }
0xb: {  	[smem:$0x3FB1] =	sst s3  }
0xc: {  	[smem:$0x3FB2] =	sst s4  }
0xd: {  	[smem:$0x3FB3] =	sst s5  }
0xe: {  	[smem:$0x3FB4] =	sst s6  }
0xf: {  	[smem:$0x3FB5] =	sst s7  }
0x10: {  	[smem:$0x3FB6] =	sst s8  }
0x11: {  	[smem:$0x3FB7] =	sst s9;
	s0 =	simm.s32 @!p0 $0x0  }
0x12: {  	s1 =	sld [smem:$0x3F9D];
	s0 =	simm.s32 @p0 $0x1  }
0x13: {  	[smem:$0x3FB8] =	sst s0;
	s0 =	simm.s32 @!p1 $0x0  }
0x14: {  	s2 =	sld [smem:$0x3F9C];
	s0 =	simm.s32 @p1 $0x1  }
0x15: {  	[smem:$0x3FB9] =	sst s0;
	s0 =	simm.s32 @!p2 $0x0  }
0x16: {  	s3 =	sld [smem:$0x3FDB];
	s0 =	simm.s32 @p2 $0x1  }
0x17: {  	s4 =	simm.s32 $0x1BF5;
	[smem:$0x3FBB] =	sst s0  }
0x18: {  	s0 =	sld [smem:$0x3F9E];
	_ =	swait.ge [sflag:s4], $0x0  }
0x19: {  	s7 =	sld [smem:$0x3F9F]  }
0x1a: {  	s8 =	sadd.s32 $0xFFFFE003, lr  }
0x1b: {  	s9 =	sadd.s32 $0xFFFFFEF7, lr;
	s5 =	simm.s32 $0xFFFFFFFF;
	p2 =	slt.u32 s8, $0xFFFFF086  }
0x1c: {  	p1 =	slt.u32 s9, $0xF7A;
	s5 =	simm.s32 @!p2 $0x0  }
0x1d: {  	s5 =	simm.s32 @p1 $0x1;
	p0 =	seq.s32 s7, s2  }
0x1e: {  	s7 =	smul.u32 @!p0 $0xF7A, s2;
	p2 =	seq.s32 @!p0 s5, $0x0  }
0x1f: {  	s9 =	smul.u32 $0xF7A, s1;
	s8 =	simm.s32 @!p0 $0x1BF5;
	p2 =	por !p2, p0  }
0x20: {  	[sflag:s8] =	ssyncset.s32 @!p0 $0xFFFFF086;
	s6 =	sadd.s32 @!p0 s3, s7;
	s7 =	simm.s32 @!p0 $0x108  }
0x21: {  	s3 =	sadd.s32 s3, s9;
	s6 =	sadd.s32 @!p0 $0x88, s6;
	s7 =	simm.s32 @p2 $0x1082  }
0x22: {  	[simem:s7], [sflag:s8] =	dma.local @!p0 [hbm:s6], $0xF7A  }
0x23: {  	s9 =	sor.u32 $0xD0000000, s2;
	s6 =	simm.s32 $0x108;
	_ =	swait.ge @!p0 [sflag:s8], $0x0  }
0x24: {  	s3 =	sadd.s32 $0x88, s3;
	s6 =	simm.s32 @!p1 $0x1082;
	[sflag:s4] =	ssyncset.s32 $0xFFFFF086  }
0x25: {  	[simem:s6], [sflag:s4] =	dma.local [hbm:s3], $0xF7A  }
0x26: {  	[smem:$0x3F9F] =	sst s1;
	(tag) =	ssettag s2;
	_ =	strace s9  }
0x27: {  	s1 =	sld [smem:$0x3FAF]  }
0x28: {  	s2 =	sld [smem:$0x3FB0]  }
0x29: {  	s4 =	sld [smem:$0x3FB2]  }
0x2a: {  	p0 =	seq.s32 s5, $0x0;
	s5 =	sld [smem:$0x3FB3]  }
0x2b: {  	s6 =	sld [smem:$0x3FB4]  }
0x2c: {  	s7 =	sld [smem:$0x3FB5]  }
0x2d: {  	s3 =	simm.s32 $0x108;
	s8 =	sld [smem:$0x3FB6]  }
0x2e: {  	s3 =	simm.s32 @!p0 $0x1082;
	s9 =	sld [smem:$0x3FB7]  }
0x2f: {  	lr =	sadd.s32 s0, s3;
	s0 =	sld [smem:$0x3FAE]  }
0x30: {  	s3 =	sld [smem:$0x3FB1]  }
0x31: {  	[smem:$0x3FBA] =	sst s10  }
0x32: {  	s10 =	sld [smem:$0x3FB8];
	_ =	sdelay $0x3  }
0x33: {  	p0 =	seq.s32 s10, $0x1;
	s10 =	sld [smem:$0x3FBA];
	_ =	sdelay $0x3  }
0x34: {  	[smem:$0x3FBA] =	sst s10  }
0x35: {  	s10 =	sld [smem:$0x3FB9];
	_ =	sdelay $0x3  }
0x36: {  	p1 =	seq.s32 s10, $0x1;
	s10 =	sld [smem:$0x3FBA];
	_ =	sdelay $0x3  }
0x37: {  	[smem:$0x3FBA] =	sst s10  }
0x38: {  	s10 =	sld [smem:$0x3FBB]  }
0x39: {  	_ = 	snop;
	(pc) =	sbr.ind lr, $3  }
0x3a: {  	_ = 	snop  }
0x3b: {  	_ = 	snop  }
0x3c: {  	p2 =	seq.s32 s10, $0x1;
	s10 =	sld [smem:$0x3FBA]  }
0x3d: {  	_ =	shalt  }
0x3e: {  	_ =	shalt  }
0x3f: {  	_ =	shalt  }
0x40: {  	_ =	shalt  }
0x41: {  	_ =	shalt  }
0x42: {  	_ =	shalt  }
0x43: {  	_ =	shalt  }
0x44: {  	_ =	shalt  }
0x45: {  	_ =	shalt  }
0x46: {  	_ =	shalt  }
0x47: {  	_ =	shalt  }
0x48: {  	_ =	shalt  }
0x49: {  	_ =	shalt  }
0x4a: {  	_ =	shalt  }
0x4b: {  	_ =	shalt  }
0x4c: {  	_ =	shalt  }
0x4d: {  	_ =	shalt  }
0x4e: {  	_ =	shalt  }
0x4f: {  	_ =	shalt  }
0x50: {  	_ =	shalt  }
0x51: {  	_ =	shalt  }
0x52: {  	_ =	shalt  }
0x53: {  	_ =	shalt  }
0x54: {  	_ =	shalt  }
0x55: {  	_ =	shalt  }
0x56: {  	_ =	shalt  }
0x57: {  	_ =	shalt  }
0x58: {  	_ =	shalt  }
0x59: {  	_ =	shalt  }
0x5a: {  	_ =	shalt  }
0x5b: {  	_ =	shalt  }
0x5c: {  	_ =	shalt  }
0x5d: {  	_ =	shalt  }
0x5e: {  	_ =	shalt  }
0x5f: {  	_ =	shalt  }
0x60: {  	_ =	shalt  }
0x61: {  	_ =	shalt  }
0x62: {  	_ =	shalt  }
0x63: {  	_ =	shalt  }
0x64: {  	_ =	shalt  }
0x65: {  	_ =	shalt  }
0x66: {  	_ =	shalt  }
0x67: {  	_ =	shalt  }
0x68: {  	_ =	shalt  }
0x69: {  	_ =	shalt  }
0x6a: {  	_ =	shalt  }
0x6b: {  	_ =	shalt  }
0x6c: {  	_ =	shalt  }
0x6d: {  	_ =	shalt  }
0x6e: {  	_ =	shalt  }
0x6f: {  	_ =	shalt  }
0x70: {  	_ =	shalt  }
0x71: {  	_ =	shalt  }
0x72: {  	_ =	shalt  }
0x73: {  	_ =	shalt  }
0x74: {  	_ =	shalt  }
0x75: {  	_ =	shalt  }
0x76: {  	_ =	shalt  }
0x77: {  	_ =	shalt  }
0x78: {  	_ =	shalt  }
0x79: {  	_ =	shalt  }
0x7a: {  	_ =	shalt  }
0x7b: {  	_ =	shalt  }
0x7c: {  	_ =	shalt  }
0x7d: {  	_ =	shalt  }
0x7e: {  	_ =	shalt  }
0x7f: {  	_ =	shalt  }
0x80: {  	_ =	shalt  }
0x81: {  	_ =	shalt  }
0x82: {  	_ =	shalt  }
0x83: {  	_ =	shalt  }
0x84: {  	_ =	shalt  }
0x85: {  	_ =	shalt  }
0x86: {  	_ =	shalt  }
0x87: {  	_ =	shalt  }
.Lfunc_end0:
.L_simem_size_0:
called_computation_lowered:
.L_overlay_start_0:
0x88: {  	s2 =	sld [smem:$0x3FD9]  }
0x89: {  	s3 =	sld [smem:$0x3FFE];
	_ =	sdelay $0x1  }
0x8a: {  	s1 =	srdreg.scid  }
0x8b: {  	s0 =	sand.u32 $0x1, s1  }
0x8c: {  	s17 =	sshll.u32 s0, $0xA;
	s2 =	sadd.s32 s3, s2  }
0x8d: {  	s2 =	sadd.s32 s2, s17  }
0x8e: {  	[smem:$0x3FC6] =	sst s2  }
0x8f: {  	_ = 	snop  }
0x90: {  	s2 =	sld [smem:$0x3FD0];
	(tm) =	ssettm $0x1  }
0x91: {  	s18 =	sld [smem:$0x3FFB];
	_ =	sdelay $0x3  }
0x92: {  	_ =	strace s18  }
0x93: {  	s3 =	sld [smem:$0x3FFC];
	_ =	sdelay $0x3  }
0x94: {  	_ =	strace s3  }
0x95: {  	s3 =	sld [smem:$0x3FFD];
	_ =	sdelay $0x3  }
0x96: {  	_ =	strace s3  }
0x97: {  	_ =	strace $0x8FFFFFFF  }
0x98: {  	s19 =	sld [smem:$0x3FDB];
	_ =	sdelay $0x1  }
0x99: {  	s4 =	simm.s32 $_scs_section_size  }
0x9a: {  	s5 =	simm.s32 $_size__tile_overlayer_lowered;
	s6 =	simm.s32 $_tile_overlayer_lowered  }
0x9b: {  	s22 =	simm.s32 $0x1BFF;
	s21 =	sshll.u32 s6, $0x1;
	s3 =	sadd.s32 s4, s19  }
0x9c: {  	s7 =	simm.s32 $0x0;
	s20 =	sshll.u32 s5, $0x1;
	s5 =	sadd.s32 s21, s3  }
0x9d: {  	[timem:s7], [sflag:s22] =	dma.local [hbm:s5], s20  }
0x9e: {  	_ =	swait.ge [sflag:s22], s20  }
0x9f: {  	s4 =	ssub.s32 $0x0, s20;
	[sflag:s22] =	ssyncset.done $0x0  }
0xa0: {  	[sflag:s22] =	ssyncadd.s32 s4;
	_ =	sdelay $0x1  }
0xa1: {  	s23 =	simm.s32 $0x1B8B  }
0xa2: {  	_ =	swait.ge [sflag:s23], $0x1  }
0xa3: {  	[sflag:s23] =	ssyncset.done $0x0  }
0xa4: {  	s25 =	simm.s32 $0x1B8E;
	s24 =	sld [smem:$0x3FFE];
	[sflag:s23] =	ssyncadd.s32 $0xFFFFFFFF  }
0xa5: {  	s26 =	simm.s32 $execute0_lowered;
	[smem:$0x3FD2] =	sst s25  }
0xa6: {  	s5 =	sshll.u32 s26, $0x1;
	_ =	strace $0x80000046;
	[dreg:$0x1] =	wrdreg $0xFFFFFFFF  }
0xa7: {  	s28 =	simm.s32 $_size_execute0_lowered;
	s3 =	sadd.s32 s3, s5;
	[dreg:$0x0] =	wrdreg $0x0  }
0xa8: {  	s5 =	sshll.u32 s28, $0x1;
	[dreg:$0x2] =	wrdreg s3  }
0xa9: {  	[dreg:$0x3] =	wrdreg s5  }
0xaa: {  	[dreg:$0x4] =	wrdreg $0xC0  }
0xab: {  	_ =	task [dreg:s7], $0x5FFFF  }
0xac: {  	[dreg:$0x1] =	wrdreg $0xFFFFFFFF  }
0xad: {  	[dreg:$0x0] =	wrdreg $0x60  }
0xae: {  	[dreg:$0x2] =	wrdreg s2  }
0xaf: {  	[dreg:$0x3] =	wrdreg s24  }
0xb0: {  	[dreg:$0x4] =	wrdreg $0x9  }
0xb1: {  	_ =	task.clear_ibuf [dreg:s7], $0x5FFFF;
	_ =	strace $0x90000046  }
0xb2: {  	s29 =	simm.s32 $0x9;
	_ =	strace $0x80000048  }
0xb3: {  	_ =	swait.ge [sflag:s29], $0x1  }
0xb4: {  	[sflag:s29] =	ssyncadd.s32 $0xFFFFFFFF  }
0xb5: {  	_ =	strace $0x90000048  }
0xb6: {  	_ =	sfence  }
0xb7: {  	s30 =	sld [smem:$0x0];
	_ =	sdelay $0x2  }
0xb8: {  	s31 =	sshll.u32 s1, $0xD;
	s1 =	sshrl.u32 s1, $0x2  }
0xb9: {  	s3 =	sand.u32 $0x4000, s31;
	s1 =	sadd.s32 s1, s30  }
0xba: {  	s0 =	sor.u32 s3, s0;
	s1 =	sshll.u32 s1, $0x11  }
0xbb: {  	s0 =	sor.u32 s1, s0  }
0xbc: {  	s0 =	sadd.s32 $0x8F2B, s0  }
0xbd: {  	[sflag:s0] =	ssyncadd.remote.s32 $0x1  }
0xbe: {  	_ =	sfence.sel $0xFFFF  }
0xbf: {  	[dreg:$0x0] =	wrdreg $0xFFFFFFFF;
	(pc) =	sbr.abs _section_cstart, $3  }
0xc0: {  	[dreg:$0x1] =	wrdreg $0xFFFFFFFF  }
0xc1: {  	_ =	task.clear_ibuf [dreg:s7], $0x2FFFF;
	_ =	strace $0x9FFFFFFF  }
0xc2: {  	(tm) =	ssettm $0x7FFFFFFF  }
0xc3: {  	_ =	shalt  }
tec
execute0_lowered:
.L_overlay_start_1:
0x0: {  	(tag) =	ssettag $0x1  }
0x1: {  	s2 =	stileid.u32;
	v0 =	vlaneseq.u32  }
0x2: {  	s1 =	rddreg [dreg:$0x0];
	s3 =	sshll.u32 s2, $0xA;
	s2 =	simm.s32 $0x0;
	v16 =	vmul.u32 $0x18, v0  }
0x3: {  	[smem:$0x7FF] =	sst s2  }
0x4: {  	s5 =	rddreg [dreg:$0x1];
	_ =	strace $0x80000047;
	v17 =	vadd.s32 $0x180, v16;
	[tilespmem:$0x1FE00] =	vst v16  }
0x5: {  	v25 =	vor.u32 $0x1, v16;
	[tilespmem:$0x1FE10] =	vst v17  }
0x6: {  	v26 =	vadd.s32 $0x181, v16;
	[tilespmem:$0x1FE20] =	vst v25  }
0x7: {  	v0 =	vor.u32 $0x2, v16;
	[tilespmem:$0x1FE30] =	vst v26  }
0x8: {  	v18 =	vadd.s32 $0x182, v16;
	[tilespmem:$0x1FE40] =	vst v0  }
0x9: {  	v50 =	vor.u32 $0x3, v16;
	[tilespmem:$0x1FE50] =	vst v18  }
0xa: {  	v15 =	vadd.s32 $0x183, v16;
	[tilespmem:$0x1FE60] =	vst v50  }
0xb: {  	v23 =	vor.u32 $0x4, v16;
	[tilespmem:$0x1FE70] =	vst v15  }
0xc: {  	v20 =	vadd.s32 $0x184, v16;
	[tilespmem:$0x1FE80] =	vst v23  }
0xd: {  	v28 =	vor.u32 $0x5, v16;
	[tilespmem:$0x1FE90] =	vst v20  }
0xe: {  	v21 =	vadd.s32 $0x185, v16;
	[tilespmem:$0x1FEA0] =	vst v28  }
0xf: {  	v27 =	vor.u32 $0x6, v16;
	[tilespmem:$0x1FEB0] =	vst v21  }
0x10: {  	v29 =	vadd.s32 $0x186, v16;
	[tilespmem:$0x1FEC0] =	vst v27  }
0x11: {  	v22 =	vor.u32 $0x7, v16;
	[tilespmem:$0x1FED0] =	vst v29  }
0x12: {  	v24 =	vadd.s32 $0x187, v16;
	[tilespmem:$0x1FEE0] =	vst v22  }
0x13: {  	v31 =	vadd.s32 $0x8, v16;
	[tilespmem:$0x1FEF0] =	vst v24  }
0x14: {  	v59 =	vadd.s32 $0x188, v16;
	[tilespmem:$0x1FF00] =	vst v31  }
0x15: {  	v45 =	vadd.s32 $0x189, v16;
	[tilespmem:$0x1FF10] =	vst v59  }
0x16: {  	v12 =	vadd.s32 $0x18A, v16;
	[tilespmem:$0x1FF20] =	vst v45  }
0x17: {  	v60 =	vadd.s32 $0x18C, v16;
	[tilespmem:$0x1FF30] =	vst v12  }
0x18: {  	s0 =	srdreg.scid;
	s9 =	simm.s32 $0x32;
	s18 =	simm.s32 $0xD400;
	v14 =	vadd.s32 $0xD, v16;
	[tilespmem:$0x1FF40] =	vst v60  }
0x19: {  	s19 =	simm.s32 $0xDA40;
	s20 =	simm.s32 $0xE080;
	s21 =	simm.s32 $0xE6C0;
	v51 =	vadd.s32 $0x9, v16;
	[tilespmem:$0x1FF50] =	vst v14  }
0x1a: {  	s22 =	simm.s32 $0xED00;
	s23 =	simm.s32 $0xF340;
	s24 =	simm.s32 $0xF980;
	v39 =	vadd.s32 $0xF, v16;
	[tilespmem:$0x1FF60] =	vst v51  }
0x1b: {  	s25 =	simm.s32 $0xFFC0;
	s26 =	simm.s32 $0x10600;
	s28 =	simm.s32 $0x10C40;
	v40 =	vadd.s32 $0x18F, v16;
	[tilespmem:$0x1FF70] =	vst v39  }
0x1c: {  	s29 =	simm.s32 $0x11280;
	s30 =	simm.s32 $0x118C0;
	s31 =	simm.s32 $0x11F00;
	v46 =	vadd.s32 $0x18D, v16;
	[tilespmem:$0x1FF80] =	vst v40  }
0x1d: {  	s10 =	simm.s32 $0x131C0;
	s11 =	simm.s32 $0x1;
	s0 =	sand.u32 $0x1, s0;
	v47 =	vadd.s32 $0xE, v16;
	[tilespmem:$0x1FF90] =	vst v46  }
0x1e: {  	s12 =	simm.s32 $0x13800;
	s4 =	sshll.u32 s0, $0x9;
	s0 =	ssub.s32 $0x2, s0;
	v48 =	vadd.s32 $0x18E, v16;
	[tilespmem:$0x1FFA0] =	vst v47  }
.Ltmp0:
0x1f: {  	s3 =	sor.u32 s4, s3;
	s7 =	sshrl.u32 s0, $0x1;
	v57 =	vadd.s32 $0xA, v16;
	[tilespmem:$0x1FFB0] =	vst v48;
	(pc) =	sbr.rel .LBB2_1-.Ltmp0, $4  }
0x20: {  	s13 =	simm.s32 $0x2;
	v19 =	vadd.s32 $0xB, v16;
	s6 =	smul.u32 $0x7, s3;
	s0 =	ssub.s32 s0, s7;
	[tilespmem:$0x1FFC0] =	vst v57  }
0x21: {  	s4 =	sadd.s32 $0xF42A00, s5;
	s5 =	sadd.s32 $0x600, s5;
	v58 =	vadd.s32 $0x18B, v16;
	[tilespmem:$0x1FFD0] =	vst v19;
	s0 =	smax.u32 s0, $0x1  }
0x22: {  	v62 =	vadd.s32 $0xC, v16;
	s7 =	simm.s32 $0x0;
	[tilespmem:$0x1FFE0] =	vst v58;
	s1 =	sadd.s32 s1, s6;
	[dreg:$0x4] =	wrdreg s0  }
0x23: {  	v30 =	vmov v0;
	[tilespmem:$0x1FFF0] =	vst v62;
	s0 =	simm.s32 $0x12B80;
	[dreg:$0x3] =	wrdreg s1;
	s1 =	simm.s32 $0x12540  }
.LBB2_14:
0x24: {  	s7 =	rddreg [dreg:$0x5]  }
0x25: {  	s6 =	rddreg [dreg:$0x4];
	s7 =	sadd.s32 $0x1, s7  }
0x26: {  	p0 =	sne.s32 s7, s6  }
.Ltmp1:
0x27: {  	_ = 	snop;
	(pc) =	sbr.rel @!p0 .LBB2_15-.Ltmp1, $1  }
0x28: {  	_ =	sdelay $0x3  }
.LBB2_1:
0x29: {  	[dreg:$0x5] =	wrdreg s7  }
0x2a: {  	s6 =	rddreg [dreg:$0x3];
	s16 =	simm.s32 $0x3  }
0x2b: {  	[tilespmem:s2], [sflag:$0x3] =	stream.linear.gather [hbm4b:s6+s2], $0x7000, $0x38;
	[tilespmem:$0x1CE00] =	vst v63  }
0x2c: {  	_ =	swait.ge [sflag:s16], $0x7000  }
0x2d: {  	[sflag:s16] =	ssyncset.done $0x0  }
0x2e: {  	s17 =	simm.s32 $0x7000;
	[sflag:s16] =	ssyncadd.s32 $0xFFFF9000  }
0x2f: {  	[tilespmem:s17], [sflag:$0x1] =	stream.indirect.gather [hbm4b:s4+s9], $0x20, s2, s9, $0xb8;
	[tilespmem:$0x1CE00] =	vst v63  }
0x30: {  	s7 =	simm.s32 $0x38;
	s8 =	simm.s32 $0x7640  }
0x31: {  	[tilespmem:s8], [sflag:$0x1] =	stream.indirect.gather [hbm4b:s4+s9], $0x20, s7, s9, $0xb8;
	[tilespmem:$0x1CE00] =	vst v63  }
0x32: {  	s14 =	simm.s32 $0x70;
	s15 =	simm.s32 $0x7C80  }
0x33: {  	[tilespmem:s15], [sflag:$0x1] =	stream.indirect.gather [hbm4b:s4+s9], $0x20, s14, s9, $0xb8;
	[tilespmem:$0x1CE00] =	vst v63  }
0x34: {  	s16 =	simm.s32 $0xA8;
	s17 =	simm.s32 $0x82C0  }
0x35: {  	[tilespmem:s17], [sflag:$0x1] =	stream.indirect.gather [hbm4b:s4+s9], $0x20, s16, s9, $0xb8;
	[tilespmem:$0x1CE00] =	vst v63  }
0x36: {  	s7 =	simm.s32 $0xE0;
	s8 =	simm.s32 $0x8900  }
0x37: {  	[tilespmem:s8], [sflag:$0x1] =	stream.indirect.gather [hbm4b:s4+s9], $0x20, s7, s9, $0xb8;
	[tilespmem:$0x1CE00] =	vst v63  }
0x38: {  	s14 =	simm.s32 $0x118;
	s15 =	simm.s32 $0x8F40  }
0x39: {  	[tilespmem:s15], [sflag:$0x1] =	stream.indirect.gather [hbm4b:s4+s9], $0x20, s14, s9, $0xb8;
	[tilespmem:$0x1CE00] =	vst v63  }
0x3a: {  	s16 =	simm.s32 $0x150;
	s17 =	simm.s32 $0x9580  }
0x3b: {  	[tilespmem:s17], [sflag:$0x1] =	stream.indirect.gather [hbm4b:s4+s9], $0x20, s16, s9, $0xb8;
	[tilespmem:$0x1CE00] =	vst v63  }
0x3c: {  	s7 =	simm.s32 $0x188;
	s8 =	simm.s32 $0x9BC0  }
0x3d: {  	[tilespmem:s8], [sflag:$0x1] =	stream.indirect.gather [hbm4b:s4+s9], $0x20, s7, s9, $0xb8;
	[tilespmem:$0x1CE00] =	vst v63  }
0x3e: {  	s14 =	simm.s32 $0x1C0;
	s15 =	simm.s32 $0xA200  }
0x3f: {  	[tilespmem:s15], [sflag:$0x1] =	stream.indirect.gather [hbm4b:s4+s9], $0x20, s14, s9, $0xb8;
	[tilespmem:$0x1CE00] =	vst v63  }
0x40: {  	s16 =	simm.s32 $0x1F8;
	s17 =	simm.s32 $0xA840  }
0x41: {  	[tilespmem:s17], [sflag:$0x1] =	stream.indirect.gather [hbm4b:s4+s9], $0x20, s16, s9, $0xb8;
	[tilespmem:$0x1CE00] =	vst v63  }
0x42: {  	s7 =	simm.s32 $0x230;
	s8 =	simm.s32 $0xAE80  }
0x43: {  	[tilespmem:s8], [sflag:$0x1] =	stream.indirect.gather [hbm4b:s4+s9], $0x20, s7, s9, $0xb8;
	[tilespmem:$0x1CE00] =	vst v63  }
0x44: {  	s14 =	simm.s32 $0x268;
	s15 =	simm.s32 $0xB4C0  }
0x45: {  	[tilespmem:s15], [sflag:$0x1] =	stream.indirect.gather [hbm4b:s4+s9], $0x20, s14, s9, $0xb8;
	[tilespmem:$0x1CE00] =	vst v63  }
0x46: {  	s16 =	simm.s32 $0x2A0;
	s17 =	simm.s32 $0xBB00  }
0x47: {  	[tilespmem:s17], [sflag:$0x1] =	stream.indirect.gather [hbm4b:s4+s9], $0x20, s16, s9, $0xb8;
	[tilespmem:$0x1CE00] =	vst v63  }
0x48: {  	s7 =	simm.s32 $0x2D8;
	s8 =	simm.s32 $0xC140  }
0x49: {  	[tilespmem:s8], [sflag:$0x1] =	stream.indirect.gather [hbm4b:s4+s9], $0x20, s7, s9, $0xb8;
	[tilespmem:$0x1CE00] =	vst v63  }
.Ltmp2:
0x4a: {  	_ = 	snop;
	(pc) =	sbr.rel .LBB2_2-.Ltmp2, $4  }
0x4b: {  	s14 =	simm.s32 $0x310;
	s15 =	simm.s32 $0xC780  }
0x4c: {  	[tilespmem:s15], [sflag:$0x1] =	stream.indirect.gather [hbm4b:s4+s9], $0x20, s14, s9, $0xb8;
	[tilespmem:$0x1CE00] =	vst v63  }
0x4d: {  	s16 =	simm.s32 $0x348;
	s17 =	simm.s32 $0xCDC0;
	s15 =	simm.s32 $0x0  }
0x4e: {  	[tilespmem:s17], [sflag:$0x1] =	stream.indirect.gather [hbm4b:s4+s9], $0x20, s16, s9, $0xb8;
	[tilespmem:$0x1CE00] =	vst v63  }
.LBB2_13:
0x4f: {  	s15 =	sadd.s32 $0x1, s15  }
0x50: {  	p0 =	sne.s32 s15, $0x20  }
.Ltmp3:
0x51: {  	_ = 	snop;
	(pc) =	sbr.rel @!p0 .LBB2_14-.Ltmp3, $4  }
0x52: {  	_ = 	snop  }
0x53: {  	_ =	swait.ge [sflag:s6], $0x6400  }
0x54: {  	[sflag:s6] =	ssyncset.done $0x0  }
0x55: {  	[sflag:s6] =	ssyncadd.s32 $0xFFFF9C00  }
.LBB2_2:
0x56: {  	s6 =	sand.u32 $0x1, s15  }
0x57: {  	p0 =	seq.s32 s6, $0x1  }
.Ltmp4:
0x58: {  	_ = 	snop;
	(pc) =	sbr.rel @p0 .LBB2_8-.Ltmp4, $1  }
0x59: {  	_ =	sdelay $0x3  }
0x5a: {  	s6 =	smul.u32 $0xE00, s15;
	_ =	sdelay $0x1  }
0x5b: {  	s6 =	sshra.s32 s6, $0x2  }
0x5c: {  	s7 =	sadd.s32 $0x380, s6  }
0x5d: {  	[tilespmem:s18], [sflag:$0x2] =	stream.indirect.gather [hbm4b:s4+s9], $0x20, s7, s9, $0xb8;
	[tilespmem:$0x1CE00] =	vst v63  }
0x5e: {  	s16 =	sadd.s32 $0x3B8, s6  }
0x5f: {  	[tilespmem:s19], [sflag:$0x2] =	stream.indirect.gather [hbm4b:s4+s9], $0x20, s16, s9, $0xb8;
	[tilespmem:$0x1CE00] =	vst v63  }
0x60: {  	s17 =	sadd.s32 $0x3F0, s6  }
0x61: {  	[tilespmem:s20], [sflag:$0x2] =	stream.indirect.gather [hbm4b:s4+s9], $0x20, s17, s9, $0xb8;
	[tilespmem:$0x1CE00] =	vst v63  }
0x62: {  	s8 =	sadd.s32 $0x428, s6  }
0x63: {  	[tilespmem:s21], [sflag:$0x2] =	stream.indirect.gather [hbm4b:s4+s9], $0x20, s8, s9, $0xb8;
	[tilespmem:$0x1CE00] =	vst v63  }
0x64: {  	s14 =	sadd.s32 $0x460, s6  }
0x65: {  	[tilespmem:s22], [sflag:$0x2] =	stream.indirect.gather [hbm4b:s4+s9], $0x20, s14, s9, $0xb8;
	[tilespmem:$0x1CE00] =	vst v63  }
0x66: {  	s16 =	sadd.s32 $0x498, s6  }
0x67: {  	[tilespmem:s23], [sflag:$0x2] =	stream.indirect.gather [hbm4b:s4+s9], $0x20, s16, s9, $0xb8;
	[tilespmem:$0x1CE00] =	vst v63  }
0x68: {  	s17 =	sadd.s32 $0x4D0, s6  }
0x69: {  	[tilespmem:s24], [sflag:$0x2] =	stream.indirect.gather [hbm4b:s4+s9], $0x20, s17, s9, $0xb8;
	[tilespmem:$0x1CE00] =	vst v63  }
0x6a: {  	s8 =	sadd.s32 $0x508, s6  }
0x6b: {  	[tilespmem:s25], [sflag:$0x2] =	stream.indirect.gather [hbm4b:s4+s9], $0x20, s8, s9, $0xb8;
	[tilespmem:$0x1CE00] =	vst v63  }
0x6c: {  	s14 =	sadd.s32 $0x540, s6  }
0x6d: {  	[tilespmem:s26], [sflag:$0x2] =	stream.indirect.gather [hbm4b:s4+s9], $0x20, s14, s9, $0xb8;
	[tilespmem:$0x1CE00] =	vst v63  }
0x6e: {  	s16 =	sadd.s32 $0x578, s6  }
0x6f: {  	[tilespmem:s28], [sflag:$0x2] =	stream.indirect.gather [hbm4b:s4+s9], $0x20, s16, s9, $0xb8;
	[tilespmem:$0x1CE00] =	vst v63  }
0x70: {  	s17 =	sadd.s32 $0x5B0, s6  }
0x71: {  	[tilespmem:s29], [sflag:$0x2] =	stream.indirect.gather [hbm4b:s4+s9], $0x20, s17, s9, $0xb8;
	[tilespmem:$0x1CE00] =	vst v63  }
0x72: {  	s8 =	sadd.s32 $0x5E8, s6  }
0x73: {  	[tilespmem:s30], [sflag:$0x2] =	stream.indirect.gather [hbm4b:s4+s9], $0x20, s8, s9, $0xb8;
	[tilespmem:$0x1CE00] =	vst v63  }
0x74: {  	s14 =	sadd.s32 $0x620, s6  }
0x75: {  	[tilespmem:s31], [sflag:$0x2] =	stream.indirect.gather [hbm4b:s4+s9], $0x20, s14, s9, $0xb8;
	[tilespmem:$0x1CE00] =	vst v63  }
0x76: {  	s16 =	sadd.s32 $0x658, s6  }
0x77: {  	[tilespmem:s1], [sflag:$0x2] =	stream.indirect.gather [hbm4b:s4+s9], $0x20, s16, s9, $0xb8;
	[tilespmem:$0x1CE00] =	vst v63  }
0x78: {  	s17 =	sadd.s32 $0x690, s6  }
0x79: {  	[tilespmem:s0], [sflag:$0x2] =	stream.indirect.gather [hbm4b:s4+s9], $0x20, s17, s9, $0xb8;
	[tilespmem:$0x1CE00] =	vst v63  }
0x7a: {  	s6 =	sadd.s32 $0x6C8, s6  }
0x7b: {  	[tilespmem:s10], [sflag:$0x2] =	stream.indirect.gather [hbm4b:s4+s9], $0x20, s6, s9, $0xb8;
	[tilespmem:$0x1CE00] =	vst v63  }
0x7c: {  	_ =	swait.ge [sflag:s11], $0x640  }
0x7d: {  	[sflag:s11] =	ssyncset.done $0x0  }
0x7e: {  	[sflag:s11] =	ssyncadd.s32 $0xFFFFF9C0  }
0x7f: {  	_ =	swait.ge [sflag:s11], $0x640  }
0x80: {  	[sflag:s11] =	ssyncset.done $0x0  }
0x81: {  	[sflag:s11] =	ssyncadd.s32 $0xFFFFF9C0  }
0x82: {  	_ =	swait.ge [sflag:s11], $0x640  }
0x83: {  	[sflag:s11] =	ssyncset.done $0x0  }
0x84: {  	[sflag:s11] =	ssyncadd.s32 $0xFFFFF9C0  }
0x85: {  	_ =	swait.ge [sflag:s11], $0x640  }
0x86: {  	[sflag:s11] =	ssyncset.done $0x0  }
0x87: {  	[sflag:s11] =	ssyncadd.s32 $0xFFFFF9C0  }
0x88: {  	_ =	swait.ge [sflag:s11], $0x640  }
0x89: {  	[sflag:s11] =	ssyncset.done $0x0  }
0x8a: {  	[sflag:s11] =	ssyncadd.s32 $0xFFFFF9C0  }
0x8b: {  	_ =	swait.ge [sflag:s11], $0x640  }
0x8c: {  	[sflag:s11] =	ssyncset.done $0x0  }
0x8d: {  	[sflag:s11] =	ssyncadd.s32 $0xFFFFF9C0  }
0x8e: {  	_ =	swait.ge [sflag:s11], $0x640  }
0x8f: {  	[sflag:s11] =	ssyncset.done $0x0  }
0x90: {  	[sflag:s11] =	ssyncadd.s32 $0xFFFFF9C0  }
0x91: {  	_ =	swait.ge [sflag:s11], $0x640  }
0x92: {  	[sflag:s11] =	ssyncset.done $0x0  }
0x93: {  	[sflag:s11] =	ssyncadd.s32 $0xFFFFF9C0  }
0x94: {  	_ =	swait.ge [sflag:s11], $0x640  }
0x95: {  	[sflag:s11] =	ssyncset.done $0x0  }
0x96: {  	[sflag:s11] =	ssyncadd.s32 $0xFFFFF9C0  }
0x97: {  	_ =	swait.ge [sflag:s11], $0x640  }
0x98: {  	[sflag:s11] =	ssyncset.done $0x0  }
0x99: {  	[sflag:s11] =	ssyncadd.s32 $0xFFFFF9C0  }
0x9a: {  	_ =	swait.ge [sflag:s11], $0x640  }
0x9b: {  	[sflag:s11] =	ssyncset.done $0x0  }
0x9c: {  	[sflag:s11] =	ssyncadd.s32 $0xFFFFF9C0  }
0x9d: {  	_ =	swait.ge [sflag:s11], $0x640  }
0x9e: {  	[sflag:s11] =	ssyncset.done $0x0  }
0x9f: {  	[sflag:s11] =	ssyncadd.s32 $0xFFFFF9C0  }
0xa0: {  	_ =	swait.ge [sflag:s11], $0x640  }
0xa1: {  	[sflag:s11] =	ssyncset.done $0x0  }
0xa2: {  	[sflag:s11] =	ssyncadd.s32 $0xFFFFF9C0  }
0xa3: {  	_ =	swait.ge [sflag:s11], $0x640  }
0xa4: {  	[sflag:s11] =	ssyncset.done $0x0  }
0xa5: {  	[sflag:s11] =	ssyncadd.s32 $0xFFFFF9C0  }
0xa6: {  	s8 =	simm.s32 $0x0;
	_ =	swait.ge [sflag:s11], $0x640  }
0xa7: {  	v0 =	vmov s8;
	[sflag:s11] =	ssyncset.done $0x0  }
0xa8: {  	v0 =	vmul.u32 $0x18, v0;
	[sflag:s11] =	ssyncadd.s32 $0xFFFFF9C0  }
0xa9: {  	_ =	swait.ge [sflag:s11], $0x640  }
0xaa: {  	v33 =	vbroadcast v0, $0x0;
	[sflag:s11] =	ssyncset.done $0x0  }
0xab: {  	s14 =	simm.s32 $0x20;
	s16 =	simm.s32 $0x7000;
	[sflag:s11] =	ssyncadd.s32 $0xFFFFF9C0  }
0xac: {  	v0 =	vmov s14;
	v2 =	vor.u32 v16, v33;
	v1 =	vld [tilespmem:s16+$0x0]  }
0xad: {  	v0 =	vmul.u32 $0x18, v0;
	v4 =	vadd.s32 v17, v33;
	v3 =	vld [tilespmem:s16+$0x10];
	_ =	sdelay $0x1  }
0xae: {  	v34 =	vbroadcast v0, $0x0;
	_ =	sdelay $0x1  }
0xaf: {  	v0 =	vadd.s32 v16, v34;
	v5 =	vld [tilespmem:s16+$0x20];
	[tilespmem:v2+s12+$0x0] =	vst.idx.msk $0xffff, v1  }
0xb0: {  	v1 =	vadd.s32 v17, v34;
	v2 =	vld [tilespmem:s16+$0x30];
	[tilespmem:v4+s12+$0x0] =	vst.idx.msk $0xffff, v3  }
0xb1: {  	v4 =	vor.u32 v25, v33;
	v3 =	vld [tilespmem:s16+$0x640]  }
0xb2: {  	v7 =	vadd.s32 v26, v33;
	v6 =	vld [tilespmem:s16+$0x650];
	_ =	sdelay $0x1  }
0xb3: {  	[tilespmem:v0+s12+$0x0] =	vst.idx.msk $0xffff, v5  }
0xb4: {  	[tilespmem:v1+s12+$0x0] =	vst.idx.msk $0xffff, v2  }
0xb5: {  	v0 =	vadd.s32 v25, v34;
	v1 =	vld [tilespmem:s16+$0x660];
	[tilespmem:v4+s12+$0x0] =	vst.idx.msk $0xffff, v3  }
0xb6: {  	v2 =	vadd.s32 v26, v34;
	v3 =	vld [tilespmem:s16+$0x670];
	[tilespmem:v7+s12+$0x0] =	vst.idx.msk $0xffff, v6  }
0xb7: {  	v5 =	vor.u32 v30, v33;
	v4 =	vld [tilespmem:s16+$0xC80]  }
0xb8: {  	v7 =	vadd.s32 v18, v33;
	v6 =	vld [tilespmem:s16+$0xC90];
	_ =	sdelay $0x1  }
0xb9: {  	[tilespmem:v0+s12+$0x0] =	vst.idx.msk $0xffff, v1  }
0xba: {  	[tilespmem:v2+s12+$0x0] =	vst.idx.msk $0xffff, v3  }
0xbb: {  	v0 =	vadd.s32 v30, v34;
	v1 =	vld [tilespmem:s16+$0xCA0];
	[tilespmem:v5+s12+$0x0] =	vst.idx.msk $0xffff, v4  }
0xbc: {  	v2 =	vadd.s32 v18, v34;
	v3 =	vld [tilespmem:s16+$0xCB0];
	[tilespmem:v7+s12+$0x0] =	vst.idx.msk $0xffff, v6  }
0xbd: {  	v5 =	vor.u32 v50, v33;
	v4 =	vld [tilespmem:s16+$0x12C0]  }
0xbe: {  	v7 =	vadd.s32 v15, v33;
	v6 =	vld [tilespmem:s16+$0x12D0];
	_ =	sdelay $0x1  }
0xbf: {  	[tilespmem:v0+s12+$0x0] =	vst.idx.msk $0xffff, v1  }
0xc0: {  	[tilespmem:v2+s12+$0x0] =	vst.idx.msk $0xffff, v3  }
0xc1: {  	v0 =	vadd.s32 v50, v34;
	v1 =	vld [tilespmem:s16+$0x12E0];
	[tilespmem:v5+s12+$0x0] =	vst.idx.msk $0xffff, v4  }
0xc2: {  	v2 =	vadd.s32 v15, v34;
	v3 =	vld [tilespmem:s16+$0x12F0];
	[tilespmem:v7+s12+$0x0] =	vst.idx.msk $0xffff, v6  }
0xc3: {  	v5 =	vor.u32 v23, v33;
	v4 =	vld [tilespmem:s16+$0x1900]  }
0xc4: {  	v7 =	vadd.s32 v20, v33;
	v6 =	vld [tilespmem:s16+$0x1910];
	_ =	sdelay $0x1  }
0xc5: {  	[tilespmem:v0+s12+$0x0] =	vst.idx.msk $0xffff, v1  }
0xc6: {  	[tilespmem:v2+s12+$0x0] =	vst.idx.msk $0xffff, v3  }
0xc7: {  	v0 =	vadd.s32 v23, v34;
	v1 =	vld [tilespmem:s16+$0x1920];
	[tilespmem:v5+s12+$0x0] =	vst.idx.msk $0xffff, v4  }
0xc8: {  	v2 =	vadd.s32 v20, v34;
	v3 =	vld [tilespmem:s16+$0x1930];
	[tilespmem:v7+s12+$0x0] =	vst.idx.msk $0xffff, v6  }
0xc9: {  	v5 =	vor.u32 v28, v33;
	v4 =	vld [tilespmem:s16+$0x1F40]  }
0xca: {  	v7 =	vadd.s32 v21, v33;
	v6 =	vld [tilespmem:s16+$0x1F50];
	_ =	sdelay $0x1  }
0xcb: {  	[tilespmem:v0+s12+$0x0] =	vst.idx.msk $0xffff, v1  }
0xcc: {  	[tilespmem:v2+s12+$0x0] =	vst.idx.msk $0xffff, v3  }
0xcd: {  	v0 =	vadd.s32 v28, v34;
	v1 =	vld [tilespmem:s16+$0x1F60];
	[tilespmem:v5+s12+$0x0] =	vst.idx.msk $0xffff, v4  }
0xce: {  	v2 =	vadd.s32 v21, v34;
	v3 =	vld [tilespmem:s16+$0x1F70];
	[tilespmem:v7+s12+$0x0] =	vst.idx.msk $0xffff, v6  }
0xcf: {  	v5 =	vor.u32 v27, v33;
	v4 =	vld [tilespmem:s16+$0x2580]  }
0xd0: {  	v7 =	vadd.s32 v29, v33;
	v6 =	vld [tilespmem:s16+$0x2590];
	_ =	sdelay $0x1  }
0xd1: {  	[tilespmem:v0+s12+$0x0] =	vst.idx.msk $0xffff, v1  }
0xd2: {  	[tilespmem:v2+s12+$0x0] =	vst.idx.msk $0xffff, v3  }
0xd3: {  	v0 =	vadd.s32 v27, v34;
	v1 =	vld [tilespmem:s16+$0x25A0];
	[tilespmem:v5+s12+$0x0] =	vst.idx.msk $0xffff, v4  }
0xd4: {  	v2 =	vadd.s32 v29, v34;
	v3 =	vld [tilespmem:s16+$0x25B0];
	[tilespmem:v7+s12+$0x0] =	vst.idx.msk $0xffff, v6  }
0xd5: {  	v5 =	vor.u32 v22, v33;
	v4 =	vld [tilespmem:s16+$0x2BC0]  }
0xd6: {  	v7 =	vadd.s32 v24, v33;
	v6 =	vld [tilespmem:s16+$0x2BD0];
	_ =	sdelay $0x1  }
0xd7: {  	s17 =	simm.s32 $0x40;
	[tilespmem:v0+s12+$0x0] =	vst.idx.msk $0xffff, v1  }
0xd8: {  	v0 =	vmov s17;
	[tilespmem:v2+s12+$0x0] =	vst.idx.msk $0xffff, v3  }
0xd9: {  	v1 =	vadd.s32 v22, v34;
	v0 =	vmul.u32 $0x18, v0;
	v2 =	vld [tilespmem:s16+$0x2BE0];
	[tilespmem:v5+s12+$0x0] =	vst.idx.msk $0xffff, v4  }
0xda: {  	v3 =	vadd.s32 v24, v34;
	v4 =	vld [tilespmem:s16+$0x2BF0];
	[tilespmem:v7+s12+$0x0] =	vst.idx.msk $0xffff, v6  }
0xdb: {  	v41 =	vbroadcast v0, $0x0;
	v6 =	vor.u32 v31, v33;
	v5 =	vld [tilespmem:s16+$0x3200]  }
0xdc: {  	s17 =	simm.s32 $0x7040;
	v7 =	vadd.s32 v59, v33;
	v0 =	vld [tilespmem:s16+$0x3210]  }
0xdd: {  	v8 =	vld [tilespmem:s17+$0x0];
	v9 =	vor.u32 v16, v41  }
0xde: {  	[tilespmem:v1+s12+$0x0] =	vst.idx.msk $0xffff, v2;
	v1 =	vld [tilespmem:s17+$0x10];
	v2 =	vadd.s32 v17, v41  }
0xdf: {  	[tilespmem:v3+s12+$0x0] =	vst.idx.msk $0xffff, v4  }
0xe0: {  	[tilespmem:v6+s12+$0x0] =	vst.idx.msk $0xffff, v5  }
0xe1: {  	s7 =	simm.s32 $0x60;
	v4 =	vadd.s32 v31, v34;
	v3 =	vld [tilespmem:s16+$0x3220];
	[tilespmem:v7+s12+$0x0] =	vst.idx.msk $0xffff, v0  }
0xe2: {  	[tilespmem:v9+s12+$0x0] =	vst.idx.msk $0xffff, v8;
	v0 =	vmov s7;
	v7 =	vor.u32 v51, v33;
	v6 =	vld [tilespmem:s16+$0x3840]  }
0xe3: {  	v56 =	vadd.s32 v45, v33;
	v0 =	vmul.u32 $0x18, v0;
	v8 =	vld [tilespmem:s16+$0x3850];
	[tilespmem:v2+s12+$0x0] =	vst.idx.msk $0xffff, v1  }
0xe4: {  	v2 =	vor.u32 v25, v41;
	v1 =	vld [tilespmem:s17+$0x640]  }
0xe5: {  	v10 =	vadd.s32 v26, v41;
	v36 =	vbroadcast v0, $0x0;
	v0 =	vld [tilespmem:s17+$0x650]  }
0xe6: {  	v11 =	vadd.s32 v59, v34;
	v5 =	vld [tilespmem:s16+$0x3230];
	[tilespmem:v4+s12+$0x0] =	vst.idx.msk $0xffff, v3  }
0xe7: {  	v4 =	vld [tilespmem:s17+$0x20];
	v3 =	vadd.s32 v16, v36;
	[tilespmem:v7+s12+$0x0] =	vst.idx.msk $0xffff, v6  }
0xe8: {  	v6 =	vadd.s32 v17, v36;
	v7 =	vld [tilespmem:s17+$0x30];
	[tilespmem:v56+s12+$0x0] =	vst.idx.msk $0xffff, v8  }
0xe9: {  	v61 =	vor.u32 v57, v33;
	[tilespmem:v2+s12+$0x0] =	vst.idx.msk $0xffff, v1;
	v8 =	vld [tilespmem:s16+$0x3E80]  }
0xea: {  	v2 =	vadd.s32 v12, v33;
	v1 =	vld [tilespmem:s16+$0x3E90];
	[tilespmem:v10+s12+$0x0] =	vst.idx.msk $0xffff, v0  }
0xeb: {  	[tilespmem:v11+s12+$0x0] =	vst.idx.msk $0xffff, v5;
	v5 =	vor.u32 v30, v41;
	v0 =	vld [tilespmem:s17+$0xC80]  }
0xec: {  	[tilespmem:v3+s12+$0x0] =	vst.idx.msk $0xffff, v4;
	v3 =	vld [tilespmem:s17+$0xC90];
	v4 =	vadd.s32 v18, v41  }
0xed: {  	v63 =	vld [tilespmem:s16+$0x3860];
	[tilespmem:v6+s12+$0x0] =	vst.idx.msk $0xffff, v7  }
0xee: {  	v6 =	vadd.s32 v25, v36;
	v7 =	vld [tilespmem:s17+$0x660];
	[tilespmem:v61+s12+$0x0] =	vst.idx.msk $0xffff, v8  }
0xef: {  	v8 =	vadd.s32 v26, v36;
	[tilespmem:v2+s12+$0x0] =	vst.idx.msk $0xffff, v1;
	v1 =	vld [tilespmem:s17+$0x670]  }
0xf0: {  	v37 =	vor.u32 v19, v33;
	[tilespmem:v5+s12+$0x0] =	vst.idx.msk $0xffff, v0;
	v2 =	vld [tilespmem:s16+$0x44C0]  }
0xf1: {  	v5 =	vadd.s32 v58, v33;
	v0 =	vld [tilespmem:s16+$0x44D0];
	[tilespmem:v4+s12+$0x0] =	vst.idx.msk $0xffff, v3  }
0xf2: {  	v4 =	vor.u32 v50, v41;
	v3 =	vld [tilespmem:s17+$0x12C0]  }
0xf3: {  	[tilespmem:v6+s12+$0x0] =	vst.idx.msk $0xffff, v7;
	v6 =	vld [tilespmem:s17+$0x12D0];
	v7 =	vadd.s32 v15, v41  }
0xf4: {  	v38 =	vadd.s32 v51, v34;
	v32 =	vld [tilespmem:s16+$0x3870];
	[tilespmem:v8+s12+$0x0] =	vst.idx.msk $0xffff, v1  }
0xf5: {  	v1 =	vadd.s32 v30, v36;
	[tilespmem:v37+s12+$0x0] =	vst.idx.msk $0xffff, v2;
	v2 =	vld [tilespmem:s17+$0xCA0]  }
0xf6: {  	v8 =	vadd.s32 v18, v36;
	[tilespmem:v5+s12+$0x0] =	vst.idx.msk $0xffff, v0;
	v0 =	vld [tilespmem:s17+$0xCB0]  }
0xf7: {  	v42 =	vor.u32 v62, v33;
	[tilespmem:v4+s12+$0x0] =	vst.idx.msk $0xffff, v3;
	v5 =	vld [tilespmem:s16+$0x4B00]  }
0xf8: {  	v4 =	vadd.s32 v60, v33;
	v3 =	vld [tilespmem:s16+$0x4B10];
	[tilespmem:v7+s12+$0x0] =	vst.idx.msk $0xffff, v6  }
0xf9: {  	[tilespmem:v38+s12+$0x0] =	vst.idx.msk $0xffff, v63;
	v7 =	vor.u32 v23, v41;
	v6 =	vld [tilespmem:s17+$0x1900]  }
0xfa: {  	[tilespmem:v1+s12+$0x0] =	vst.idx.msk $0xffff, v2;
	v1 =	vld [tilespmem:s17+$0x1910];
	v2 =	vadd.s32 v20, v41  }
0xfb: {  	v43 =	vadd.s32 v45, v34;
	[tilespmem:v8+s12+$0x0] =	vst.idx.msk $0xffff, v0  }
0xfc: {  	v0 =	vadd.s32 v50, v36;
	[tilespmem:v42+s12+$0x0] =	vst.idx.msk $0xffff, v5;
	v5 =	vld [tilespmem:s17+$0x12E0]  }
0xfd: {  	v8 =	vadd.s32 v15, v36;
	[tilespmem:v4+s12+$0x0] =	vst.idx.msk $0xffff, v3;
	v3 =	vld [tilespmem:s17+$0x12F0]  }
0xfe: {  	v44 =	vor.u32 v14, v33;
	[tilespmem:v7+s12+$0x0] =	vst.idx.msk $0xffff, v6;
	v4 =	vld [tilespmem:s16+$0x5140]  }
0xff: {  	v7 =	vadd.s32 v46, v33;
	v6 =	vld [tilespmem:s16+$0x5150];
	[tilespmem:v2+s12+$0x0] =	vst.idx.msk $0xffff, v1  }
0x100: {  	[tilespmem:v43+s12+$0x0] =	vst.idx.msk $0xffff, v32;
	v2 =	vor.u32 v28, v41;
	v1 =	vld [tilespmem:s17+$0x1F40]  }
0x101: {  	[tilespmem:v0+s12+$0x0] =	vst.idx.msk $0xffff, v5;
	v0 =	vld [tilespmem:s17+$0x1F50];
	v5 =	vadd.s32 v21, v41  }
0x102: {  	v10 =	vld [tilespmem:s16+$0x3EA0];
	[tilespmem:v8+s12+$0x0] =	vst.idx.msk $0xffff, v3  }
0x103: {  	v3 =	vadd.s32 v23, v36;
	[tilespmem:v44+s12+$0x0] =	vst.idx.msk $0xffff, v4;
	v4 =	vld [tilespmem:s17+$0x1920]  }
0x104: {  	v8 =	vadd.s32 v20, v36;
	[tilespmem:v7+s12+$0x0] =	vst.idx.msk $0xffff, v6;
	v6 =	vld [tilespmem:s17+$0x1930]  }
0x105: {  	v49 =	vld [tilespmem:s16+$0x3EB0];
	v7 =	vadd.s32 v57, v34;
	[tilespmem:v2+s12+$0x0] =	vst.idx.msk $0xffff, v1  }
0x106: {  	v1 =	vadd.s32 v12, v34;
	v2 =	vld [tilespmem:s16+$0x5780];
	[tilespmem:v5+s12+$0x0] =	vst.idx.msk $0xffff, v0  }
0x107: {  	v5 =	vor.u32 v27, v41;
	v0 =	vld [tilespmem:s17+$0x2580]  }
0x108: {  	[tilespmem:v3+s12+$0x0] =	vst.idx.msk $0xffff, v4;
	v3 =	vld [tilespmem:s17+$0x2590];
	v4 =	vadd.s32 v29, v41  }
0x109: {  	v52 =	vor.u32 v47, v33;
	v53 =	vld [tilespmem:s16+$0x5790];
	[tilespmem:v8+s12+$0x0] =	vst.idx.msk $0xffff, v6  }
0x10a: {  	v6 =	vadd.s32 v28, v36;
	[tilespmem:v7+s12+$0x0] =	vst.idx.msk $0xffff, v10;
	v7 =	vld [tilespmem:s17+$0x1F60]  }
0x10b: {  	v8 =	vadd.s32 v21, v36;
	[tilespmem:v1+s12+$0x0] =	vst.idx.msk $0xffff, v49;
	v1 =	vld [tilespmem:s17+$0x1F70]  }
0x10c: {  	v54 =	vadd.s32 v19, v34;
	v10 =	vld [tilespmem:s16+$0x44E0];
	[tilespmem:v5+s12+$0x0] =	vst.idx.msk $0xffff, v0  }
0x10d: {  	v0 =	vadd.s32 v58, v34;
	v5 =	vld [tilespmem:s16+$0x44F0];
	[tilespmem:v4+s12+$0x0] =	vst.idx.msk $0xffff, v3  }
0x10e: {  	[tilespmem:v52+s12+$0x0] =	vst.idx.msk $0xffff, v2;
	v3 =	vor.u32 v22, v41;
	v2 =	vld [tilespmem:s17+$0x2BC0]  }
0x10f: {  	v4 =	vld [tilespmem:s17+$0x2BD0];
	[tilespmem:v6+s12+$0x0] =	vst.idx.msk $0xffff, v7;
	v6 =	vadd.s32 v24, v41  }
0x110: {  	v7 =	vadd.s32 v48, v33;
	[tilespmem:v8+s12+$0x0] =	vst.idx.msk $0xffff, v1  }
0x111: {  	v1 =	vadd.s32 v27, v36;
	[tilespmem:v54+s12+$0x0] =	vst.idx.msk $0xffff, v10;
	v8 =	vld [tilespmem:s17+$0x25A0]  }
0x112: {  	v55 =	vadd.s32 v29, v36;
	v56 =	vld [tilespmem:s17+$0x25B0];
	[tilespmem:v0+s12+$0x0] =	vst.idx.msk $0xffff, v5  }
0x113: {  	v0 =	vadd.s32 v62, v34;
	v5 =	vld [tilespmem:s16+$0x4B20];
	[tilespmem:v3+s12+$0x0] =	vst.idx.msk $0xffff, v2  }
0x114: {  	v2 =	vadd.s32 v60, v34;
	v3 =	vld [tilespmem:s16+$0x4B30];
	[tilespmem:v6+s12+$0x0] =	vst.idx.msk $0xffff, v4  }
0x115: {  	[tilespmem:v7+s12+$0x0] =	vst.idx.msk $0xffff, v53;
	v6 =	vor.u32 v31, v41;
	v4 =	vld [tilespmem:s17+$0x3200]  }
0x116: {  	s6 =	simm.s32 $0x7080;
	v7 =	vadd.s32 v59, v41;
	[tilespmem:v1+s12+$0x0] =	vst.idx.msk $0xffff, v8;
	v1 =	vld [tilespmem:s17+$0x3210]  }
0x117: {  	v37 =	vld [tilespmem:s6+$0x0];
	[tilespmem:v55+s12+$0x0] =	vst.idx.msk $0xffff, v56  }
0x118: {  	v8 =	vld [tilespmem:s16+$0x5DC0];
	[tilespmem:v0+s12+$0x0] =	vst.idx.msk $0xffff, v5  }
0x119: {  	v61 =	vadd.s32 v22, v36;
	v10 =	vld [tilespmem:s17+$0x2BE0];
	[tilespmem:v2+s12+$0x0] =	vst.idx.msk $0xffff, v3  }
0x11a: {  	v0 =	vadd.s32 v24, v36;
	v5 =	vld [tilespmem:s17+$0x2BF0];
	[tilespmem:v6+s12+$0x0] =	vst.idx.msk $0xffff, v4  }
0x11b: {  	s8 =	simm.s32 $0x80;
	v2 =	vld [tilespmem:s16+$0x5DD0];
	v3 =	vor.u32 v39, v33;
	[tilespmem:v7+s12+$0x0] =	vst.idx.msk $0xffff, v1  }
0x11c: {  	v1 =	vmov s8;
	v7 =	vor.u32 v51, v41;
	v6 =	vld [tilespmem:s17+$0x3840]  }
0x11d: {  	v42 =	vadd.s32 v45, v41;
	v1 =	vmul.u32 $0x18, v1;
	v63 =	vld [tilespmem:s17+$0x3850]  }
0x11e: {  	v43 =	vadd.s32 v14, v34;
	v4 =	vld [tilespmem:s16+$0x5160];
	[tilespmem:v61+s12+$0x0] =	vst.idx.msk $0xffff, v10  }
0x11f: {  	s14 =	simm.s32 $0xA0;
	[tilespmem:v0+s12+$0x0] =	vst.idx.msk $0xffff, v5;
	v0 =	vld [tilespmem:s16+$0x5170];
	v5 =	vadd.s32 v46, v34;
	v32 =	vbroadcast v1, $0x0  }
0x120: {  	[tilespmem:v3+s12+$0x0] =	vst.idx.msk $0xffff, v8;
	v8 =	vmov s14;
	v1 =	vadd.s32 v31, v36;
	v35 =	vld [tilespmem:s17+$0x3220]  }
0x121: {  	v44 =	vld [tilespmem:s6+$0x20];
	v8 =	vmul.u32 $0x18, v8;
	v38 =	vor.u32 v16, v32;
	[tilespmem:v7+s12+$0x0] =	vst.idx.msk $0xffff, v6  }
0x122: {  	v6 =	vld [tilespmem:s6+$0x10];
	v7 =	vadd.s32 v17, v32;
	[tilespmem:v42+s12+$0x0] =	vst.idx.msk $0xffff, v63  }
0x123: {  	[tilespmem:v43+s12+$0x0] =	vst.idx.msk $0xffff, v4;
	v43 =	vbroadcast v8, $0x0;
	v8 =	vor.u32 v57, v41;
	v4 =	vld [tilespmem:s17+$0x3E80]  }
0x124: {  	[tilespmem:v5+s12+$0x0] =	vst.idx.msk $0xffff, v0;
	v0 =	vld [tilespmem:s17+$0x3E90];
	v5 =	vadd.s32 v12, v41  }
0x125: {  	v3 =	vld [tilespmem:s17+$0x3230];
	[tilespmem:v1+s12+$0x0] =	vst.idx.msk $0xffff, v35;
	v1 =	vadd.s32 v16, v43  }
0x126: {  	v52 =	vld [tilespmem:s6+$0x30];
	v49 =	vadd.s32 v17, v43;
	[tilespmem:v38+s12+$0x0] =	vst.idx.msk $0xffff, v37  }
0x127: {  	v53 =	vadd.s32 v59, v36;
	[tilespmem:v7+s12+$0x0] =	vst.idx.msk $0xffff, v6  }
0x128: {  	v7 =	vor.u32 v25, v32;
	v6 =	vld [tilespmem:s6+$0x640];
	[tilespmem:v8+s12+$0x0] =	vst.idx.msk $0xffff, v4  }
0x129: {  	v4 =	vld [tilespmem:s6+$0x650];
	v8 =	vadd.s32 v26, v32;
	[tilespmem:v5+s12+$0x0] =	vst.idx.msk $0xffff, v0  }
0x12a: {  	[tilespmem:v1+s12+$0x0] =	vst.idx.msk $0xffff, v44;
	v1 =	vor.u32 v19, v41;
	v0 =	vld [tilespmem:s17+$0x44C0]  }
0x12b: {  	v54 =	vadd.s32 v58, v41;
	[tilespmem:v49+s12+$0x0] =	vst.idx.msk $0xffff, v52;
	v5 =	vld [tilespmem:s17+$0x44D0]  }
0x12c: {  	[tilespmem:v53+s12+$0x0] =	vst.idx.msk $0xffff, v3;
	v3 =	vadd.s32 v25, v43;
	v10 =	vld [tilespmem:s6+$0x660]  }
0x12d: {  	v55 =	vadd.s32 v26, v43;
	[tilespmem:v7+s12+$0x0] =	vst.idx.msk $0xffff, v6;
	v6 =	vld [tilespmem:s6+$0x670]  }
0x12e: {  	v56 =	vld [tilespmem:s17+$0x3860];
	v7 =	vadd.s32 v40, v33;
	[tilespmem:v8+s12+$0x0] =	vst.idx.msk $0xffff, v4  }
0x12f: {  	v8 =	vor.u32 v30, v32;
	v4 =	vld [tilespmem:s6+$0xC80];
	[tilespmem:v1+s12+$0x0] =	vst.idx.msk $0xffff, v0  }
0x130: {  	v0 =	vld [tilespmem:s6+$0xC90];
	v1 =	vadd.s32 v18, v32;
	[tilespmem:v54+s12+$0x0] =	vst.idx.msk $0xffff, v5  }
0x131: {  	[tilespmem:v3+s12+$0x0] =	vst.idx.msk $0xffff, v10;
	v5 =	vor.u32 v62, v41;
	v3 =	vld [tilespmem:s17+$0x4B00]  }
0x132: {  	v61 =	vadd.s32 v60, v41;
	[tilespmem:v55+s12+$0x0] =	vst.idx.msk $0xffff, v6;
	v6 =	vld [tilespmem:s17+$0x4B10]  }
0x133: {  	[tilespmem:v7+s12+$0x0] =	vst.idx.msk $0xffff, v2;
	v2 =	vadd.s32 v30, v43;
	v7 =	vld [tilespmem:s6+$0xCA0]  }
0x134: {  	v63 =	vadd.s32 v18, v43;
	[tilespmem:v8+s12+$0x0] =	vst.idx.msk $0xffff, v4;
	v4 =	vld [tilespmem:s6+$0xCB0]  }
0x135: {  	v35 =	vld [tilespmem:s17+$0x3870];
	v8 =	vadd.s32 v51, v36;
	[tilespmem:v1+s12+$0x0] =	vst.idx.msk $0xffff, v0  }
0x136: {  	v1 =	vor.u32 v50, v32;
	v0 =	vld [tilespmem:s6+$0x12C0];
	[tilespmem:v5+s12+$0x0] =	vst.idx.msk $0xffff, v3  }
0x137: {  	v3 =	vld [tilespmem:s6+$0x12D0];
	v5 =	vadd.s32 v15, v32;
	[tilespmem:v61+s12+$0x0] =	vst.idx.msk $0xffff, v6  }
0x138: {  	[tilespmem:v2+s12+$0x0] =	vst.idx.msk $0xffff, v7;
	v6 =	vor.u32 v14, v41;
	v2 =	vld [tilespmem:s17+$0x5140]  }
0x139: {  	v7 =	vadd.s32 v46, v41;
	[tilespmem:v63+s12+$0x0] =	vst.idx.msk $0xffff, v4;
	v4 =	vld [tilespmem:s17+$0x5150]  }
0x13a: {  	v38 =	vadd.s32 v50, v43;
	[tilespmem:v8+s12+$0x0] =	vst.idx.msk $0xffff, v56;
	v8 =	vld [tilespmem:s6+$0x12E0]  }
0x13b: {  	v49 =	vadd.s32 v15, v43;
	[tilespmem:v1+s12+$0x0] =	vst.idx.msk $0xffff, v0;
	v0 =	vld [tilespmem:s6+$0x12F0]  }
0x13c: {  	v42 =	vld [tilespmem:s16+$0x57B0];
	v1 =	vadd.s32 v45, v36;
	[tilespmem:v5+s12+$0x0] =	vst.idx.msk $0xffff, v3  }
0x13d: {  	v5 =	vor.u32 v23, v32;
	v3 =	vld [tilespmem:s6+$0x1900];
	[tilespmem:v6+s12+$0x0] =	vst.idx.msk $0xffff, v2  }
0x13e: {  	v2 =	vld [tilespmem:s6+$0x1910];
	v6 =	vadd.s32 v20, v32;
	[tilespmem:v7+s12+$0x0] =	vst.idx.msk $0xffff, v4  }
0x13f: {  	[tilespmem:v38+s12+$0x0] =	vst.idx.msk $0xffff, v8;
	v7 =	vor.u32 v47, v41;
	v4 =	vld [tilespmem:s17+$0x5780]  }
0x140: {  	v8 =	vadd.s32 v48, v41;
	[tilespmem:v49+s12+$0x0] =	vst.idx.msk $0xffff, v0;
	v0 =	vld [tilespmem:s17+$0x5790]  }
0x141: {  	v50 =	vadd.s32 v23, v43;
	[tilespmem:v1+s12+$0x0] =	vst.idx.msk $0xffff, v35;
	v1 =	vld [tilespmem:s6+$0x1920]  }
0x142: {  	v52 =	vadd.s32 v20, v43;
	[tilespmem:v5+s12+$0x0] =	vst.idx.msk $0xffff, v3;
	v3 =	vld [tilespmem:s6+$0x1930]  }
0x143: {  	v37 =	vld [tilespmem:s16+$0x57A0];
	v5 =	vadd.s32 v47, v34;
	[tilespmem:v6+s12+$0x0] =	vst.idx.msk $0xffff, v2  }
0x144: {  	v6 =	vor.u32 v28, v32;
	v2 =	vld [tilespmem:s6+$0x1F40];
	[tilespmem:v7+s12+$0x0] =	vst.idx.msk $0xffff, v4  }
0x145: {  	v4 =	vld [tilespmem:s6+$0x1F50];
	v7 =	vadd.s32 v21, v32;
	[tilespmem:v8+s12+$0x0] =	vst.idx.msk $0xffff, v0  }
0x146: {  	v11 =	vld [tilespmem:s17+$0x3EA0];
	v0 =	vadd.s32 v57, v36;
	[tilespmem:v50+s12+$0x0] =	vst.idx.msk $0xffff, v1  }
0x147: {  	v8 =	vld [tilespmem:s17+$0x3EB0];
	[tilespmem:v52+s12+$0x0] =	vst.idx.msk $0xffff, v3  }
0x148: {  	v1 =	vadd.s32 v12, v36;
	v53 =	vld [tilespmem:s17+$0x5DC0];
	[tilespmem:v5+s12+$0x0] =	vst.idx.msk $0xffff, v37  }
0x149: {  	v3 =	vadd.s32 v28, v43;
	v5 =	vld [tilespmem:s6+$0x1F60];
	[tilespmem:v6+s12+$0x0] =	vst.idx.msk $0xffff, v2  }
0x14a: {  	v54 =	vadd.s32 v21, v43;
	v2 =	vld [tilespmem:s6+$0x1F70];
	[tilespmem:v7+s12+$0x0] =	vst.idx.msk $0xffff, v4  }
0x14b: {  	v55 =	vadd.s32 v39, v34;
	v33 =	vld [tilespmem:s17+$0x5DD0];
	v6 =	vor.u32 v39, v41;
	[tilespmem:v0+s12+$0x0] =	vst.idx.msk $0xffff, v11  }
0x14c: {  	v7 =	vor.u32 v27, v32;
	v0 =	vld [tilespmem:s6+$0x2580];
	[tilespmem:$0x1FDD0] =	vst v55  }
0x14d: {  	[tilespmem:v1+s12+$0x0] =	vst.idx.msk $0xffff, v8  }
0x14e: {  	v1 =	vld [tilespmem:s6+$0x2590];
	v8 =	vadd.s32 v29, v32;
	[tilespmem:v3+s12+$0x0] =	vst.idx.msk $0xffff, v5  }
0x14f: {  	v35 =	vld [tilespmem:s17+$0x44E0];
	[tilespmem:v54+s12+$0x0] =	vst.idx.msk $0xffff, v2  }
0x150: {  	v56 =	vadd.s32 v19, v36;
	v5 =	vadd.s32 v62, v36;
	v44 =	vld [tilespmem:s17+$0x44F0];
	[tilespmem:v6+s12+$0x0] =	vst.idx.msk $0xffff, v53  }
0x151: {  	v13 =	vmov v62;
	v62 =	vadd.s32 v27, v43;
	v6 =	vld [tilespmem:s6+$0x25A0];
	[tilespmem:v7+s12+$0x0] =	vst.idx.msk $0xffff, v0;
	v7 =	vadd.s32 v47, v36  }
0x152: {  	v3 =	vadd.s32 v58, v36;
	v0 =	vld [tilespmem:s6+$0x25B0];
	[tilespmem:$0x1FDE0] =	vst v7  }
0x153: {  	v4 =	vadd.s32 v48, v34;
	[tilespmem:v8+s12+$0x0] =	vst.idx.msk $0xffff, v1;
	v1 =	vadd.s32 v48, v36  }
0x154: {  	v63 =	vadd.s32 v29, v43;
	[tilespmem:$0x1FDF0] =	vst v1  }
0x155: {  	v9 =	vadd.s32 v40, v41;
	v10 =	vadd.s32 v24, v43;
	[tilespmem:v56+s12+$0x0] =	vst.idx.msk $0xffff, v35  }
0x156: {  	v61 =	vadd.s32 v40, v34;
	v7 =	vor.u32 v22, v32;
	v1 =	vld [tilespmem:s6+$0x2BC0];
	[tilespmem:v62+s12+$0x0] =	vst.idx.msk $0xffff, v6  }
0x157: {  	v38 =	vadd.s32 v46, v36;
	v8 =	vadd.s32 v24, v32;
	[tilespmem:v3+s12+$0x0] =	vst.idx.msk $0xffff, v44;
	v3 =	vld [tilespmem:s6+$0x2BD0]  }
0x158: {  	v49 =	vadd.s32 v58, v43;
	v50 =	vadd.s32 v57, v43;
	[tilespmem:v4+s12+$0x0] =	vst.idx.msk $0xffff, v42;
	v6 =	vld [tilespmem:s17+$0x4B20]  }
0x159: {  	v57 =	vadd.s32 v14, v43;
	v2 =	vadd.s32 v60, v36;
	[tilespmem:v63+s12+$0x0] =	vst.idx.msk $0xffff, v0;
	v0 =	vld [tilespmem:s17+$0x4B30]  }
0x15a: {  	v37 =	vadd.s32 v14, v36;
	v11 =	vadd.s32 v22, v43;
	[tilespmem:v9+s12+$0x0] =	vst.idx.msk $0xffff, v33;
	v4 =	vld [tilespmem:s6+$0x2BE0]  }
0x15b: {  	v52 =	vadd.s32 v51, v43;
	v51 =	vadd.s32 v12, v43;
	[tilespmem:v7+s12+$0x0] =	vst.idx.msk $0xffff, v1;
	v7 =	vld [tilespmem:s6+$0x2BF0]  }
0x15c: {  	v12 =	vmov v46;
	v46 =	vadd.s32 v13, v43;
	v55 =	vadd.s32 v59, v43;
	v62 =	vld [tilespmem:s16+$0x5DE0];
	[tilespmem:v8+s12+$0x0] =	vst.idx.msk $0xffff, v3  }
0x15d: {  	v58 =	vadd.s32 v12, v43;
	v56 =	vor.u32 v31, v32;
	v8 =	vld [tilespmem:s6+$0x3200];
	[tilespmem:v5+s12+$0x0] =	vst.idx.msk $0xffff, v6  }
0x15e: {  	v54 =	vadd.s32 v31, v43;
	v53 =	vadd.s32 v45, v43;
	v3 =	vld [tilespmem:s6+$0x3210];
	[tilespmem:v2+s12+$0x0] =	vst.idx.msk $0xffff, v0  }
0x15f: {  	v41 =	vmov v47;
	v47 =	vadd.s32 v60, v43;
	v35 =	vadd.s32 v39, v36;
	[tilespmem:v11+s12+$0x0] =	vst.idx.msk $0xffff, v4;
	v1 =	vld [tilespmem:s17+$0x5160]  }
0x160: {  	v36 =	vadd.s32 v40, v36;
	v42 =	vadd.s32 v39, v43;
	v63 =	vmov v48;
	v0 =	vld [tilespmem:s17+$0x5170];
	[tilespmem:v10+s12+$0x0] =	vst.idx.msk $0xffff, v7  }
0x161: {  	v48 =	vadd.s32 v19, v43;
	v44 =	vadd.s32 v41, v43;
	v45 =	vadd.s32 v63, v43;
	v2 =	vld [tilespmem:s6+$0x3220]  }
0x162: {  	s7 =	simm.s32 $0x4;
	s8 =	simm.s32 $0xE0;
	v43 =	vadd.s32 v40, v43;
	v6 =	vadd.s32 v59, v32;
	v4 =	vld [tilespmem:s6+$0x3230];
	[tilespmem:v56+s12+$0x0] =	vst.idx.msk $0xffff, v8  }
.LBB2_4:
0x163: {  	v24 =	vld [tilespmem:$0x1FF60]  }
0x164: {  	v34 =	vld [tilespmem:$0x1FF20]  }
0x165: {  	v56 =	vld [tilespmem:$0x1FE50]  }
0x166: {  	[tilespmem:$0x1FDB0] =	vst v61;
	v61 =	vld [tilespmem:$0x1FE60]  }
0x167: {  	v31 =	vld [tilespmem:$0x1FFC0]  }
0x168: {  	[tilespmem:$0x1FD60] =	vst v35;
	v35 =	vld [tilespmem:$0x1FE70]  }
0x169: {  	v33 =	vld [tilespmem:$0x1FF30]  }
0x16a: {  	v39 =	vld [tilespmem:$0x1FEE0]  }
0x16b: {  	[tilespmem:$0x1FDC0] =	vst v36;
	v5 =	vmov s8;
	v36 =	vld [tilespmem:$0x1FEF0]  }
0x16c: {  	v59 =	vld [tilespmem:$0x1FFA0];
	v5 =	vmul.u32 $0x18, v5;
	[tilespmem:v6+s12+$0x0] =	vst.idx.msk $0xffff, v3  }
0x16d: {  	v3 =	vld [tilespmem:s16+$0x5DF0];
	[tilespmem:v37+s12+$0x0] =	vst.idx.msk $0xffff, v1;
	v1 =	vmov v57  }
0x16e: {  	v5 =	vbroadcast v5, $0x0;
	v37 =	vld [tilespmem:$0x1FF00];
	[tilespmem:$0x1FD70] =	vst v1  }
0x16f: {  	v6 =	vld [tilespmem:s6+$0x3840];
	[tilespmem:v38+s12+$0x0] =	vst.idx.msk $0xffff, v0  }
0x170: {  	v38 =	vld [tilespmem:$0x1FE90];
	v22 =	vadd.s32 v29, v5;
	[tilespmem:v54+s12+$0x0] =	vst.idx.msk $0xffff, v2  }
0x171: {  	s16 =	smov.u32 s17;
	v29 =	vld [tilespmem:$0x1FFF0];
	[tilespmem:$0x1FD50] =	vst v22  }
0x172: {  	v22 =	vadd.s32 v39, v5;
	v10 =	vld [tilespmem:s16+$0x57A0];
	[tilespmem:v55+s12+$0x0] =	vst.idx.msk $0xffff, v4  }
0x173: {  	s14 =	sadd.s32 $0xFFFFFFE0, s8;
	s17 =	smov.u32 s6;
	v19 =	vadd.s32 v33, v32;
	v63 =	vadd.s32 v27, v5;
	v27 =	vadd.s32 v33, v5;
	v33 =	vld [tilespmem:$0x1FF80];
	[tilespmem:$0x1FD80] =	vst v22  }
0x174: {  	v7 =	vor.u32 v24, v32;
	v22 =	vadd.s32 v36, v5;
	v9 =	vld [tilespmem:s17+$0x3860];
	[tilespmem:$0x1FDA0] =	vst v3;
	v3 =	vmov s14  }
0x175: {  	[tilespmem:$0x1FD90] =	vst v22;
	v22 =	vld [tilespmem:s17+$0x3870];
	v1 =	vmul.u32 $0x18, v3  }
0x176: {  	v8 =	vadd.s32 v34, v32;
	v3 =	vld [tilespmem:s6+$0x3850]  }
0x177: {  	s6 =	sadd.s32 $0x40, s6;
	v0 =	vbroadcast v1, $0x0;
	v1 =	vld [tilespmem:s16+$0x57B0]  }
0x178: {  	v54 =	vld [tilespmem:s6+$0x0]  }
0x179: {  	[tilespmem:v7+s12+$0x0] =	vst.idx.msk $0xffff, v6;
	v20 =	vld [tilespmem:s6+$0x20];
	v55 =	vor.u32 v16, v0  }
0x17a: {  	v57 =	vld [tilespmem:s6+$0x10];
	v40 =	vadd.s32 v17, v0  }
0x17b: {  	v2 =	vadd.s32 v21, v5;
	v21 =	vld [tilespmem:s6+$0x30];
	[tilespmem:v8+s12+$0x0] =	vst.idx.msk $0xffff, v3  }
0x17c: {  	v8 =	vld [tilespmem:s17+$0x3E80];
	[tilespmem:$0x1FD40] =	vst v1;
	v1 =	vadd.s32 v16, v5;
	v16 =	vor.u32 v31, v32  }
0x17d: {  	v12 =	vadd.s32 v26, v5;
	v4 =	vadd.s32 v17, v5;
	v6 =	vadd.s32 v23, v5;
	v18 =	vld [tilespmem:s17+$0x3E90]  }
0x17e: {  	v23 =	vadd.s32 v26, v0;
	v26 =	vadd.s32 v31, v5;
	v31 =	vld [tilespmem:$0x1FF40];
	[tilespmem:v55+s12+$0x0] =	vst.idx.msk $0xffff, v54  }
0x17f: {  	[tilespmem:v40+s12+$0x0] =	vst.idx.msk $0xffff, v57;
	v40 =	vld [tilespmem:$0x1FF10]  }
0x180: {  	v57 =	vld [tilespmem:s6+$0x640]  }
0x181: {  	[tilespmem:v16+s12+$0x0] =	vst.idx.msk $0xffff, v8;
	v8 =	vld [tilespmem:$0x1FFD0]  }
0x182: {  	v60 =	vor.u32 v25, v0;
	[tilespmem:v1+s12+$0x0] =	vst.idx.msk $0xffff, v20;
	v16 =	vld [tilespmem:s6+$0x650]  }
0x183: {  	[tilespmem:v4+s12+$0x0] =	vst.idx.msk $0xffff, v21;
	v4 =	vld [tilespmem:$0x1FFE0]  }
0x184: {  	v11 =	vadd.s32 v25, v5;
	v25 =	vld [tilespmem:s6+$0x660];
	[tilespmem:v52+s12+$0x0] =	vst.idx.msk $0xffff, v9  }
0x185: {  	v3 =	vadd.s32 v28, v5;
	[tilespmem:v19+s12+$0x0] =	vst.idx.msk $0xffff, v18;
	v28 =	vld [tilespmem:s6+$0x670]  }
0x186: {  	v18 =	vld [tilespmem:s17+$0x44C0]  }
0x187: {  	v1 =	vadd.s32 v24, v5;
	v21 =	vld [tilespmem:s17+$0x44D0];
	[tilespmem:v60+s12+$0x0] =	vst.idx.msk $0xffff, v57;
	v19 =	vor.u32 v8, v32  }
0x188: {  	v20 =	vadd.s32 v34, v5;
	v34 =	vld [tilespmem:$0x1FF50];
	v24 =	vadd.s32 v4, v32;
	[tilespmem:v23+s12+$0x0] =	vst.idx.msk $0xffff, v16  }
0x189: {  	v60 =	vld [tilespmem:$0x1FFB0];
	[tilespmem:v11+s12+$0x0] =	vst.idx.msk $0xffff, v25  }
0x18a: {  	v16 =	vld [tilespmem:s6+$0xC80];
	[tilespmem:v12+s12+$0x0] =	vst.idx.msk $0xffff, v28  }
0x18b: {  	v13 =	vadd.s32 v30, v5;
	v23 =	vor.u32 v30, v0;
	v30 =	vld [tilespmem:s6+$0xCA0];
	[tilespmem:v53+s12+$0x0] =	vst.idx.msk $0xffff, v22  }
0x18c: {  	v15 =	vadd.s32 v61, v5;
	v53 =	vmov v20;
	v20 =	vor.u32 v61, v0;
	v61 =	vld [tilespmem:$0x1FDE0];
	[tilespmem:v19+s12+$0x0] =	vst.idx.msk $0xffff, v18  }
0x18d: {  	v19 =	vadd.s32 v56, v0;
	v18 =	vld [tilespmem:s6+$0xC90];
	[tilespmem:v24+s12+$0x0] =	vst.idx.msk $0xffff, v21  }
0x18e: {  	v24 =	vld [tilespmem:s17+$0x4B00]  }
0x18f: {  	v14 =	vadd.s32 v56, v5;
	v25 =	vor.u32 v29, v32;
	v28 =	vld [tilespmem:s17+$0x4B10]  }
0x190: {  	v52 =	vmov v1;
	v1 =	vadd.s32 v31, v5;
	v9 =	vadd.s32 v8, v5;
	[tilespmem:v23+s12+$0x0] =	vst.idx.msk $0xffff, v16;
	v16 =	vld [tilespmem:s6+$0xCB0]  }
0x191: {  	v8 =	vadd.s32 v4, v5;
	v4 =	vadd.s32 v29, v5;
	v29 =	vadd.s32 v31, v32;
	v31 =	vld [tilespmem:$0x1FF70]  }
0x192: {  	v56 =	vld [tilespmem:$0x1FF90];
	[tilespmem:v19+s12+$0x0] =	vst.idx.msk $0xffff, v18  }
0x193: {  	v18 =	vld [tilespmem:s17+$0x3EA0];
	[tilespmem:v13+s12+$0x0] =	vst.idx.msk $0xffff, v30  }
0x194: {  	v19 =	vld [tilespmem:s6+$0x12C0];
	[tilespmem:v25+s12+$0x0] =	vst.idx.msk $0xffff, v24  }
0x195: {  	v23 =	vadd.s32 v35, v0;
	[tilespmem:v14+s12+$0x0] =	vst.idx.msk $0xffff, v16;
	v22 =	vld [tilespmem:s6+$0x12D0]  }
0x196: {  	[tilespmem:v29+s12+$0x0] =	vst.idx.msk $0xffff, v28;
	v25 =	vld [tilespmem:s6+$0x12E0]  }
0x197: {  	[tilespmem:v61+s12+$0x0] =	vst.idx.msk $0xffff, v10;
	v13 =	vld [tilespmem:s17+$0x5140]  }
0x198: {  	v41 =	vmovc v58;
	v17 =	vadd.s32 v35, v5;
	v58 =	vadd.s32 v56, v5;
	v16 =	vadd.s32 v56, v32;
	v56 =	vld [tilespmem:s6+$0x12F0]  }
0x199: {  	v14 =	vld [tilespmem:s17+$0x5150];
	[tilespmem:v20+s12+$0x0] =	vst.idx.msk $0xffff, v19  }
0x19a: {  	v35 =	vmov v44;
	v24 =	vor.u32 v34, v32;
	[tilespmem:v23+s12+$0x0] =	vst.idx.msk $0xffff, v22;
	v23 =	vld [tilespmem:$0x1FE80]  }
0x19b: {  	[tilespmem:$0x1FDE0] =	vst v35;
	v35 =	vld [tilespmem:$0x1FDF0]  }
0x19c: {  	v19 =	vld [tilespmem:s17+$0x3EB0];
	[tilespmem:v15+s12+$0x0] =	vst.idx.msk $0xffff, v25  }
0x19d: {  	v28 =	vld [tilespmem:$0x1FEA0];
	[tilespmem:v17+s12+$0x0] =	vst.idx.msk $0xffff, v56  }
0x19e: {  	v21 =	vadd.s32 v59, v5;
	v17 =	vld [tilespmem:s6+$0x1920]  }
0x19f: {  	v44 =	vmov v21;
	v20 =	vld [tilespmem:s6+$0x1900];
	[tilespmem:v24+s12+$0x0] =	vst.idx.msk $0xffff, v13;
	v21 =	vor.u32 v23, v0  }
0x1a0: {  	v22 =	vadd.s32 v38, v0;
	v13 =	vld [tilespmem:s6+$0x1910];
	[tilespmem:v16+s12+$0x0] =	vst.idx.msk $0xffff, v14  }
0x1a1: {  	v15 =	vor.u32 v59, v32;
	v14 =	vld [tilespmem:s17+$0x5780]  }
0x1a2: {  	v16 =	vadd.s32 v60, v32;
	[tilespmem:v50+s12+$0x0] =	vst.idx.msk $0xffff, v18;
	v59 =	vld [tilespmem:s17+$0x5790]  }
0x1a3: {  	v7 =	vadd.s32 v38, v5;
	v18 =	vld [tilespmem:s6+$0x1930];
	[tilespmem:v6+s12+$0x0] =	vst.idx.msk $0xffff, v17  }
0x1a4: {  	[tilespmem:v21+s12+$0x0] =	vst.idx.msk $0xffff, v20;
	v21 =	vld [tilespmem:$0x1FEB0]  }
0x1a5: {  	v29 =	vld [tilespmem:$0x1FED0];
	[tilespmem:v22+s12+$0x0] =	vst.idx.msk $0xffff, v13  }
0x1a6: {  	v13 =	vld [tilespmem:s6+$0x1F40];
	[tilespmem:v15+s12+$0x0] =	vst.idx.msk $0xffff, v14  }
0x1a7: {  	v14 =	vld [tilespmem:s6+$0x1F50];
	[tilespmem:v16+s12+$0x0] =	vst.idx.msk $0xffff, v59  }
0x1a8: {  	v12 =	vadd.s32 v60, v5;
	[tilespmem:v7+s12+$0x0] =	vst.idx.msk $0xffff, v18;
	v20 =	vor.u32 v28, v0;
	v6 =	vld [tilespmem:s17+$0x5DC0]  }
0x1a9: {  	v60 =	vor.u32 v31, v32;
	v16 =	vadd.s32 v33, v32;
	v32 =	vmovc v0;
	v15 =	vadd.s32 v21, v0;
	v0 =	vld [tilespmem:s6+$0x1F60]  }
0x1aa: {  	v7 =	vld [tilespmem:s17+$0x5DD0]  }
0x1ab: {  	[tilespmem:v51+s12+$0x0] =	vst.idx.msk $0xffff, v19;
	v51 =	vmov v27;
	v27 =	vld [tilespmem:$0x1FEC0]  }
0x1ac: {  	v54 =	vadd.s32 v37, v5;
	v55 =	vadd.s32 v40, v5;
	v57 =	vadd.s32 v34, v5;
	v61 =	vld [tilespmem:s6+$0x1F70]  }
0x1ad: {  	v11 =	vadd.s32 v31, v5;
	v5 =	vadd.s32 v33, v5;
	v33 =	vld [tilespmem:s17+$0x44E0];
	[tilespmem:v20+s12+$0x0] =	vst.idx.msk $0xffff, v13  }
0x1ae: {  	v38 =	vmov v41;
	v41 =	vld [tilespmem:$0x1FD50];
	[tilespmem:v3+s12+$0x0] =	vst.idx.msk $0xffff, v0  }
0x1af: {  	[tilespmem:v15+s12+$0x0] =	vst.idx.msk $0xffff, v14;
	v0 =	vld [tilespmem:s17+$0x44F0]  }
0x1b0: {  	v15 =	vld [tilespmem:s6+$0x2580];
	[tilespmem:v60+s12+$0x0] =	vst.idx.msk $0xffff, v6  }
0x1b1: {  	[tilespmem:v2+s12+$0x0] =	vst.idx.msk $0xffff, v61;
	v6 =	vld [tilespmem:s6+$0x2590]  }
0x1b2: {  	v17 =	vor.u32 v27, v32;
	v2 =	vld [tilespmem:s6+$0x25A0];
	[tilespmem:v48+s12+$0x0] =	vst.idx.msk $0xffff, v33  }
0x1b3: {  	v34 =	vadd.s32 v29, v32;
	v3 =	vld [tilespmem:s6+$0x25B0]  }
0x1b4: {  	[tilespmem:v49+s12+$0x0] =	vst.idx.msk $0xffff, v0;
	v49 =	vmov v8;
	v8 =	vadd.s32 v36, v32;
	v36 =	vld [tilespmem:$0x1FD40];
	_ =	sdelay $0x1  }
0x1b5: {  	[tilespmem:v16+s12+$0x0] =	vst.idx.msk $0xffff, v7  }
0x1b6: {  	[tilespmem:v17+s12+$0x0] =	vst.idx.msk $0xffff, v15  }
0x1b7: {  	[tilespmem:v34+s12+$0x0] =	vst.idx.msk $0xffff, v6  }
0x1b8: {  	v6 =	vld [tilespmem:s6+$0x2BC0];
	[tilespmem:v35+s12+$0x0] =	vst.idx.msk $0xffff, v36  }
0x1b9: {  	v7 =	vor.u32 v39, v32;
	v0 =	vld [tilespmem:s6+$0x2BD0];
	[tilespmem:v63+s12+$0x0] =	vst.idx.msk $0xffff, v2  }
0x1ba: {  	v2 =	vld [tilespmem:s17+$0x4B20]  }
0x1bb: {  	[tilespmem:v41+s12+$0x0] =	vst.idx.msk $0xffff, v3;
	v3 =	vld [tilespmem:$0x1FDD0];
	_ =	sdelay $0x2  }
0x1bc: {  	[tilespmem:v7+s12+$0x0] =	vst.idx.msk $0xffff, v6  }
0x1bd: {  	[tilespmem:v8+s12+$0x0] =	vst.idx.msk $0xffff, v0;
	v0 =	vld [tilespmem:$0x1FD80];
	_ =	sdelay $0x1  }
0x1be: {  	v48 =	vmov v9;
	v9 =	vld [tilespmem:s17+$0x4B30]  }
0x1bf: {  	v10 =	vld [tilespmem:s6+$0x2BE0]  }
0x1c0: {  	[tilespmem:v3+s12+$0x0] =	vst.idx.msk $0xffff, v62  }
0x1c1: {  	v7 =	vld [tilespmem:s6+$0x2BF0]  }
0x1c2: {  	v62 =	vld [tilespmem:s16+$0x5DE0];
	[tilespmem:v46+s12+$0x0] =	vst.idx.msk $0xffff, v2  }
0x1c3: {  	[tilespmem:v47+s12+$0x0] =	vst.idx.msk $0xffff, v9  }
0x1c4: {  	[tilespmem:v0+s12+$0x0] =	vst.idx.msk $0xffff, v10;
	v0 =	vld [tilespmem:$0x1FD90];
	_ =	sdelay $0x5  }
0x1c5: {  	v30 =	vld [tilespmem:$0x1FE40]  }
0x1c6: {  	v47 =	vmov v1;
	v1 =	vld [tilespmem:s17+$0x5160]  }
0x1c7: {  	[tilespmem:v0+s12+$0x0] =	vst.idx.msk $0xffff, v7;
	v7 =	vld [tilespmem:$0x1FDB0]  }
0x1c8: {  	v25 =	vld [tilespmem:$0x1FE20]  }
0x1c9: {  	v56 =	vld [tilespmem:$0x1FD60]  }
0x1ca: {  	v46 =	vmov v4;
	v4 =	vld [tilespmem:$0x1FDA0]  }
0x1cb: {  	v50 =	vmov v26;
	v26 =	vld [tilespmem:$0x1FE30]  }
0x1cc: {  	v8 =	vld [tilespmem:s6+$0x3200]  }
0x1cd: {  	v0 =	vld [tilespmem:s17+$0x5170]  }
0x1ce: {  	s7 =	sadd.s32 $0x2, s7;
	v2 =	vld [tilespmem:s6+$0x3220]  }
0x1cf: {  	p0 =	slt.u32 s7, $0x30;
	v59 =	vor.u32 v37, v32;
	[tilespmem:v7+s12+$0x0] =	vst.idx.msk $0xffff, v4;
	v4 =	vld [tilespmem:$0x1FDC0]  }
.Ltmp5:
0x1d0: {  	v37 =	vld [tilespmem:$0x1FD70];
	(pc) =	sbr.rel @p0 .LBB2_4-.Ltmp5, $4  }
0x1d1: {  	v16 =	vld [tilespmem:$0x1FE00];
	v39 =	vmov v45  }
0x1d2: {  	[tilespmem:$0x1FDF0] =	vst v39;
	v17 =	vld [tilespmem:$0x1FE10];
	v3 =	vmov v56  }
0x1d3: {  	v45 =	vmov v12;
	v35 =	vmov v42;
	v42 =	vmov v11;
	[tilespmem:$0x1FDD0] =	vst v3;
	v3 =	vld [tilespmem:s6+$0x3210]  }
0x1d4: {  	s8 =	sadd.s32 $0x40, s8;
	v36 =	vmovc v43;
	v43 =	vmov v5;
	v6 =	vadd.s32 v40, v32;
	[tilespmem:v59+s12+$0x0] =	vst.idx.msk $0xffff, v8;
	v61 =	vmov v4;
	v4 =	vld [tilespmem:s6+$0x3230]  }
0x1d5: {  	_ =	sdelay $0x3  }
0x1d6: {  	[tilespmem:v6+s12+$0x0] =	vst.idx.msk $0xffff, v3  }
0x1d7: {  	v8 =	vld [tilespmem:$0x1FF60]  }
0x1d8: {  	v7 =	vld [tilespmem:$0x1FF20];
	_ =	sdelay $0x3  }
0x1d9: {  	v3 =	vld [tilespmem:s6+$0x3840];
	v5 =	vor.u32 v8, v32  }
0x1da: {  	v6 =	vld [tilespmem:s6+$0x3850];
	v7 =	vadd.s32 v7, v32;
	_ =	sdelay $0x2  }
0x1db: {  	[tilespmem:v54+s12+$0x0] =	vst.idx.msk $0xffff, v2  }
0x1dc: {  	[tilespmem:v5+s12+$0x0] =	vst.idx.msk $0xffff, v3  }
0x1dd: {  	[tilespmem:v7+s12+$0x0] =	vst.idx.msk $0xffff, v6  }
0x1de: {  	v11 =	vld [tilespmem:$0x1FFC0];
	[tilespmem:v55+s12+$0x0] =	vst.idx.msk $0xffff, v4  }
0x1df: {  	v12 =	vld [tilespmem:$0x1FF30];
	_ =	sdelay $0x3  }
0x1e0: {  	v41 =	vld [tilespmem:s6+$0x3E80];
	v54 =	vor.u32 v11, v32  }
0x1e1: {  	v56 =	vld [tilespmem:s6+$0x3E90];
	v59 =	vadd.s32 v12, v32  }
0x1e2: {  	v60 =	vld [tilespmem:s6+$0x3860];
	_ =	sdelay $0x2  }
0x1e3: {  	[tilespmem:v54+s12+$0x0] =	vst.idx.msk $0xffff, v41  }
0x1e4: {  	v63 =	vld [tilespmem:s6+$0x3870];
	[tilespmem:v59+s12+$0x0] =	vst.idx.msk $0xffff, v56  }
0x1e5: {  	v19 =	vld [tilespmem:$0x1FFD0];
	[tilespmem:v52+s12+$0x0] =	vst.idx.msk $0xffff, v60  }
0x1e6: {  	v13 =	vld [tilespmem:$0x1FFE0];
	_ =	sdelay $0x3  }
0x1e7: {  	v2 =	vld [tilespmem:s6+$0x44C0];
	v9 =	vor.u32 v19, v32  }
0x1e8: {  	v4 =	vld [tilespmem:s6+$0x44D0];
	[tilespmem:v53+s12+$0x0] =	vst.idx.msk $0xffff, v63;
	v10 =	vadd.s32 v13, v32  }
0x1e9: {  	v6 =	vld [tilespmem:s6+$0x3EA0];
	_ =	sdelay $0x2  }
0x1ea: {  	[tilespmem:v9+s12+$0x0] =	vst.idx.msk $0xffff, v2  }
0x1eb: {  	v7 =	vld [tilespmem:s6+$0x3EB0];
	[tilespmem:v10+s12+$0x0] =	vst.idx.msk $0xffff, v4  }
0x1ec: {  	v14 =	vld [tilespmem:$0x1FFF0];
	[tilespmem:v50+s12+$0x0] =	vst.idx.msk $0xffff, v6  }
0x1ed: {  	v60 =	vld [tilespmem:$0x1FF40];
	_ =	sdelay $0x3  }
0x1ee: {  	v2 =	vld [tilespmem:s6+$0x4B00];
	v33 =	vor.u32 v14, v32  }
0x1ef: {  	v4 =	vld [tilespmem:s6+$0x4B10];
	[tilespmem:v51+s12+$0x0] =	vst.idx.msk $0xffff, v7;
	v34 =	vadd.s32 v60, v32  }
0x1f0: {  	v6 =	vld [tilespmem:s6+$0x44E0];
	_ =	sdelay $0x2  }
0x1f1: {  	[tilespmem:v33+s12+$0x0] =	vst.idx.msk $0xffff, v2  }
0x1f2: {  	v7 =	vld [tilespmem:s6+$0x44F0];
	[tilespmem:v34+s12+$0x0] =	vst.idx.msk $0xffff, v4  }
0x1f3: {  	v15 =	vld [tilespmem:$0x1FF50];
	[tilespmem:v48+s12+$0x0] =	vst.idx.msk $0xffff, v6  }
0x1f4: {  	v9 =	vld [tilespmem:$0x1FF90];
	_ =	sdelay $0x3  }
0x1f5: {  	v2 =	vld [tilespmem:s6+$0x5140];
	v39 =	vor.u32 v15, v32  }
0x1f6: {  	v4 =	vld [tilespmem:s6+$0x5150];
	[tilespmem:v49+s12+$0x0] =	vst.idx.msk $0xffff, v7;
	v40 =	vadd.s32 v9, v32  }
0x1f7: {  	v6 =	vld [tilespmem:s6+$0x4B20];
	_ =	sdelay $0x2  }
0x1f8: {  	[tilespmem:v39+s12+$0x0] =	vst.idx.msk $0xffff, v2  }
0x1f9: {  	v7 =	vld [tilespmem:s6+$0x4B30];
	[tilespmem:v40+s12+$0x0] =	vst.idx.msk $0xffff, v4  }
0x1fa: {  	v10 =	vld [tilespmem:$0x1FFA0];
	[tilespmem:v46+s12+$0x0] =	vst.idx.msk $0xffff, v6  }
0x1fb: {  	v48 =	vld [tilespmem:$0x1FFB0];
	_ =	sdelay $0x3  }
0x1fc: {  	v2 =	vld [tilespmem:s6+$0x5780];
	v41 =	vor.u32 v10, v32  }
0x1fd: {  	v4 =	vld [tilespmem:s6+$0x5790];
	[tilespmem:v47+s12+$0x0] =	vst.idx.msk $0xffff, v7;
	v50 =	vadd.s32 v48, v32  }
0x1fe: {  	v6 =	vld [tilespmem:s6+$0x5160]  }
0x1ff: {  	[tilespmem:v37+s12+$0x0] =	vst.idx.msk $0xffff, v1;
	v51 =	vld [tilespmem:s6+$0x5170]  }
0x200: {  	[tilespmem:v38+s12+$0x0] =	vst.idx.msk $0xffff, v0  }
0x201: {  	[tilespmem:v41+s12+$0x0] =	vst.idx.msk $0xffff, v2  }
0x202: {  	[tilespmem:v50+s12+$0x0] =	vst.idx.msk $0xffff, v4  }
0x203: {  	v39 =	vld [tilespmem:$0x1FF70];
	[tilespmem:v57+s12+$0x0] =	vst.idx.msk $0xffff, v6  }
0x204: {  	[tilespmem:v58+s12+$0x0] =	vst.idx.msk $0xffff, v51  }
0x205: {  	v6 =	vld [tilespmem:$0x1FDE0];
	_ =	sdelay $0x2  }
0x206: {  	v0 =	vld [tilespmem:s17+$0x57A0]  }
0x207: {  	v2 =	vld [tilespmem:s6+$0x5DC0];
	v52 =	vor.u32 v39, v32;
	_ =	sdelay $0x2  }
0x208: {  	v53 =	vld [tilespmem:s17+$0x57B0]  }
0x209: {  	v55 =	vld [tilespmem:s6+$0x5DD0];
	[tilespmem:v6+s12+$0x0] =	vst.idx.msk $0xffff, v0  }
0x20a: {  	v40 =	vld [tilespmem:$0x1FF80];
	[tilespmem:v52+s12+$0x0] =	vst.idx.msk $0xffff, v2  }
0x20b: {  	v3 =	vld [tilespmem:$0x1FDF0]  }
0x20c: {  	v1 =	vld [tilespmem:s6+$0x57A0]  }
0x20d: {  	v54 =	vld [tilespmem:s6+$0x57B0];
	_ =	sdelay $0x1  }
0x20e: {  	v56 =	vadd.s32 v40, v32;
	_ =	sdelay $0x1  }
0x20f: {  	[tilespmem:v44+s12+$0x0] =	vst.idx.msk $0xffff, v1  }
0x210: {  	[tilespmem:v45+s12+$0x0] =	vst.idx.msk $0xffff, v54  }
0x211: {  	v59 =	vld [tilespmem:s6+$0x5DE0];
	[tilespmem:v3+s12+$0x0] =	vst.idx.msk $0xffff, v53  }
0x212: {  	v63 =	vld [tilespmem:s6+$0x5DF0];
	[tilespmem:v56+s12+$0x0] =	vst.idx.msk $0xffff, v55  }
0x213: {  	v4 =	vld [tilespmem:$0x1FDD0]  }
0x214: {  	v3 =	vld [tilespmem:s17+$0x5DE0]  }
0x215: {  	v58 =	vld [tilespmem:s17+$0x5DF0];
	_ =	sdelay $0x1  }
0x216: {  	v57 =	vld [tilespmem:s16+$0x5DF0];
	[tilespmem:v42+s12+$0x0] =	vst.idx.msk $0xffff, v59  }
0x217: {  	[tilespmem:v43+s12+$0x0] =	vst.idx.msk $0xffff, v63  }
0x218: {  	s17 =	sshll.u32 s15, $0x4;
	[tilespmem:v35+s12+$0x0] =	vst.idx.msk $0xffff, v3  }
0x219: {  	s6 =	sadd.s32 s3, s17;
	[tilespmem:v36+s12+$0x0] =	vst.idx.msk $0xffff, v58  }
0x21a: {  	v46 =	vmov v9;
	v47 =	vmov v10;
	s6 =	sshrl.u32 s6, $0x3;
	[tilespmem:v4+s12+$0x0] =	vst.idx.msk $0xffff, v62  }
0x21b: {  	s7 =	simm.s32 $0x0;
	v51 =	vmovc v8;
	s6 =	sadd.s32 s5, s6;
	v58 =	vmovc v13;
	v62 =	vmov v14;
	v14 =	vmov v15;
	[tilespmem:v61+s12+$0x0] =	vst.idx.msk $0xffff, v57;
	v57 =	vmov v11  }
.LBB2_6:
0x21c: {  	p0 =	seq.s32 s7, $0x257A0  }
.Ltmp6:
0x21d: {  	_ = 	snop;
	(pc) =	sbr.rel @!p0 .LBB2_6-.Ltmp6, $4  }
0x21e: {  	s8 =	sshra.s32 s7, $0x2  }
0x21f: {  	s8 =	sadd.s32 $0x13800, s8  }
0x220: {  	[hbm4b:s6+s2] =	stream.linear.scatter [tilespmem:s8], [sflag:$0x4], $0x10, $0x38;
	[tilespmem:$0x1CE00] =	vst v63  }
0x221: {  	s7 =	sadd.s32 $0x60, s7;
	s6 =	sadd.s32 $0x800, s6  }
0x222: {  	v18 =	vld [tilespmem:$0x1FE50]  }
0x223: {  	v50 =	vld [tilespmem:$0x1FE60]  }
0x224: {  	v15 =	vld [tilespmem:$0x1FE70]  }
0x225: {  	v20 =	vld [tilespmem:$0x1FE90]  }
.Ltmp7:
0x226: {  	v22 =	vld [tilespmem:$0x1FEE0];
	(pc) =	sbr.rel .LBB2_13-.Ltmp7, $4  }
0x227: {  	v24 =	vld [tilespmem:$0x1FEF0]  }
0x228: {  	v31 =	vld [tilespmem:$0x1FF00]  }
0x229: {  	v59 =	vld [tilespmem:$0x1FF10]  }
0x22a: {  	s6 =	simm.s32 $0x4;
	v45 =	vld [tilespmem:$0x1FF20]  }
.LBB2_8:
0x22b: {  	p0 =	seq.s32 s15, $0x1F  }
0x22c: {  	s6 =	smul.u32 @!p0 $0xE00, s15;
	_ =	sdelay $0x1  }
0x22d: {  	s6 =	sshra.s32 @!p0 s6, $0x2  }
0x22e: {  	s8 =	simm.s32 @!p0 $0x32;
	s14 =	simm.s32 @!p0 $0x7000;
	s7 =	sadd.s32 @!p0 $0x380, s6  }
0x22f: {  	[tilespmem:s14], [sflag:$0x1] =	stream.indirect.gather @!p0 [hbm4b:s4+s8], $0x20, s7, s8, $0xb8;
	[tilespmem:$0x1CE00] =	vst v63  }
0x230: {  	s7 =	sadd.s32 @!p0 $0x3B8, s6;
	s14 =	simm.s32 @!p0 $0x7640  }
0x231: {  	[tilespmem:s14], [sflag:$0x1] =	stream.indirect.gather @!p0 [hbm4b:s4+s8], $0x20, s7, s8, $0xb8;
	[tilespmem:$0x1CE00] =	vst v63  }
0x232: {  	s7 =	sadd.s32 @!p0 $0x3F0, s6;
	s14 =	simm.s32 @!p0 $0x7C80  }
0x233: {  	[tilespmem:s14], [sflag:$0x1] =	stream.indirect.gather @!p0 [hbm4b:s4+s8], $0x20, s7, s8, $0xb8;
	[tilespmem:$0x1CE00] =	vst v63  }
0x234: {  	s7 =	sadd.s32 @!p0 $0x428, s6;
	s14 =	simm.s32 @!p0 $0x82C0  }
0x235: {  	[tilespmem:s14], [sflag:$0x1] =	stream.indirect.gather @!p0 [hbm4b:s4+s8], $0x20, s7, s8, $0xb8;
	[tilespmem:$0x1CE00] =	vst v63  }
0x236: {  	s7 =	sadd.s32 @!p0 $0x460, s6;
	s14 =	simm.s32 @!p0 $0x8900  }
0x237: {  	[tilespmem:s14], [sflag:$0x1] =	stream.indirect.gather @!p0 [hbm4b:s4+s8], $0x20, s7, s8, $0xb8;
	[tilespmem:$0x1CE00] =	vst v63  }
0x238: {  	s7 =	sadd.s32 @!p0 $0x498, s6;
	s14 =	simm.s32 @!p0 $0x8F40  }
0x239: {  	[tilespmem:s14], [sflag:$0x1] =	stream.indirect.gather @!p0 [hbm4b:s4+s8], $0x20, s7, s8, $0xb8;
	[tilespmem:$0x1CE00] =	vst v63  }
0x23a: {  	s7 =	sadd.s32 @!p0 $0x4D0, s6;
	s14 =	simm.s32 @!p0 $0x9580  }
0x23b: {  	[tilespmem:s14], [sflag:$0x1] =	stream.indirect.gather @!p0 [hbm4b:s4+s8], $0x20, s7, s8, $0xb8;
	[tilespmem:$0x1CE00] =	vst v63  }
0x23c: {  	s7 =	sadd.s32 @!p0 $0x508, s6;
	s14 =	simm.s32 @!p0 $0x9BC0  }
0x23d: {  	[tilespmem:s14], [sflag:$0x1] =	stream.indirect.gather @!p0 [hbm4b:s4+s8], $0x20, s7, s8, $0xb8;
	[tilespmem:$0x1CE00] =	vst v63  }
0x23e: {  	s7 =	sadd.s32 @!p0 $0x540, s6;
	s14 =	simm.s32 @!p0 $0xA200  }
0x23f: {  	[tilespmem:s14], [sflag:$0x1] =	stream.indirect.gather @!p0 [hbm4b:s4+s8], $0x20, s7, s8, $0xb8;
	[tilespmem:$0x1CE00] =	vst v63  }
0x240: {  	s7 =	sadd.s32 @!p0 $0x578, s6;
	s14 =	simm.s32 @!p0 $0xA840  }
0x241: {  	[tilespmem:s14], [sflag:$0x1] =	stream.indirect.gather @!p0 [hbm4b:s4+s8], $0x20, s7, s8, $0xb8;
	[tilespmem:$0x1CE00] =	vst v63  }
0x242: {  	s7 =	sadd.s32 @!p0 $0x5B0, s6;
	s14 =	simm.s32 @!p0 $0xAE80  }
0x243: {  	[tilespmem:s14], [sflag:$0x1] =	stream.indirect.gather @!p0 [hbm4b:s4+s8], $0x20, s7, s8, $0xb8;
	[tilespmem:$0x1CE00] =	vst v63  }
0x244: {  	s7 =	sadd.s32 @!p0 $0x5E8, s6;
	s14 =	simm.s32 @!p0 $0xB4C0  }
0x245: {  	[tilespmem:s14], [sflag:$0x1] =	stream.indirect.gather @!p0 [hbm4b:s4+s8], $0x20, s7, s8, $0xb8;
	[tilespmem:$0x1CE00] =	vst v63  }
0x246: {  	s7 =	sadd.s32 @!p0 $0x620, s6;
	s14 =	simm.s32 @!p0 $0xBB00  }
0x247: {  	[tilespmem:s14], [sflag:$0x1] =	stream.indirect.gather @!p0 [hbm4b:s4+s8], $0x20, s7, s8, $0xb8;
	[tilespmem:$0x1CE00] =	vst v63  }
0x248: {  	s7 =	sadd.s32 @!p0 $0x658, s6;
	s14 =	simm.s32 @!p0 $0xC140  }
0x249: {  	[tilespmem:s14], [sflag:$0x1] =	stream.indirect.gather @!p0 [hbm4b:s4+s8], $0x20, s7, s8, $0xb8;
	[tilespmem:$0x1CE00] =	vst v63  }
0x24a: {  	s7 =	sadd.s32 @!p0 $0x690, s6;
	s14 =	simm.s32 @!p0 $0xC780  }
0x24b: {  	[tilespmem:s14], [sflag:$0x1] =	stream.indirect.gather @!p0 [hbm4b:s4+s8], $0x20, s7, s8, $0xb8;
	[tilespmem:$0x1CE00] =	vst v63  }
0x24c: {  	s6 =	sadd.s32 @!p0 $0x6C8, s6;
	s7 =	simm.s32 @!p0 $0xCDC0  }
0x24d: {  	[tilespmem:s7], [sflag:$0x1] =	stream.indirect.gather @!p0 [hbm4b:s4+s8], $0x20, s6, s8, $0xb8;
	[tilespmem:$0x1CE00] =	vst v63  }
0x24e: {  	_ =	swait.ge [sflag:s13], $0x640  }
0x24f: {  	[sflag:s13] =	ssyncset.done $0x0  }
0x250: {  	[sflag:s13] =	ssyncadd.s32 $0xFFFFF9C0  }
0x251: {  	_ =	swait.ge [sflag:s13], $0x640  }
0x252: {  	[sflag:s13] =	ssyncset.done $0x0  }
0x253: {  	[sflag:s13] =	ssyncadd.s32 $0xFFFFF9C0  }
0x254: {  	_ =	swait.ge [sflag:s13], $0x640  }
0x255: {  	[sflag:s13] =	ssyncset.done $0x0  }
0x256: {  	[sflag:s13] =	ssyncadd.s32 $0xFFFFF9C0  }
0x257: {  	_ =	swait.ge [sflag:s13], $0x640  }
0x258: {  	[sflag:s13] =	ssyncset.done $0x0  }
0x259: {  	[sflag:s13] =	ssyncadd.s32 $0xFFFFF9C0  }
0x25a: {  	_ =	swait.ge [sflag:s13], $0x640  }
0x25b: {  	[sflag:s13] =	ssyncset.done $0x0  }
0x25c: {  	[sflag:s13] =	ssyncadd.s32 $0xFFFFF9C0  }
0x25d: {  	_ =	swait.ge [sflag:s13], $0x640  }
0x25e: {  	[sflag:s13] =	ssyncset.done $0x0  }
0x25f: {  	[sflag:s13] =	ssyncadd.s32 $0xFFFFF9C0  }
0x260: {  	_ =	swait.ge [sflag:s13], $0x640  }
0x261: {  	[sflag:s13] =	ssyncset.done $0x0  }
0x262: {  	[sflag:s13] =	ssyncadd.s32 $0xFFFFF9C0  }
0x263: {  	_ =	swait.ge [sflag:s13], $0x640  }
0x264: {  	[sflag:s13] =	ssyncset.done $0x0  }
0x265: {  	[sflag:s13] =	ssyncadd.s32 $0xFFFFF9C0  }
0x266: {  	_ =	swait.ge [sflag:s13], $0x640  }
0x267: {  	[sflag:s13] =	ssyncset.done $0x0  }
0x268: {  	[sflag:s13] =	ssyncadd.s32 $0xFFFFF9C0  }
0x269: {  	_ =	swait.ge [sflag:s13], $0x640  }
0x26a: {  	[sflag:s13] =	ssyncset.done $0x0  }
0x26b: {  	[sflag:s13] =	ssyncadd.s32 $0xFFFFF9C0  }
0x26c: {  	_ =	swait.ge [sflag:s13], $0x640  }
0x26d: {  	[sflag:s13] =	ssyncset.done $0x0  }
0x26e: {  	[sflag:s13] =	ssyncadd.s32 $0xFFFFF9C0  }
0x26f: {  	_ =	swait.ge [sflag:s13], $0x640  }
0x270: {  	[sflag:s13] =	ssyncset.done $0x0  }
0x271: {  	[sflag:s13] =	ssyncadd.s32 $0xFFFFF9C0  }
0x272: {  	_ =	swait.ge [sflag:s13], $0x640  }
0x273: {  	[sflag:s13] =	ssyncset.done $0x0  }
0x274: {  	[sflag:s13] =	ssyncadd.s32 $0xFFFFF9C0  }
0x275: {  	_ =	swait.ge [sflag:s13], $0x640  }
0x276: {  	[sflag:s13] =	ssyncset.done $0x0  }
0x277: {  	[sflag:s13] =	ssyncadd.s32 $0xFFFFF9C0  }
0x278: {  	s8 =	simm.s32 $0x0;
	_ =	swait.ge [sflag:s13], $0x640  }
0x279: {  	v0 =	vmov s8;
	[sflag:s13] =	ssyncset.done $0x0  }
0x27a: {  	v0 =	vmul.u32 $0x18, v0;
	[sflag:s13] =	ssyncadd.s32 $0xFFFFF9C0  }
0x27b: {  	_ =	swait.ge [sflag:s13], $0x640  }
0x27c: {  	v33 =	vbroadcast v0, $0x0;
	[sflag:s13] =	ssyncset.done $0x0  }
0x27d: {  	s16 =	simm.s32 $0xD400;
	s14 =	simm.s32 $0x20;
	[sflag:s13] =	ssyncadd.s32 $0xFFFFF9C0  }
0x27e: {  	v0 =	vmov s14;
	v2 =	vor.u32 v16, v33;
	v1 =	vld [tilespmem:s16+$0x0]  }
0x27f: {  	v0 =	vmul.u32 $0x18, v0;
	v4 =	vadd.s32 v17, v33;
	v3 =	vld [tilespmem:s16+$0x10];
	_ =	sdelay $0x1  }
0x280: {  	v34 =	vbroadcast v0, $0x0;
	_ =	sdelay $0x1  }
0x281: {  	v0 =	vadd.s32 v16, v34;
	v5 =	vld [tilespmem:s16+$0x20];
	[tilespmem:v2+s12+$0x0] =	vst.idx.msk $0xffff, v1  }
0x282: {  	v1 =	vadd.s32 v17, v34;
	v2 =	vld [tilespmem:s16+$0x30];
	[tilespmem:v4+s12+$0x0] =	vst.idx.msk $0xffff, v3  }
0x283: {  	v4 =	vor.u32 v25, v33;
	v3 =	vld [tilespmem:s16+$0x640]  }
0x284: {  	v7 =	vadd.s32 v26, v33;
	v6 =	vld [tilespmem:s16+$0x650];
	_ =	sdelay $0x1  }
0x285: {  	[tilespmem:v0+s12+$0x0] =	vst.idx.msk $0xffff, v5  }
0x286: {  	[tilespmem:v1+s12+$0x0] =	vst.idx.msk $0xffff, v2  }
0x287: {  	v0 =	vadd.s32 v25, v34;
	v1 =	vld [tilespmem:s16+$0x660];
	[tilespmem:v4+s12+$0x0] =	vst.idx.msk $0xffff, v3  }
0x288: {  	v2 =	vadd.s32 v26, v34;
	v3 =	vld [tilespmem:s16+$0x670];
	[tilespmem:v7+s12+$0x0] =	vst.idx.msk $0xffff, v6  }
0x289: {  	v5 =	vor.u32 v30, v33;
	v4 =	vld [tilespmem:s16+$0xC80]  }
0x28a: {  	v7 =	vadd.s32 v18, v33;
	v6 =	vld [tilespmem:s16+$0xC90];
	_ =	sdelay $0x1  }
0x28b: {  	[tilespmem:v0+s12+$0x0] =	vst.idx.msk $0xffff, v1  }
0x28c: {  	[tilespmem:v2+s12+$0x0] =	vst.idx.msk $0xffff, v3  }
0x28d: {  	v0 =	vadd.s32 v30, v34;
	v1 =	vld [tilespmem:s16+$0xCA0];
	[tilespmem:v5+s12+$0x0] =	vst.idx.msk $0xffff, v4  }
0x28e: {  	v2 =	vadd.s32 v18, v34;
	v3 =	vld [tilespmem:s16+$0xCB0];
	[tilespmem:v7+s12+$0x0] =	vst.idx.msk $0xffff, v6  }
0x28f: {  	v5 =	vor.u32 v50, v33;
	v4 =	vld [tilespmem:s16+$0x12C0]  }
0x290: {  	v7 =	vadd.s32 v15, v33;
	v6 =	vld [tilespmem:s16+$0x12D0];
	_ =	sdelay $0x1  }
0x291: {  	[tilespmem:v0+s12+$0x0] =	vst.idx.msk $0xffff, v1  }
0x292: {  	[tilespmem:v2+s12+$0x0] =	vst.idx.msk $0xffff, v3  }
0x293: {  	v0 =	vadd.s32 v50, v34;
	v1 =	vld [tilespmem:s16+$0x12E0];
	[tilespmem:v5+s12+$0x0] =	vst.idx.msk $0xffff, v4  }
0x294: {  	v2 =	vadd.s32 v15, v34;
	v3 =	vld [tilespmem:s16+$0x12F0];
	[tilespmem:v7+s12+$0x0] =	vst.idx.msk $0xffff, v6  }
0x295: {  	v5 =	vor.u32 v23, v33;
	v4 =	vld [tilespmem:s16+$0x1900]  }
0x296: {  	v7 =	vadd.s32 v20, v33;
	v6 =	vld [tilespmem:s16+$0x1910];
	_ =	sdelay $0x1  }
0x297: {  	[tilespmem:v0+s12+$0x0] =	vst.idx.msk $0xffff, v1  }
0x298: {  	[tilespmem:v2+s12+$0x0] =	vst.idx.msk $0xffff, v3  }
0x299: {  	v0 =	vadd.s32 v23, v34;
	v1 =	vld [tilespmem:s16+$0x1920];
	[tilespmem:v5+s12+$0x0] =	vst.idx.msk $0xffff, v4  }
0x29a: {  	v2 =	vadd.s32 v20, v34;
	v3 =	vld [tilespmem:s16+$0x1930];
	[tilespmem:v7+s12+$0x0] =	vst.idx.msk $0xffff, v6  }
0x29b: {  	v5 =	vor.u32 v28, v33;
	v4 =	vld [tilespmem:s16+$0x1F40]  }
0x29c: {  	v7 =	vadd.s32 v21, v33;
	v6 =	vld [tilespmem:s16+$0x1F50];
	_ =	sdelay $0x1  }
0x29d: {  	[tilespmem:v0+s12+$0x0] =	vst.idx.msk $0xffff, v1  }
0x29e: {  	[tilespmem:v2+s12+$0x0] =	vst.idx.msk $0xffff, v3  }
0x29f: {  	v0 =	vadd.s32 v28, v34;
	v1 =	vld [tilespmem:s16+$0x1F60];
	[tilespmem:v5+s12+$0x0] =	vst.idx.msk $0xffff, v4  }
0x2a0: {  	v2 =	vadd.s32 v21, v34;
	v3 =	vld [tilespmem:s16+$0x1F70];
	[tilespmem:v7+s12+$0x0] =	vst.idx.msk $0xffff, v6  }
0x2a1: {  	v5 =	vor.u32 v27, v33;
	v4 =	vld [tilespmem:s16+$0x2580]  }
0x2a2: {  	v7 =	vadd.s32 v29, v33;
	v6 =	vld [tilespmem:s16+$0x2590];
	_ =	sdelay $0x1  }
0x2a3: {  	[tilespmem:v0+s12+$0x0] =	vst.idx.msk $0xffff, v1  }
0x2a4: {  	[tilespmem:v2+s12+$0x0] =	vst.idx.msk $0xffff, v3  }
0x2a5: {  	v0 =	vadd.s32 v27, v34;
	v1 =	vld [tilespmem:s16+$0x25A0];
	[tilespmem:v5+s12+$0x0] =	vst.idx.msk $0xffff, v4  }
0x2a6: {  	v2 =	vadd.s32 v29, v34;
	v3 =	vld [tilespmem:s16+$0x25B0];
	[tilespmem:v7+s12+$0x0] =	vst.idx.msk $0xffff, v6  }
0x2a7: {  	v5 =	vor.u32 v22, v33;
	v4 =	vld [tilespmem:s16+$0x2BC0]  }
0x2a8: {  	v7 =	vadd.s32 v24, v33;
	v6 =	vld [tilespmem:s16+$0x2BD0];
	_ =	sdelay $0x1  }
0x2a9: {  	s17 =	simm.s32 $0x40;
	[tilespmem:v0+s12+$0x0] =	vst.idx.msk $0xffff, v1  }
0x2aa: {  	v0 =	vmov s17;
	[tilespmem:v2+s12+$0x0] =	vst.idx.msk $0xffff, v3  }
0x2ab: {  	v1 =	vadd.s32 v22, v34;
	v0 =	vmul.u32 $0x18, v0;
	v2 =	vld [tilespmem:s16+$0x2BE0];
	[tilespmem:v5+s12+$0x0] =	vst.idx.msk $0xffff, v4  }
0x2ac: {  	v3 =	vadd.s32 v24, v34;
	v4 =	vld [tilespmem:s16+$0x2BF0];
	[tilespmem:v7+s12+$0x0] =	vst.idx.msk $0xffff, v6  }
0x2ad: {  	v41 =	vbroadcast v0, $0x0;
	v6 =	vor.u32 v31, v33;
	v5 =	vld [tilespmem:s16+$0x3200]  }
0x2ae: {  	s17 =	simm.s32 $0xD440;
	v7 =	vadd.s32 v59, v33;
	v0 =	vld [tilespmem:s16+$0x3210]  }
0x2af: {  	v8 =	vld [tilespmem:s17+$0x0];
	v9 =	vor.u32 v16, v41  }
0x2b0: {  	[tilespmem:v1+s12+$0x0] =	vst.idx.msk $0xffff, v2;
	v1 =	vld [tilespmem:s17+$0x10];
	v2 =	vadd.s32 v17, v41  }
0x2b1: {  	[tilespmem:v3+s12+$0x0] =	vst.idx.msk $0xffff, v4  }
0x2b2: {  	[tilespmem:v6+s12+$0x0] =	vst.idx.msk $0xffff, v5  }
0x2b3: {  	s7 =	simm.s32 $0x60;
	v4 =	vadd.s32 v31, v34;
	v3 =	vld [tilespmem:s16+$0x3220];
	[tilespmem:v7+s12+$0x0] =	vst.idx.msk $0xffff, v0  }
0x2b4: {  	[tilespmem:v9+s12+$0x0] =	vst.idx.msk $0xffff, v8;
	v0 =	vmov s7;
	v7 =	vor.u32 v51, v33;
	v6 =	vld [tilespmem:s16+$0x3840]  }
0x2b5: {  	v53 =	vadd.s32 v45, v33;
	v0 =	vmul.u32 $0x18, v0;
	v8 =	vld [tilespmem:s16+$0x3850];
	[tilespmem:v2+s12+$0x0] =	vst.idx.msk $0xffff, v1  }
0x2b6: {  	v2 =	vor.u32 v25, v41;
	v1 =	vld [tilespmem:s17+$0x640]  }
0x2b7: {  	v10 =	vadd.s32 v26, v41;
	v36 =	vbroadcast v0, $0x0;
	v0 =	vld [tilespmem:s17+$0x650]  }
0x2b8: {  	v11 =	vadd.s32 v59, v34;
	v5 =	vld [tilespmem:s16+$0x3230];
	[tilespmem:v4+s12+$0x0] =	vst.idx.msk $0xffff, v3  }
0x2b9: {  	v4 =	vld [tilespmem:s17+$0x20];
	v3 =	vadd.s32 v16, v36;
	[tilespmem:v7+s12+$0x0] =	vst.idx.msk $0xffff, v6  }
0x2ba: {  	v6 =	vadd.s32 v17, v36;
	v7 =	vld [tilespmem:s17+$0x30];
	[tilespmem:v53+s12+$0x0] =	vst.idx.msk $0xffff, v8  }
0x2bb: {  	v54 =	vor.u32 v57, v33;
	[tilespmem:v2+s12+$0x0] =	vst.idx.msk $0xffff, v1;
	v8 =	vld [tilespmem:s16+$0x3E80]  }
0x2bc: {  	v2 =	vadd.s32 v12, v33;
	v1 =	vld [tilespmem:s16+$0x3E90];
	[tilespmem:v10+s12+$0x0] =	vst.idx.msk $0xffff, v0  }
0x2bd: {  	[tilespmem:v11+s12+$0x0] =	vst.idx.msk $0xffff, v5;
	v5 =	vor.u32 v30, v41;
	v0 =	vld [tilespmem:s17+$0xC80]  }
0x2be: {  	[tilespmem:v3+s12+$0x0] =	vst.idx.msk $0xffff, v4;
	v3 =	vld [tilespmem:s17+$0xC90];
	v4 =	vadd.s32 v18, v41  }
0x2bf: {  	v55 =	vld [tilespmem:s16+$0x3860];
	[tilespmem:v6+s12+$0x0] =	vst.idx.msk $0xffff, v7  }
0x2c0: {  	v6 =	vadd.s32 v25, v36;
	v7 =	vld [tilespmem:s17+$0x660];
	[tilespmem:v54+s12+$0x0] =	vst.idx.msk $0xffff, v8  }
0x2c1: {  	v8 =	vadd.s32 v26, v36;
	[tilespmem:v2+s12+$0x0] =	vst.idx.msk $0xffff, v1;
	v1 =	vld [tilespmem:s17+$0x670]  }
0x2c2: {  	v56 =	vor.u32 v19, v33;
	[tilespmem:v5+s12+$0x0] =	vst.idx.msk $0xffff, v0;
	v2 =	vld [tilespmem:s16+$0x44C0]  }
0x2c3: {  	v5 =	vadd.s32 v58, v33;
	v0 =	vld [tilespmem:s16+$0x44D0];
	[tilespmem:v4+s12+$0x0] =	vst.idx.msk $0xffff, v3  }
0x2c4: {  	v4 =	vor.u32 v50, v41;
	v3 =	vld [tilespmem:s17+$0x12C0]  }
0x2c5: {  	[tilespmem:v6+s12+$0x0] =	vst.idx.msk $0xffff, v7;
	v6 =	vld [tilespmem:s17+$0x12D0];
	v7 =	vadd.s32 v15, v41  }
0x2c6: {  	v61 =	vadd.s32 v51, v34;
	v63 =	vld [tilespmem:s16+$0x3870];
	[tilespmem:v8+s12+$0x0] =	vst.idx.msk $0xffff, v1  }
0x2c7: {  	v1 =	vadd.s32 v30, v36;
	[tilespmem:v56+s12+$0x0] =	vst.idx.msk $0xffff, v2;
	v2 =	vld [tilespmem:s17+$0xCA0]  }
0x2c8: {  	v8 =	vadd.s32 v18, v36;
	[tilespmem:v5+s12+$0x0] =	vst.idx.msk $0xffff, v0;
	v0 =	vld [tilespmem:s17+$0xCB0]  }
0x2c9: {  	v13 =	vor.u32 v62, v33;
	[tilespmem:v4+s12+$0x0] =	vst.idx.msk $0xffff, v3;
	v5 =	vld [tilespmem:s16+$0x4B00]  }
0x2ca: {  	v4 =	vadd.s32 v60, v33;
	v3 =	vld [tilespmem:s16+$0x4B10];
	[tilespmem:v7+s12+$0x0] =	vst.idx.msk $0xffff, v6  }
0x2cb: {  	[tilespmem:v61+s12+$0x0] =	vst.idx.msk $0xffff, v55;
	v7 =	vor.u32 v23, v41;
	v6 =	vld [tilespmem:s17+$0x1900]  }
0x2cc: {  	[tilespmem:v1+s12+$0x0] =	vst.idx.msk $0xffff, v2;
	v1 =	vld [tilespmem:s17+$0x1910];
	v2 =	vadd.s32 v20, v41  }
0x2cd: {  	v32 =	vadd.s32 v45, v34;
	[tilespmem:v8+s12+$0x0] =	vst.idx.msk $0xffff, v0  }
0x2ce: {  	v0 =	vadd.s32 v50, v36;
	[tilespmem:v13+s12+$0x0] =	vst.idx.msk $0xffff, v5;
	v5 =	vld [tilespmem:s17+$0x12E0]  }
0x2cf: {  	v8 =	vadd.s32 v15, v36;
	[tilespmem:v4+s12+$0x0] =	vst.idx.msk $0xffff, v3;
	v3 =	vld [tilespmem:s17+$0x12F0]  }
0x2d0: {  	v35 =	vor.u32 v14, v33;
	[tilespmem:v7+s12+$0x0] =	vst.idx.msk $0xffff, v6;
	v4 =	vld [tilespmem:s16+$0x5140]  }
0x2d1: {  	v7 =	vadd.s32 v46, v33;
	v6 =	vld [tilespmem:s16+$0x5150];
	[tilespmem:v2+s12+$0x0] =	vst.idx.msk $0xffff, v1  }
0x2d2: {  	[tilespmem:v32+s12+$0x0] =	vst.idx.msk $0xffff, v63;
	v2 =	vor.u32 v28, v41;
	v1 =	vld [tilespmem:s17+$0x1F40]  }
0x2d3: {  	[tilespmem:v0+s12+$0x0] =	vst.idx.msk $0xffff, v5;
	v0 =	vld [tilespmem:s17+$0x1F50];
	v5 =	vadd.s32 v21, v41  }
0x2d4: {  	v10 =	vld [tilespmem:s16+$0x3EA0];
	[tilespmem:v8+s12+$0x0] =	vst.idx.msk $0xffff, v3  }
0x2d5: {  	v3 =	vadd.s32 v23, v36;
	[tilespmem:v35+s12+$0x0] =	vst.idx.msk $0xffff, v4;
	v4 =	vld [tilespmem:s17+$0x1920]  }
0x2d6: {  	v8 =	vadd.s32 v20, v36;
	[tilespmem:v7+s12+$0x0] =	vst.idx.msk $0xffff, v6;
	v6 =	vld [tilespmem:s17+$0x1930]  }
0x2d7: {  	v42 =	vmov v12;
	v37 =	vld [tilespmem:s16+$0x3EB0];
	v7 =	vadd.s32 v57, v34;
	[tilespmem:v2+s12+$0x0] =	vst.idx.msk $0xffff, v1  }
0x2d8: {  	v1 =	vadd.s32 v42, v34;
	v2 =	vld [tilespmem:s16+$0x5780];
	[tilespmem:v5+s12+$0x0] =	vst.idx.msk $0xffff, v0  }
0x2d9: {  	v5 =	vor.u32 v27, v41;
	v0 =	vld [tilespmem:s17+$0x2580]  }
0x2da: {  	[tilespmem:v3+s12+$0x0] =	vst.idx.msk $0xffff, v4;
	v3 =	vld [tilespmem:s17+$0x2590];
	v4 =	vadd.s32 v29, v41  }
0x2db: {  	v38 =	vor.u32 v47, v33;
	v43 =	vld [tilespmem:s16+$0x5790];
	[tilespmem:v8+s12+$0x0] =	vst.idx.msk $0xffff, v6  }
0x2dc: {  	v6 =	vadd.s32 v28, v36;
	[tilespmem:v7+s12+$0x0] =	vst.idx.msk $0xffff, v10;
	v7 =	vld [tilespmem:s17+$0x1F60]  }
0x2dd: {  	v8 =	vadd.s32 v21, v36;
	[tilespmem:v1+s12+$0x0] =	vst.idx.msk $0xffff, v37;
	v1 =	vld [tilespmem:s17+$0x1F70]  }
0x2de: {  	v44 =	vadd.s32 v19, v34;
	v10 =	vld [tilespmem:s16+$0x44E0];
	[tilespmem:v5+s12+$0x0] =	vst.idx.msk $0xffff, v0  }
0x2df: {  	v0 =	vadd.s32 v58, v34;
	v5 =	vld [tilespmem:s16+$0x44F0];
	[tilespmem:v4+s12+$0x0] =	vst.idx.msk $0xffff, v3  }
0x2e0: {  	[tilespmem:v38+s12+$0x0] =	vst.idx.msk $0xffff, v2;
	v3 =	vor.u32 v22, v41;
	v2 =	vld [tilespmem:s17+$0x2BC0]  }
0x2e1: {  	v4 =	vld [tilespmem:s17+$0x2BD0];
	[tilespmem:v6+s12+$0x0] =	vst.idx.msk $0xffff, v7;
	v6 =	vadd.s32 v24, v41  }
0x2e2: {  	v7 =	vadd.s32 v48, v33;
	[tilespmem:v8+s12+$0x0] =	vst.idx.msk $0xffff, v1  }
0x2e3: {  	v1 =	vadd.s32 v27, v36;
	[tilespmem:v44+s12+$0x0] =	vst.idx.msk $0xffff, v10;
	v8 =	vld [tilespmem:s17+$0x25A0]  }
0x2e4: {  	v49 =	vadd.s32 v29, v36;
	v52 =	vld [tilespmem:s17+$0x25B0];
	[tilespmem:v0+s12+$0x0] =	vst.idx.msk $0xffff, v5  }
0x2e5: {  	v0 =	vadd.s32 v62, v34;
	v5 =	vld [tilespmem:s16+$0x4B20];
	[tilespmem:v3+s12+$0x0] =	vst.idx.msk $0xffff, v2  }
0x2e6: {  	v2 =	vadd.s32 v60, v34;
	v3 =	vld [tilespmem:s16+$0x4B30];
	[tilespmem:v6+s12+$0x0] =	vst.idx.msk $0xffff, v4  }
0x2e7: {  	[tilespmem:v7+s12+$0x0] =	vst.idx.msk $0xffff, v43;
	v6 =	vor.u32 v31, v41;
	v4 =	vld [tilespmem:s17+$0x3200]  }
0x2e8: {  	s6 =	simm.s32 $0xD480;
	v7 =	vadd.s32 v59, v41;
	[tilespmem:v1+s12+$0x0] =	vst.idx.msk $0xffff, v8;
	v1 =	vld [tilespmem:s17+$0x3210]  }
0x2e9: {  	v13 =	vld [tilespmem:s6+$0x0];
	[tilespmem:v49+s12+$0x0] =	vst.idx.msk $0xffff, v52  }
0x2ea: {  	v8 =	vld [tilespmem:s16+$0x5DC0];
	[tilespmem:v0+s12+$0x0] =	vst.idx.msk $0xffff, v5  }
0x2eb: {  	v53 =	vadd.s32 v22, v36;
	v10 =	vld [tilespmem:s17+$0x2BE0];
	[tilespmem:v2+s12+$0x0] =	vst.idx.msk $0xffff, v3  }
0x2ec: {  	v0 =	vadd.s32 v24, v36;
	v5 =	vld [tilespmem:s17+$0x2BF0];
	[tilespmem:v6+s12+$0x0] =	vst.idx.msk $0xffff, v4  }
0x2ed: {  	s8 =	simm.s32 $0x80;
	v2 =	vld [tilespmem:s16+$0x5DD0];
	v3 =	vor.u32 v39, v33;
	[tilespmem:v7+s12+$0x0] =	vst.idx.msk $0xffff, v1  }
0x2ee: {  	v1 =	vmov s8;
	v7 =	vor.u32 v51, v41;
	v6 =	vld [tilespmem:s17+$0x3840]  }
0x2ef: {  	v55 =	vadd.s32 v45, v41;
	v1 =	vmul.u32 $0x18, v1;
	v54 =	vld [tilespmem:s17+$0x3850]  }
0x2f0: {  	v61 =	vadd.s32 v14, v34;
	v4 =	vld [tilespmem:s16+$0x5160];
	[tilespmem:v53+s12+$0x0] =	vst.idx.msk $0xffff, v10  }
0x2f1: {  	s14 =	simm.s32 $0xA0;
	[tilespmem:v0+s12+$0x0] =	vst.idx.msk $0xffff, v5;
	v0 =	vld [tilespmem:s16+$0x5170];
	v5 =	vadd.s32 v46, v34;
	v32 =	vbroadcast v1, $0x0  }
0x2f2: {  	[tilespmem:v3+s12+$0x0] =	vst.idx.msk $0xffff, v8;
	v8 =	vmov s14;
	v1 =	vadd.s32 v31, v36;
	v63 =	vld [tilespmem:s17+$0x3220]  }
0x2f3: {  	v38 =	vld [tilespmem:s6+$0x20];
	v8 =	vmul.u32 $0x18, v8;
	v37 =	vor.u32 v16, v32;
	[tilespmem:v7+s12+$0x0] =	vst.idx.msk $0xffff, v6  }
0x2f4: {  	v49 =	vmovc v22;
	v22 =	vmov v20;
	v20 =	vmov v57;
	v6 =	vld [tilespmem:s6+$0x10];
	v7 =	vadd.s32 v17, v32;
	[tilespmem:v55+s12+$0x0] =	vst.idx.msk $0xffff, v54  }
0x2f5: {  	[tilespmem:v61+s12+$0x0] =	vst.idx.msk $0xffff, v4;
	v43 =	vbroadcast v8, $0x0;
	v8 =	vor.u32 v20, v41;
	v4 =	vld [tilespmem:s17+$0x3E80]  }
0x2f6: {  	[tilespmem:v5+s12+$0x0] =	vst.idx.msk $0xffff, v0;
	v0 =	vld [tilespmem:s17+$0x3E90];
	v5 =	vadd.s32 v42, v41  }
0x2f7: {  	v3 =	vld [tilespmem:s17+$0x3230];
	[tilespmem:v1+s12+$0x0] =	vst.idx.msk $0xffff, v63;
	v1 =	vadd.s32 v16, v43  }
0x2f8: {  	v53 =	vld [tilespmem:s6+$0x30];
	v52 =	vadd.s32 v17, v43;
	[tilespmem:v37+s12+$0x0] =	vst.idx.msk $0xffff, v13  }
0x2f9: {  	v54 =	vadd.s32 v59, v36;
	[tilespmem:v7+s12+$0x0] =	vst.idx.msk $0xffff, v6  }
0x2fa: {  	v7 =	vor.u32 v25, v32;
	v6 =	vld [tilespmem:s6+$0x640];
	[tilespmem:v8+s12+$0x0] =	vst.idx.msk $0xffff, v4  }
0x2fb: {  	v4 =	vld [tilespmem:s6+$0x650];
	v8 =	vadd.s32 v26, v32;
	[tilespmem:v5+s12+$0x0] =	vst.idx.msk $0xffff, v0  }
0x2fc: {  	[tilespmem:v1+s12+$0x0] =	vst.idx.msk $0xffff, v38;
	v1 =	vor.u32 v19, v41;
	v0 =	vld [tilespmem:s17+$0x44C0]  }
0x2fd: {  	v56 =	vadd.s32 v58, v41;
	[tilespmem:v52+s12+$0x0] =	vst.idx.msk $0xffff, v53;
	v5 =	vld [tilespmem:s17+$0x44D0]  }
0x2fe: {  	[tilespmem:v54+s12+$0x0] =	vst.idx.msk $0xffff, v3;
	v3 =	vadd.s32 v25, v43;
	v10 =	vld [tilespmem:s6+$0x660]  }
0x2ff: {  	v61 =	vadd.s32 v26, v43;
	[tilespmem:v7+s12+$0x0] =	vst.idx.msk $0xffff, v6;
	v6 =	vld [tilespmem:s6+$0x670]  }
0x300: {  	v12 =	vld [tilespmem:s17+$0x3860];
	v7 =	vadd.s32 v40, v33;
	[tilespmem:v8+s12+$0x0] =	vst.idx.msk $0xffff, v4  }
0x301: {  	v8 =	vor.u32 v30, v32;
	v4 =	vld [tilespmem:s6+$0xC80];
	[tilespmem:v1+s12+$0x0] =	vst.idx.msk $0xffff, v0  }
0x302: {  	v0 =	vld [tilespmem:s6+$0xC90];
	v1 =	vadd.s32 v18, v32;
	[tilespmem:v56+s12+$0x0] =	vst.idx.msk $0xffff, v5  }
0x303: {  	[tilespmem:v3+s12+$0x0] =	vst.idx.msk $0xffff, v10;
	v5 =	vor.u32 v62, v41;
	v3 =	vld [tilespmem:s17+$0x4B00]  }
0x304: {  	v63 =	vadd.s32 v60, v41;
	[tilespmem:v61+s12+$0x0] =	vst.idx.msk $0xffff, v6;
	v6 =	vld [tilespmem:s17+$0x4B10]  }
0x305: {  	[tilespmem:v7+s12+$0x0] =	vst.idx.msk $0xffff, v2;
	v2 =	vadd.s32 v30, v43;
	v7 =	vld [tilespmem:s6+$0xCA0]  }
0x306: {  	v57 =	vmov v14;
	v14 =	vadd.s32 v18, v43;
	[tilespmem:v8+s12+$0x0] =	vst.idx.msk $0xffff, v4;
	v4 =	vld [tilespmem:s6+$0xCB0]  }
0x307: {  	v33 =	vld [tilespmem:s17+$0x3870];
	v8 =	vadd.s32 v51, v36;
	[tilespmem:v1+s12+$0x0] =	vst.idx.msk $0xffff, v0  }
0x308: {  	v1 =	vor.u32 v50, v32;
	v0 =	vld [tilespmem:s6+$0x12C0];
	[tilespmem:v5+s12+$0x0] =	vst.idx.msk $0xffff, v3  }
0x309: {  	v3 =	vld [tilespmem:s6+$0x12D0];
	v5 =	vadd.s32 v15, v32;
	[tilespmem:v63+s12+$0x0] =	vst.idx.msk $0xffff, v6  }
0x30a: {  	[tilespmem:v2+s12+$0x0] =	vst.idx.msk $0xffff, v7;
	v6 =	vor.u32 v57, v41;
	v2 =	vld [tilespmem:s17+$0x5140]  }
0x30b: {  	v7 =	vadd.s32 v46, v41;
	[tilespmem:v14+s12+$0x0] =	vst.idx.msk $0xffff, v4;
	v4 =	vld [tilespmem:s17+$0x5150]  }
0x30c: {  	v35 =	vadd.s32 v50, v43;
	[tilespmem:v8+s12+$0x0] =	vst.idx.msk $0xffff, v12;
	v8 =	vld [tilespmem:s6+$0x12E0]  }
0x30d: {  	v37 =	vadd.s32 v15, v43;
	[tilespmem:v1+s12+$0x0] =	vst.idx.msk $0xffff, v0;
	v0 =	vld [tilespmem:s6+$0x12F0]  }
0x30e: {  	v55 =	vld [tilespmem:s16+$0x57A0];
	v1 =	vadd.s32 v45, v36;
	[tilespmem:v5+s12+$0x0] =	vst.idx.msk $0xffff, v3  }
0x30f: {  	v5 =	vor.u32 v23, v32;
	v3 =	vld [tilespmem:s6+$0x1900];
	[tilespmem:v6+s12+$0x0] =	vst.idx.msk $0xffff, v2  }
0x310: {  	v2 =	vld [tilespmem:s6+$0x1910];
	v6 =	vadd.s32 v22, v32;
	[tilespmem:v7+s12+$0x0] =	vst.idx.msk $0xffff, v4  }
0x311: {  	[tilespmem:v35+s12+$0x0] =	vst.idx.msk $0xffff, v8;
	v7 =	vor.u32 v47, v41;
	v4 =	vld [tilespmem:s17+$0x5780]  }
0x312: {  	v8 =	vadd.s32 v48, v41;
	[tilespmem:v37+s12+$0x0] =	vst.idx.msk $0xffff, v0;
	v0 =	vld [tilespmem:s17+$0x5790]  }
0x313: {  	v38 =	vadd.s32 v23, v43;
	[tilespmem:v1+s12+$0x0] =	vst.idx.msk $0xffff, v33;
	v1 =	vld [tilespmem:s6+$0x1920]  }
0x314: {  	v50 =	vadd.s32 v22, v43;
	[tilespmem:v5+s12+$0x0] =	vst.idx.msk $0xffff, v3;
	v3 =	vld [tilespmem:s6+$0x1930]  }
0x315: {  	v12 =	vld [tilespmem:s16+$0x57B0];
	v5 =	vadd.s32 v47, v34;
	[tilespmem:v6+s12+$0x0] =	vst.idx.msk $0xffff, v2  }
0x316: {  	v6 =	vor.u32 v28, v32;
	v2 =	vld [tilespmem:s6+$0x1F40];
	[tilespmem:v7+s12+$0x0] =	vst.idx.msk $0xffff, v4  }
0x317: {  	v4 =	vld [tilespmem:s6+$0x1F50];
	v7 =	vadd.s32 v21, v32;
	[tilespmem:v8+s12+$0x0] =	vst.idx.msk $0xffff, v0  }
0x318: {  	v11 =	vld [tilespmem:s17+$0x3EA0];
	v0 =	vadd.s32 v20, v36;
	[tilespmem:v38+s12+$0x0] =	vst.idx.msk $0xffff, v1  }
0x319: {  	v8 =	vld [tilespmem:s17+$0x3EB0];
	v1 =	vadd.s32 v42, v36;
	[tilespmem:v50+s12+$0x0] =	vst.idx.msk $0xffff, v3  }
0x31a: {  	v3 =	vadd.s32 v28, v43;
	[tilespmem:v5+s12+$0x0] =	vst.idx.msk $0xffff, v55;
	v5 =	vld [tilespmem:s6+$0x1F60]  }
0x31b: {  	v53 =	vadd.s32 v21, v43;
	[tilespmem:v6+s12+$0x0] =	vst.idx.msk $0xffff, v2;
	v2 =	vld [tilespmem:s6+$0x1F70]  }
0x31c: {  	v52 =	vld [tilespmem:s17+$0x5DC0];
	v6 =	vor.u32 v39, v41;
	[tilespmem:v7+s12+$0x0] =	vst.idx.msk $0xffff, v4  }
0x31d: {  	v7 =	vor.u32 v27, v32;
	[tilespmem:v0+s12+$0x0] =	vst.idx.msk $0xffff, v11;
	v0 =	vld [tilespmem:s6+$0x2580]  }
0x31e: {  	[tilespmem:v1+s12+$0x0] =	vst.idx.msk $0xffff, v8;
	v1 =	vld [tilespmem:s6+$0x2590];
	v8 =	vadd.s32 v29, v32  }
0x31f: {  	[tilespmem:v3+s12+$0x0] =	vst.idx.msk $0xffff, v5  }
0x320: {  	v54 =	vadd.s32 v19, v36;
	v55 =	vld [tilespmem:s17+$0x44E0];
	[tilespmem:v53+s12+$0x0] =	vst.idx.msk $0xffff, v2  }
0x321: {  	v9 =	vadd.s32 v40, v41;
	v13 =	vld [tilespmem:s17+$0x5DD0];
	[tilespmem:v6+s12+$0x0] =	vst.idx.msk $0xffff, v52  }
0x322: {  	v44 =	vmov v60;
	v60 =	vadd.s32 v39, v34;
	v3 =	vadd.s32 v58, v36;
	v15 =	vld [tilespmem:s17+$0x44F0];
	[tilespmem:v7+s12+$0x0] =	vst.idx.msk $0xffff, v0  }
0x323: {  	v56 =	vadd.s32 v27, v43;
	v6 =	vld [tilespmem:s6+$0x25A0];
	[tilespmem:v8+s12+$0x0] =	vst.idx.msk $0xffff, v1;
	v1 =	vadd.s32 v48, v36  }
0x324: {  	v10 =	vadd.s32 v24, v43;
	v61 =	vadd.s32 v40, v34;
	v63 =	vadd.s32 v29, v43;
	v0 =	vld [tilespmem:s6+$0x25B0];
	[tilespmem:$0x1FD20] =	vst v1  }
0x325: {  	v4 =	vadd.s32 v48, v34;
	v8 =	vadd.s32 v39, v36;
	[tilespmem:v54+s12+$0x0] =	vst.idx.msk $0xffff, v55  }
0x326: {  	v22 =	vadd.s32 v46, v36;
	v35 =	vadd.s32 v40, v36;
	v7 =	vor.u32 v49, v32;
	v1 =	vld [tilespmem:s6+$0x2BC0];
	[tilespmem:$0x1FD30] =	vst v8  }
0x327: {  	v37 =	vadd.s32 v57, v36;
	v8 =	vadd.s32 v24, v32;
	[tilespmem:v3+s12+$0x0] =	vst.idx.msk $0xffff, v15;
	v3 =	vld [tilespmem:s6+$0x2BD0]  }
0x328: {  	v57 =	vadd.s32 v57, v43;
	v5 =	vadd.s32 v62, v36;
	[tilespmem:v56+s12+$0x0] =	vst.idx.msk $0xffff, v6;
	v6 =	vld [tilespmem:s17+$0x4B20]  }
0x329: {  	v38 =	vadd.s32 v47, v36;
	v2 =	vadd.s32 v44, v36;
	[tilespmem:v63+s12+$0x0] =	vst.idx.msk $0xffff, v0;
	v0 =	vld [tilespmem:s17+$0x4B30]  }
0x32a: {  	v50 =	vadd.s32 v20, v43;
	v36 =	vadd.s32 v49, v43;
	[tilespmem:v4+s12+$0x0] =	vst.idx.msk $0xffff, v12;
	v4 =	vld [tilespmem:s6+$0x2BE0]  }
0x32b: {  	v41 =	vmov v46;
	v46 =	vadd.s32 v62, v43;
	v52 =	vadd.s32 v51, v43;
	[tilespmem:v7+s12+$0x0] =	vst.idx.msk $0xffff, v1;
	v7 =	vld [tilespmem:s6+$0x2BF0]  }
0x32c: {  	v53 =	vadd.s32 v45, v43;
	v51 =	vadd.s32 v42, v43;
	v20 =	vld [tilespmem:s16+$0x5DE0];
	[tilespmem:v8+s12+$0x0] =	vst.idx.msk $0xffff, v3  }
0x32d: {  	v42 =	vmov v48;
	v48 =	vadd.s32 v19, v43;
	v63 =	vor.u32 v31, v32;
	v8 =	vld [tilespmem:s6+$0x3200];
	[tilespmem:v5+s12+$0x0] =	vst.idx.msk $0xffff, v6  }
0x32e: {  	v49 =	vadd.s32 v58, v43;
	v58 =	vadd.s32 v41, v43;
	v3 =	vld [tilespmem:s6+$0x3210];
	[tilespmem:v2+s12+$0x0] =	vst.idx.msk $0xffff, v0  }
0x32f: {  	v41 =	vadd.s32 v42, v43;
	v54 =	vadd.s32 v31, v43;
	[tilespmem:v36+s12+$0x0] =	vst.idx.msk $0xffff, v4;
	v1 =	vld [tilespmem:s17+$0x5160]  }
0x330: {  	v55 =	vadd.s32 v59, v43;
	v24 =	vadd.s32 v39, v43;
	[tilespmem:v10+s12+$0x0] =	vst.idx.msk $0xffff, v7;
	v0 =	vld [tilespmem:s17+$0x5170]  }
0x331: {  	v15 =	vmov v47;
	v47 =	vadd.s32 v44, v43;
	[tilespmem:v9+s12+$0x0] =	vst.idx.msk $0xffff, v13;
	v31 =	vadd.s32 v40, v43;
	v2 =	vld [tilespmem:s6+$0x3220]  }
0x332: {  	s7 =	simm.s32 $0x4;
	s8 =	simm.s32 $0xE0;
	v6 =	vadd.s32 v59, v32;
	v36 =	vadd.s32 v15, v43;
	v4 =	vld [tilespmem:s6+$0x3230];
	[tilespmem:v63+s12+$0x0] =	vst.idx.msk $0xffff, v8  }
.LBB2_9:
0x333: {  	[tilespmem:$0x1FD10] =	vst v31;
	v31 =	vld [tilespmem:$0x1FF60]  }
0x334: {  	v33 =	vld [tilespmem:$0x1FF20]  }
0x335: {  	v34 =	vld [tilespmem:$0x1FE50]  }
0x336: {  	v39 =	vmov v38;
	v38 =	vld [tilespmem:$0x1FE60]  }
0x337: {  	v5 =	vmov s8;
	v43 =	vld [tilespmem:$0x1FEE0]  }
0x338: {  	v45 =	vmov v36;
	v36 =	vld [tilespmem:$0x1FE70];
	v5 =	vmul.u32 $0x18, v5;
	[tilespmem:v6+s12+$0x0] =	vst.idx.msk $0xffff, v3  }
0x339: {  	v3 =	vld [tilespmem:s16+$0x5DF0];
	[tilespmem:v37+s12+$0x0] =	vst.idx.msk $0xffff, v1;
	v1 =	vmov v57  }
0x33a: {  	v40 =	vld [tilespmem:$0x1FE90];
	v5 =	vbroadcast v5, $0x0;
	[tilespmem:$0x1FD00] =	vst v1  }
0x33b: {  	v42 =	vld [tilespmem:$0x1FEB0];
	[tilespmem:v22+s12+$0x0] =	vst.idx.msk $0xffff, v0  }
0x33c: {  	v57 =	vld [tilespmem:$0x1FF30];
	v62 =	vadd.s32 v43, v5;
	[tilespmem:v54+s12+$0x0] =	vst.idx.msk $0xffff, v2  }
0x33d: {  	s14 =	sadd.s32 $0xFFFFFFE0, s8;
	v6 =	vld [tilespmem:s6+$0x3840];
	[tilespmem:$0x1FCD0] =	vst v62  }
0x33e: {  	v59 =	vadd.s32 v29, v5;
	v62 =	vld [tilespmem:$0x1FEF0];
	[tilespmem:$0x1FCF0] =	vst v3;
	v3 =	vmov s14  }
0x33f: {  	s16 =	smov.u32 s17;
	[tilespmem:$0x1FCA0] =	vst v59;
	v59 =	vld [tilespmem:$0x1FF90];
	v1 =	vmul.u32 $0x18, v3  }
0x340: {  	v7 =	vor.u32 v31, v32;
	v10 =	vld [tilespmem:s16+$0x57A0];
	[tilespmem:v55+s12+$0x0] =	vst.idx.msk $0xffff, v4  }
0x341: {  	v56 =	vadd.s32 v27, v5;
	v0 =	vbroadcast v1, $0x0;
	v1 =	vld [tilespmem:s16+$0x57B0]  }
0x342: {  	s17 =	smov.u32 s6;
	[tilespmem:$0x1FC90] =	vst v56;
	v56 =	vld [tilespmem:$0x1FF80]  }
0x343: {  	v9 =	vld [tilespmem:s17+$0x3860]  }
0x344: {  	[tilespmem:$0x1FC80] =	vst v41;
	v41 =	vmov v58;
	v8 =	vadd.s32 v33, v32;
	v3 =	vld [tilespmem:s6+$0x3850];
	s6 =	sadd.s32 $0x40, s6  }
0x345: {  	v58 =	vmov v30;
	v4 =	vadd.s32 v17, v5;
	v12 =	vld [tilespmem:s6+$0x0];
	[tilespmem:v7+s12+$0x0] =	vst.idx.msk $0xffff, v6;
	v13 =	vor.u32 v16, v0  }
0x346: {  	[tilespmem:$0x1FC70] =	vst v1;
	v1 =	vadd.s32 v16, v5;
	v16 =	vadd.s32 v17, v0;
	v17 =	vadd.s32 v30, v5;
	v30 =	vld [tilespmem:$0x1FFC0]  }
0x347: {  	v15 =	vld [tilespmem:s6+$0x10]  }
0x348: {  	[tilespmem:$0x1FCC0] =	vst v24;
	v24 =	vld [tilespmem:s6+$0x20]  }
0x349: {  	v37 =	vld [tilespmem:s6+$0x30];
	[tilespmem:v8+s12+$0x0] =	vst.idx.msk $0xffff, v3  }
0x34a: {  	[tilespmem:$0x1FCB0] =	vst v20;
	v8 =	vld [tilespmem:s17+$0x3E80]  }
0x34b: {  	v22 =	vld [tilespmem:s17+$0x3E90];
	[tilespmem:v13+s12+$0x0] =	vst.idx.msk $0xffff, v12;
	v20 =	vor.u32 v30, v32  }
0x34c: {  	v6 =	vadd.s32 v23, v5;
	v23 =	vadd.s32 v57, v32;
	v13 =	vld [tilespmem:s17+$0x3870];
	[tilespmem:v16+s12+$0x0] =	vst.idx.msk $0xffff, v15  }
0x34d: {  	[tilespmem:v1+s12+$0x0] =	vst.idx.msk $0xffff, v24;
	v15 =	vld [tilespmem:s6+$0x640]  }
0x34e: {  	[tilespmem:v4+s12+$0x0] =	vst.idx.msk $0xffff, v37;
	v4 =	vld [tilespmem:$0x1FFE0]  }
0x34f: {  	v16 =	vor.u32 v25, v0;
	v27 =	vld [tilespmem:s6+$0x660]  }
0x350: {  	[tilespmem:v20+s12+$0x0] =	vst.idx.msk $0xffff, v8;
	v8 =	vld [tilespmem:$0x1FFD0]  }
0x351: {  	v20 =	vld [tilespmem:s6+$0x650];
	[tilespmem:v23+s12+$0x0] =	vst.idx.msk $0xffff, v22  }
0x352: {  	v11 =	vadd.s32 v25, v5;
	v22 =	vld [tilespmem:s17+$0x44C0]  }
0x353: {  	v25 =	vadd.s32 v26, v0;
	[tilespmem:v52+s12+$0x0] =	vst.idx.msk $0xffff, v9;
	v24 =	vld [tilespmem:s17+$0x44D0]  }
0x354: {  	v14 =	vadd.s32 v26, v5;
	[tilespmem:v16+s12+$0x0] =	vst.idx.msk $0xffff, v15;
	v15 =	vld [tilespmem:s6+$0x670]  }
0x355: {  	v3 =	vadd.s32 v28, v5;
	v28 =	vadd.s32 v30, v5;
	v30 =	vld [tilespmem:$0x1FF40];
	v23 =	vor.u32 v8, v32  }
0x356: {  	v12 =	vadd.s32 v33, v5;
	v33 =	vld [tilespmem:$0x1FF70];
	v26 =	vadd.s32 v4, v32  }
0x357: {  	v37 =	vld [tilespmem:$0x1FFF0];
	[tilespmem:v11+s12+$0x0] =	vst.idx.msk $0xffff, v27  }
0x358: {  	v1 =	vadd.s32 v31, v5;
	v31 =	vld [tilespmem:$0x1FF50];
	[tilespmem:v25+s12+$0x0] =	vst.idx.msk $0xffff, v20  }
0x359: {  	v20 =	vor.u32 v58, v0;
	v16 =	vld [tilespmem:s6+$0xC80];
	[tilespmem:v14+s12+$0x0] =	vst.idx.msk $0xffff, v15  }
0x35a: {  	v52 =	vmov v1;
	v1 =	vadd.s32 v30, v5;
	v27 =	vadd.s32 v30, v32;
	v30 =	vld [tilespmem:s6+$0xCA0];
	[tilespmem:v23+s12+$0x0] =	vst.idx.msk $0xffff, v22  }
0x35b: {  	v23 =	vadd.s32 v34, v0;
	v22 =	vld [tilespmem:s6+$0xC90];
	[tilespmem:v26+s12+$0x0] =	vst.idx.msk $0xffff, v24  }
0x35c: {  	[tilespmem:v53+s12+$0x0] =	vst.idx.msk $0xffff, v13;
	v26 =	vor.u32 v37, v32;
	v25 =	vld [tilespmem:s17+$0x4B00]  }
0x35d: {  	v18 =	vadd.s32 v34, v5;
	v53 =	vmov v12;
	v12 =	vld [tilespmem:s6+$0xCB0]  }
0x35e: {  	v15 =	vld [tilespmem:s17+$0x4B10];
	[tilespmem:v20+s12+$0x0] =	vst.idx.msk $0xffff, v16  }
0x35f: {  	v13 =	vld [tilespmem:s17+$0x3EA0];
	[tilespmem:v17+s12+$0x0] =	vst.idx.msk $0xffff, v30  }
0x360: {  	v34 =	vmov v60;
	v60 =	vld [tilespmem:$0x1FFA0];
	[tilespmem:v23+s12+$0x0] =	vst.idx.msk $0xffff, v22  }
0x361: {  	v20 =	vor.u32 v38, v0;
	v16 =	vld [tilespmem:s6+$0x12C0];
	[tilespmem:v26+s12+$0x0] =	vst.idx.msk $0xffff, v25  }
0x362: {  	[tilespmem:v18+s12+$0x0] =	vst.idx.msk $0xffff, v12;
	v23 =	vadd.s32 v36, v0;
	v22 =	vld [tilespmem:s6+$0x12D0]  }
0x363: {  	v19 =	vadd.s32 v38, v5;
	v25 =	vld [tilespmem:s6+$0x12E0];
	[tilespmem:v39+s12+$0x0] =	vst.idx.msk $0xffff, v10  }
0x364: {  	v21 =	vadd.s32 v36, v5;
	[tilespmem:v27+s12+$0x0] =	vst.idx.msk $0xffff, v15;
	v10 =	vld [tilespmem:s6+$0x12F0]  }
0x365: {  	v15 =	vld [tilespmem:s17+$0x5140]  }
0x366: {  	v12 =	vld [tilespmem:s17+$0x5150];
	[tilespmem:v20+s12+$0x0] =	vst.idx.msk $0xffff, v16  }
0x367: {  	v9 =	vadd.s32 v8, v5;
	v17 =	vor.u32 v31, v32;
	[tilespmem:v23+s12+$0x0] =	vst.idx.msk $0xffff, v22;
	v23 =	vld [tilespmem:$0x1FE80]  }
0x368: {  	v8 =	vadd.s32 v4, v5;
	v4 =	vadd.s32 v37, v5;
	v16 =	vld [tilespmem:s17+$0x3EB0];
	[tilespmem:v19+s12+$0x0] =	vst.idx.msk $0xffff, v25  }
0x369: {  	v37 =	vmov v35;
	v35 =	vmov v61;
	v61 =	vld [tilespmem:$0x1FFB0];
	v18 =	vadd.s32 v59, v32;
	[tilespmem:v21+s12+$0x0] =	vst.idx.msk $0xffff, v10  }
0x36a: {  	v21 =	vld [tilespmem:s6+$0x1920];
	[tilespmem:v50+s12+$0x0] =	vst.idx.msk $0xffff, v13  }
0x36b: {  	v7 =	vadd.s32 v40, v5;
	v13 =	vld [tilespmem:s6+$0x1930]  }
0x36c: {  	v20 =	vld [tilespmem:s6+$0x1900];
	[tilespmem:v17+s12+$0x0] =	vst.idx.msk $0xffff, v15;
	v22 =	vor.u32 v23, v0  }
0x36d: {  	v17 =	vadd.s32 v40, v0;
	v15 =	vld [tilespmem:s6+$0x1910]  }
0x36e: {  	v50 =	vmov v28;
	v28 =	vld [tilespmem:$0x1FEA0];
	[tilespmem:v18+s12+$0x0] =	vst.idx.msk $0xffff, v12  }
0x36f: {  	v18 =	vor.u32 v60, v32;
	v12 =	vld [tilespmem:s17+$0x5780];
	[tilespmem:v6+s12+$0x0] =	vst.idx.msk $0xffff, v21  }
0x370: {  	v27 =	vld [tilespmem:$0x1FEC0];
	[tilespmem:v7+s12+$0x0] =	vst.idx.msk $0xffff, v13  }
0x371: {  	v40 =	vld [tilespmem:s17+$0x5790];
	[tilespmem:v22+s12+$0x0] =	vst.idx.msk $0xffff, v20  }
0x372: {  	v29 =	vadd.s32 v57, v5;
	v19 =	vadd.s32 v61, v32;
	v13 =	vld [tilespmem:$0x1FC70];
	[tilespmem:v17+s12+$0x0] =	vst.idx.msk $0xffff, v15  }
0x373: {  	v58 =	vadd.s32 v59, v5;
	v38 =	vmovc v45;
	v45 =	vor.u32 v33, v32;
	v59 =	vadd.s32 v56, v32;
	v15 =	vld [tilespmem:s6+$0x1F40]  }
0x374: {  	v32 =	vmov v0;
	v17 =	vor.u32 v28, v0;
	[tilespmem:v18+s12+$0x0] =	vst.idx.msk $0xffff, v12;
	v18 =	vadd.s32 v42, v0;
	v0 =	vld [tilespmem:s6+$0x1F60]  }
0x375: {  	[tilespmem:v51+s12+$0x0] =	vst.idx.msk $0xffff, v16;
	v51 =	vmov v29;
	v29 =	vld [tilespmem:$0x1FED0]  }
0x376: {  	v2 =	vadd.s32 v42, v5;
	v42 =	vld [tilespmem:$0x1FCA0]  }
0x377: {  	v12 =	vld [tilespmem:s6+$0x1F50];
	[tilespmem:v19+s12+$0x0] =	vst.idx.msk $0xffff, v40  }
0x378: {  	v6 =	vld [tilespmem:s17+$0x5DC0]  }
0x379: {  	v24 =	vadd.s32 v60, v5;
	v60 =	vld [tilespmem:s17+$0x44E0]  }
0x37a: {  	v7 =	vld [tilespmem:s17+$0x5DD0]  }
0x37b: {  	[tilespmem:v17+s12+$0x0] =	vst.idx.msk $0xffff, v15;
	v15 =	vld [tilespmem:s6+$0x1F70]  }
0x37c: {  	[tilespmem:v18+s12+$0x0] =	vst.idx.msk $0xffff, v12;
	v12 =	vld [tilespmem:$0x1FD20]  }
0x37d: {  	v17 =	vor.u32 v27, v32;
	v16 =	vld [tilespmem:s6+$0x2580];
	[tilespmem:v45+s12+$0x0] =	vst.idx.msk $0xffff, v6  }
0x37e: {  	v14 =	vadd.s32 v61, v5;
	v61 =	vadd.s32 v29, v32;
	[tilespmem:v3+s12+$0x0] =	vst.idx.msk $0xffff, v0;
	v6 =	vld [tilespmem:s6+$0x2590]  }
0x37f: {  	v40 =	vld [tilespmem:$0x1FC90];
	[tilespmem:v59+s12+$0x0] =	vst.idx.msk $0xffff, v7  }
0x380: {  	v0 =	vld [tilespmem:s17+$0x44F0];
	[tilespmem:v2+s12+$0x0] =	vst.idx.msk $0xffff, v15  }
0x381: {  	v2 =	vld [tilespmem:s6+$0x25A0];
	[tilespmem:v48+s12+$0x0] =	vst.idx.msk $0xffff, v60  }
0x382: {  	[tilespmem:v17+s12+$0x0] =	vst.idx.msk $0xffff, v16  }
0x383: {  	v3 =	vld [tilespmem:s6+$0x25B0];
	[tilespmem:v61+s12+$0x0] =	vst.idx.msk $0xffff, v6  }
0x384: {  	v7 =	vor.u32 v43, v32;
	v6 =	vld [tilespmem:s6+$0x2BC0]  }
0x385: {  	[tilespmem:v49+s12+$0x0] =	vst.idx.msk $0xffff, v0;
	v49 =	vmov v8;
	v8 =	vadd.s32 v62, v32;
	v0 =	vld [tilespmem:s6+$0x2BD0]  }
0x386: {  	[tilespmem:v12+s12+$0x0] =	vst.idx.msk $0xffff, v13  }
0x387: {  	[tilespmem:v40+s12+$0x0] =	vst.idx.msk $0xffff, v2  }
0x388: {  	v2 =	vld [tilespmem:s17+$0x4B20];
	[tilespmem:v42+s12+$0x0] =	vst.idx.msk $0xffff, v3  }
0x389: {  	v3 =	vld [tilespmem:$0x1FCB0];
	[tilespmem:v7+s12+$0x0] =	vst.idx.msk $0xffff, v6  }
0x38a: {  	[tilespmem:v8+s12+$0x0] =	vst.idx.msk $0xffff, v0;
	v0 =	vld [tilespmem:$0x1FCD0]  }
0x38b: {  	v44 =	vld [tilespmem:$0x1FF10]  }
0x38c: {  	v63 =	vadd.s32 v62, v5;
	v48 =	vmov v9;
	v9 =	vld [tilespmem:s17+$0x4B30]  }
0x38d: {  	[tilespmem:$0x1FCE0] =	vst v63;
	v43 =	vld [tilespmem:s6+$0x2BE0]  }
0x38e: {  	v63 =	vld [tilespmem:$0x1FF00];
	[tilespmem:v34+s12+$0x0] =	vst.idx.msk $0xffff, v3  }
0x38f: {  	v7 =	vld [tilespmem:s6+$0x2BF0]  }
0x390: {  	v20 =	vld [tilespmem:s16+$0x5DE0];
	[tilespmem:v46+s12+$0x0] =	vst.idx.msk $0xffff, v2  }
0x391: {  	v11 =	vadd.s32 v33, v5;
	v33 =	vld [tilespmem:$0x1FC80];
	[tilespmem:v47+s12+$0x0] =	vst.idx.msk $0xffff, v9  }
0x392: {  	[tilespmem:v0+s12+$0x0] =	vst.idx.msk $0xffff, v43;
	v0 =	vld [tilespmem:$0x1FCE0]  }
0x393: {  	v55 =	vadd.s32 v44, v5;
	v30 =	vld [tilespmem:$0x1FE40]  }
0x394: {  	v54 =	vadd.s32 v63, v5;
	v57 =	vadd.s32 v31, v5;
	v5 =	vadd.s32 v56, v5;
	v56 =	vld [tilespmem:$0x1FCC0]  }
0x395: {  	v26 =	vld [tilespmem:$0x1FE30]  }
0x396: {  	v25 =	vld [tilespmem:$0x1FE20]  }
0x397: {  	v8 =	vld [tilespmem:s6+$0x3200]  }
0x398: {  	v46 =	vmov v4;
	v4 =	vld [tilespmem:$0x1FCF0]  }
0x399: {  	v3 =	vld [tilespmem:$0x1FD30]  }
0x39a: {  	v47 =	vmov v1;
	v1 =	vld [tilespmem:s17+$0x5160];
	[tilespmem:v0+s12+$0x0] =	vst.idx.msk $0xffff, v7  }
0x39b: {  	v0 =	vld [tilespmem:s17+$0x5170]  }
0x39c: {  	s7 =	sadd.s32 $0x2, s7;
	v2 =	vld [tilespmem:s6+$0x3220]  }
0x39d: {  	p0 =	slt.u32 s7, $0x30;
	v59 =	vor.u32 v63, v32;
	[tilespmem:v35+s12+$0x0] =	vst.idx.msk $0xffff, v4;
	v4 =	vld [tilespmem:$0x1FD10]  }
.Ltmp8:
0x39e: {  	v17 =	vld [tilespmem:$0x1FE10];
	(pc) =	sbr.rel @p0 .LBB2_9-.Ltmp8, $4  }
0x39f: {  	v39 =	vmov v33;
	v16 =	vld [tilespmem:$0x1FE00]  }
0x3a0: {  	[tilespmem:$0x1FD20] =	vst v39;
	v61 =	vmov v37;
	v37 =	vld [tilespmem:$0x1FD00];
	v60 =	vmov v3;
	v3 =	vmov v56  }
0x3a1: {  	v36 =	vmov v24;
	v31 =	vmov v5;
	v24 =	vmov v11;
	[tilespmem:$0x1FD30] =	vst v3;
	v3 =	vld [tilespmem:s6+$0x3210]  }
0x3a2: {  	s8 =	sadd.s32 $0x40, s8;
	v22 =	vmovc v41;
	v41 =	vmov v14;
	v6 =	vadd.s32 v44, v32;
	[tilespmem:v59+s12+$0x0] =	vst.idx.msk $0xffff, v8;
	v35 =	vmov v4;
	v4 =	vld [tilespmem:s6+$0x3230]  }
0x3a3: {  	_ =	sdelay $0x3  }
0x3a4: {  	[tilespmem:v6+s12+$0x0] =	vst.idx.msk $0xffff, v3  }
0x3a5: {  	v15 =	vld [tilespmem:$0x1FF60]  }
0x3a6: {  	v7 =	vld [tilespmem:$0x1FF20];
	_ =	sdelay $0x3  }
0x3a7: {  	v3 =	vld [tilespmem:s6+$0x3840];
	v5 =	vor.u32 v15, v32  }
0x3a8: {  	v6 =	vld [tilespmem:s6+$0x3850];
	v7 =	vadd.s32 v7, v32;
	_ =	sdelay $0x2  }
0x3a9: {  	[tilespmem:v54+s12+$0x0] =	vst.idx.msk $0xffff, v2  }
0x3aa: {  	[tilespmem:v5+s12+$0x0] =	vst.idx.msk $0xffff, v3  }
0x3ab: {  	[tilespmem:v7+s12+$0x0] =	vst.idx.msk $0xffff, v6  }
0x3ac: {  	v18 =	vld [tilespmem:$0x1FFC0];
	[tilespmem:v55+s12+$0x0] =	vst.idx.msk $0xffff, v4  }
0x3ad: {  	v12 =	vld [tilespmem:$0x1FF30];
	_ =	sdelay $0x3  }
0x3ae: {  	v62 =	vld [tilespmem:s6+$0x3E80];
	v63 =	vor.u32 v18, v32  }
0x3af: {  	v9 =	vld [tilespmem:s6+$0x3E90];
	v10 =	vadd.s32 v12, v32  }
0x3b0: {  	v11 =	vld [tilespmem:s6+$0x3860];
	_ =	sdelay $0x2  }
0x3b1: {  	[tilespmem:v63+s12+$0x0] =	vst.idx.msk $0xffff, v62  }
0x3b2: {  	v33 =	vld [tilespmem:s6+$0x3870];
	[tilespmem:v10+s12+$0x0] =	vst.idx.msk $0xffff, v9  }
0x3b3: {  	v19 =	vld [tilespmem:$0x1FFD0];
	[tilespmem:v52+s12+$0x0] =	vst.idx.msk $0xffff, v11  }
0x3b4: {  	v10 =	vld [tilespmem:$0x1FFE0];
	_ =	sdelay $0x3  }
0x3b5: {  	v2 =	vld [tilespmem:s6+$0x44C0];
	v34 =	vor.u32 v19, v32  }
0x3b6: {  	v4 =	vld [tilespmem:s6+$0x44D0];
	[tilespmem:v53+s12+$0x0] =	vst.idx.msk $0xffff, v33;
	v39 =	vadd.s32 v10, v32  }
0x3b7: {  	v6 =	vld [tilespmem:s6+$0x3EA0];
	_ =	sdelay $0x2  }
0x3b8: {  	[tilespmem:v34+s12+$0x0] =	vst.idx.msk $0xffff, v2  }
0x3b9: {  	v7 =	vld [tilespmem:s6+$0x3EB0];
	[tilespmem:v39+s12+$0x0] =	vst.idx.msk $0xffff, v4  }
0x3ba: {  	v62 =	vld [tilespmem:$0x1FFF0];
	[tilespmem:v50+s12+$0x0] =	vst.idx.msk $0xffff, v6  }
0x3bb: {  	v13 =	vld [tilespmem:$0x1FF40];
	_ =	sdelay $0x3  }
0x3bc: {  	v2 =	vld [tilespmem:s6+$0x4B00];
	v40 =	vor.u32 v62, v32  }
0x3bd: {  	v4 =	vld [tilespmem:s6+$0x4B10];
	[tilespmem:v51+s12+$0x0] =	vst.idx.msk $0xffff, v7;
	v42 =	vadd.s32 v13, v32  }
0x3be: {  	v6 =	vld [tilespmem:s6+$0x44E0];
	_ =	sdelay $0x2  }
0x3bf: {  	[tilespmem:v40+s12+$0x0] =	vst.idx.msk $0xffff, v2  }
0x3c0: {  	v7 =	vld [tilespmem:s6+$0x44F0];
	[tilespmem:v42+s12+$0x0] =	vst.idx.msk $0xffff, v4  }
0x3c1: {  	v14 =	vld [tilespmem:$0x1FF50];
	[tilespmem:v48+s12+$0x0] =	vst.idx.msk $0xffff, v6  }
0x3c2: {  	v8 =	vld [tilespmem:$0x1FF90];
	_ =	sdelay $0x3  }
0x3c3: {  	v2 =	vld [tilespmem:s6+$0x5140];
	v43 =	vor.u32 v14, v32  }
0x3c4: {  	v4 =	vld [tilespmem:s6+$0x5150];
	[tilespmem:v49+s12+$0x0] =	vst.idx.msk $0xffff, v7;
	v44 =	vadd.s32 v8, v32  }
0x3c5: {  	v6 =	vld [tilespmem:s6+$0x4B20];
	_ =	sdelay $0x2  }
0x3c6: {  	[tilespmem:v43+s12+$0x0] =	vst.idx.msk $0xffff, v2  }
0x3c7: {  	v7 =	vld [tilespmem:s6+$0x4B30];
	[tilespmem:v44+s12+$0x0] =	vst.idx.msk $0xffff, v4  }
0x3c8: {  	v9 =	vld [tilespmem:$0x1FFA0];
	[tilespmem:v46+s12+$0x0] =	vst.idx.msk $0xffff, v6  }
0x3c9: {  	v48 =	vld [tilespmem:$0x1FFB0];
	_ =	sdelay $0x3  }
0x3ca: {  	v2 =	vld [tilespmem:s6+$0x5780];
	v45 =	vor.u32 v9, v32  }
0x3cb: {  	v4 =	vld [tilespmem:s6+$0x5790];
	v50 =	vadd.s32 v48, v32  }
0x3cc: {  	[tilespmem:v47+s12+$0x0] =	vst.idx.msk $0xffff, v7  }
0x3cd: {  	[tilespmem:v37+s12+$0x0] =	vst.idx.msk $0xffff, v1  }
0x3ce: {  	[tilespmem:v22+s12+$0x0] =	vst.idx.msk $0xffff, v0  }
0x3cf: {  	v6 =	vld [tilespmem:s6+$0x5160];
	[tilespmem:v45+s12+$0x0] =	vst.idx.msk $0xffff, v2  }
0x3d0: {  	v0 =	vld [tilespmem:s17+$0x57A0];
	[tilespmem:v50+s12+$0x0] =	vst.idx.msk $0xffff, v4  }
0x3d1: {  	v39 =	vld [tilespmem:$0x1FF70]  }
0x3d2: {  	v51 =	vld [tilespmem:s6+$0x5170];
	_ =	sdelay $0x2  }
0x3d3: {  	v53 =	vld [tilespmem:s17+$0x57B0];
	[tilespmem:v57+s12+$0x0] =	vst.idx.msk $0xffff, v6  }
0x3d4: {  	v2 =	vld [tilespmem:s6+$0x5DC0];
	[tilespmem:v38+s12+$0x0] =	vst.idx.msk $0xffff, v0;
	v52 =	vor.u32 v39, v32  }
0x3d5: {  	[tilespmem:v58+s12+$0x0] =	vst.idx.msk $0xffff, v51  }
0x3d6: {  	v40 =	vld [tilespmem:$0x1FF80]  }
0x3d7: {  	v55 =	vld [tilespmem:s6+$0x5DD0]  }
0x3d8: {  	v1 =	vld [tilespmem:s6+$0x57A0]  }
0x3d9: {  	v54 =	vld [tilespmem:s6+$0x57B0];
	[tilespmem:v52+s12+$0x0] =	vst.idx.msk $0xffff, v2  }
0x3da: {  	v3 =	vld [tilespmem:$0x1FD20]  }
0x3db: {  	v56 =	vadd.s32 v40, v32  }
0x3dc: {  	v57 =	vld [tilespmem:s16+$0x5DF0]  }
0x3dd: {  	[tilespmem:v36+s12+$0x0] =	vst.idx.msk $0xffff, v1  }
0x3de: {  	[tilespmem:v60+s12+$0x0] =	vst.idx.msk $0xffff, v20  }
0x3df: {  	[tilespmem:v41+s12+$0x0] =	vst.idx.msk $0xffff, v54  }
0x3e0: {  	[tilespmem:v56+s12+$0x0] =	vst.idx.msk $0xffff, v55  }
0x3e1: {  	[tilespmem:v61+s12+$0x0] =	vst.idx.msk $0xffff, v57  }
0x3e2: {  	[tilespmem:v3+s12+$0x0] =	vst.idx.msk $0xffff, v53  }
0x3e3: {  	v2 =	vld [tilespmem:$0x1FD30]  }
0x3e4: {  	v59 =	vld [tilespmem:s6+$0x5DE0]  }
0x3e5: {  	v63 =	vld [tilespmem:s6+$0x5DF0]  }
0x3e6: {  	v3 =	vld [tilespmem:s17+$0x5DE0]  }
0x3e7: {  	v58 =	vld [tilespmem:s17+$0x5DF0];
	_ =	sdelay $0x1  }
0x3e8: {  	s17 =	sshll.u32 s15, $0x4;
	[tilespmem:v24+s12+$0x0] =	vst.idx.msk $0xffff, v59  }
0x3e9: {  	s6 =	sadd.s32 s3, s17;
	[tilespmem:v31+s12+$0x0] =	vst.idx.msk $0xffff, v63  }
0x3ea: {  	v46 =	vmov v8;
	s6 =	sshrl.u32 s6, $0x3;
	[tilespmem:v2+s12+$0x0] =	vst.idx.msk $0xffff, v3  }
0x3eb: {  	s7 =	simm.s32 $0x0;
	v47 =	vmovc v9;
	v51 =	vmovc v15;
	v60 =	vmov v13;
	v57 =	vmov v18;
	s6 =	sadd.s32 s5, s6;
	[tilespmem:v35+s12+$0x0] =	vst.idx.msk $0xffff, v58;
	v58 =	vmov v10  }
.LBB2_11:
0x3ec: {  	p0 =	sne.s32 s7, $0x257A0  }
.Ltmp9:
0x3ed: {  	_ = 	snop;
	(pc) =	sbr.rel @p0 .LBB2_11-.Ltmp9, $4  }
0x3ee: {  	s8 =	sshra.s32 s7, $0x2  }
0x3ef: {  	s8 =	sadd.s32 $0x13800, s8  }
0x3f0: {  	[hbm4b:s6+s2] =	stream.linear.scatter [tilespmem:s8], [sflag:$0x3], $0x10, $0x38;
	[tilespmem:$0x1CE00] =	vst v63  }
0x3f1: {  	s7 =	sadd.s32 $0x60, s7;
	s6 =	sadd.s32 $0x800, s6  }
0x3f2: {  	v18 =	vld [tilespmem:$0x1FE50]  }
0x3f3: {  	v50 =	vld [tilespmem:$0x1FE60]  }
0x3f4: {  	v15 =	vld [tilespmem:$0x1FE70]  }
0x3f5: {  	v20 =	vld [tilespmem:$0x1FE90]  }
0x3f6: {  	v21 =	vld [tilespmem:$0x1FEB0]  }
.Ltmp10:
0x3f7: {  	v22 =	vld [tilespmem:$0x1FEE0];
	(pc) =	sbr.rel .LBB2_13-.Ltmp10, $4  }
0x3f8: {  	v24 =	vld [tilespmem:$0x1FEF0]  }
0x3f9: {  	v31 =	vld [tilespmem:$0x1FF00]  }
0x3fa: {  	v59 =	vld [tilespmem:$0x1FF10]  }
0x3fb: {  	s6 =	simm.s32 $0x3;
	v45 =	vld [tilespmem:$0x1FF20]  }
.LBB2_15:
0x3fc: {  	_ =	sfence.sel $0x180000  }
0x3fd: {  	[bflag:$0x0] =	sbarrier.arrive $0xFFFF  }
0x3fe: {  	_ =	strace $0x90000047  }
0x3ff: {  	s0 =	stileid.u32;
	[bflag:$0x2] =	sbarrier.arrive $0xFFFF  }
0x400: {  	p0 =	sne.s32 s0, $0x0;
	s0 =	rddreg [dreg:$0x2]  }
0x401: {  	s0 =	sadd.s32 @!p0 $0x100000, s0  }
0x402: {  	[sflag:s0] =	ssyncadd.tile.s32 @!p0 $0x1;
	_ =	shalt  }
.Lfunc_end2:
_tile_overlayer_lowered:
.L_overlay_start_2:
0x403: {  	(tag) =	ssettag $0x2  }
0x404: {  	s0 =	rddreg [dreg:$0x0];
	s2 =	stileid.u32  }
0x405: {  	s1 =	rddreg [dreg:$0x1];
	p0 =	sne.s32 s2, $0x0  }
0x406: {  	s3 =	rddreg [dreg:$0x2];
	[bflag:$0x3] =	sbarrier.arrive $0xFFFF;
	s2 =	simm.s32 @!p0 $0x1C03  }
0x407: {  	[timem:s3], [sflag:s2] =	dma.local @!p0 [hbm:s0], s1  }
0x408: {  	s0 =	simm.s32 @!p0 $0x3  }
0x409: {  	_ =	swait.ge @!p0 [sflag:s0], s1  }
0x40a: {  	s1 =	ssub.s32 @!p0 $0x0, s1;
	[sflag:s0] =	ssyncset.done @!p0 $0x0  }
0x40b: {  	[sflag:s0] =	ssyncadd.s32 @!p0 s1  }
0x40c: {  	[bflag:$0x3] =	sbarrier.arrive $0xFFFF  }
0x40d: {  	_ =	shalt  }

</sc_bundles>
